<compile_context>
chip_gen: v7x
topology: tpu7x:2x2x1
jax: 0.10.2.dev20260603
libtpu: 0.0.44.dev20260713+nightly
codegen_flags: <defaults>
</compile_context>

<pallas_src>
import functools

import jax
import jax.numpy as jnp
import numpy as np
from jax import lax
from jax.experimental import pallas as pl
from jax.experimental.pallas import tpu as pltpu
from jax.experimental.pallas import tpu_sc as plsc

N = 10000
E = 160000
D = 128
T = 2
R = 3
H = 8
DK = D // H

NB = 256
N_PAD = 10240
NJ = N_PAD // NB
EB = 64
NW = 32
E_PAD = 163840
EPW = E_PAD // NW
NBLK = EPW // EB
ROWS_PT = N_PAD // 16
DN_ROWS = N_PAD // 8
DROWS_PT = DN_ROWS // 16

_F32 = jnp.float32
_HIGH = jax.lax.Precision.HIGHEST


def _prep_body(x_ref, nt_ref, wq_ref, bq_ref, wk_ref, bk_ref, wv_ref, bv_ref,
               a_ref, m_ref, q_out, kr_out, mr_out):
    x = x_ref[:, :]
    m0 = nt_ref[:, :] == 0.0

    def tproj(w_ref, b_ref):
        p0 = jnp.dot(x, w_ref[0], precision=_HIGH) + b_ref[0:1, :]
        p1 = jnp.dot(x, w_ref[1], precision=_HIGH) + b_ref[1:2, :]
        return jnp.where(m0, p0, p1)

    q_out[:, :] = tproj(wq_ref, bq_ref)
    k = tproj(wk_ref, bk_ref)
    v = tproj(wv_ref, bv_ref)
    kr_out[:, :] = jnp.dot(k, a_ref[0], precision=_HIGH)
    mr_out[:, :] = jnp.dot(v, m_ref[0], precision=_HIGH)


def _edge_body(q_hbm, kr_hbm, mr_hbm, src_hbm, dst_hbm, et_hbm,
               aggr_out, den_out,
               src_v, dst_v, et_v, sidx_v, dstq_v, qrows, krows, mrows,
               wbufw, sem1, sem2, sem3,
               aggr_sh, den_shw):
    c = lax.axis_index("c")
    s = lax.axis_index("s")
    wid = c * 16 + s
    lane = lax.iota(jnp.int32, 16)
    xors = [lane ^ sh for sh in (8, 4, 2, 1)]

    def _allsum(vec):
        for xi in xors:
            vec = vec + vec.at[xi].get(mode="promise_in_bounds")
        return vec

    zeros16 = jnp.zeros((16,), _F32)

    def zrow(i, carry):
        for jj in range(8):
            qrows[i, pl.ds(jj * 16, 16)] = zeros16
            wbufw[i, pl.ds(jj * 16, 16)] = zeros16
        return carry
    lax.fori_loop(0, EB, zrow, 0)

    for chunk in range(ROWS_PT // EB):
        rb = s * ROWS_PT + chunk * EB
        pltpu.sync_copy(qrows, aggr_sh.at[pl.ds(rb, EB), :])
    pltpu.sync_copy(qrows, den_shw.at[pl.ds(s * DROWS_PT, EB), :])
    pltpu.sync_copy(qrows.at[pl.ds(0, DROWS_PT - EB), :],
                    den_shw.at[pl.ds(s * DROWS_PT + EB, DROWS_PT - EB), :])
    plsc.subcore_barrier()

    base_w = wid * EPW

    def blk(j, carry):
        bb = base_w + j * EB
        pltpu.sync_copy(src_hbm.at[pl.ds(bb, EB)], src_v)
        pltpu.sync_copy(dst_hbm.at[pl.ds(bb, EB)], dst_v)
        pltpu.sync_copy(et_hbm.at[pl.ds(bb, EB)], et_v)
        for ii in range(EB // 16):
            sl = pl.ds(ii * 16, 16)
            sidx_v[sl] = et_v[sl] * N_PAD + src_v[sl]
            dstq_v[sl] = lax.shift_right_logical(dst_v[sl], 3)
        for ii in range(EB // 16):
            sl = pl.ds(ii * 16, 16)
            et_v[sl] = dst_v[sl] & 7
        cp1 = pltpu.async_copy(q_hbm.at[dst_v], qrows, sem1)
        cp2 = pltpu.async_copy(kr_hbm.at[sidx_v], krows, sem2)
        cp3 = pltpu.async_copy(mr_hbm.at[sidx_v], mrows, sem3)
        cp1.wait()
        cp2.wait()
        cp3.wait()

        @plsc.parallel_loop(0, EB, unroll=4)
        def edge(e):
            att = zeros16
            for h in range(8):
                sl = pl.ds(h * 16, 16)
                dot = _allsum(qrows[e, sl] * krows[e, sl])
                att = jnp.where(lane == h, dot, att)
            w = jnp.exp(att)
            civ16 = et_v[pl.ds(e & -16, 16)]
            cif = civ16.at[jnp.broadcast_to(e & 15, (16,))].get(
                mode="promise_in_bounds").astype(_F32)
            for m in range(8):
                eqm = jnp.where(cif == np.float32(m), 1.0, 0.0)
                wbufw[e, pl.ds(m * 16, 16)] = w * eqm
            for h in range(8):
                sl = pl.ds(h * 16, 16)
                mrows[e, sl] = mrows[e, sl] * w[h]

        pltpu.sync_copy(mrows, aggr_sh.at[dst_v], add=True)
        pltpu.sync_copy(wbufw, den_shw.at[dstq_v], add=True)
        return carry
    lax.fori_loop(0, NBLK, blk, 0)

    plsc.subcore_barrier()
    for chunk in range(ROWS_PT // EB):
        rb = s * ROWS_PT + chunk * EB
        off = c * N_PAD + rb
        pltpu.sync_copy(aggr_sh.at[pl.ds(rb, EB), :], qrows)
        pltpu.sync_copy(qrows, aggr_out.at[pl.ds(off, EB), :])
    drb = s * DROWS_PT
    doff = c * DN_ROWS + drb
    pltpu.sync_copy(den_shw.at[pl.ds(drb, EB), :], qrows)
    pltpu.sync_copy(qrows, den_out.at[pl.ds(doff, EB), :])
    pltpu.sync_copy(den_shw.at[pl.ds(drb + EB, DROWS_PT - EB), :],
                    qrows.at[pl.ds(0, DROWS_PT - EB), :])
    pltpu.sync_copy(qrows.at[pl.ds(0, DROWS_PT - EB), :],
                    den_out.at[pl.ds(doff + EB, DROWS_PT - EB), :])


def _fin_body(aggra_ref, aggrb_ref, dena_ref, denb_ref, x_ref, nt_ref,
              wa_ref, ba_ref, skip_ref, lng_ref, lnb_ref, amat_ref, cmat_ref,
              b8_ref, out_ref):
    m0 = nt_ref[:, :] == 0.0
    dp = dena_ref[:, :] + denb_ref[:, :]
    xfull = jnp.dot(amat_ref[:, :], dp, precision=_HIGH)
    ri = lax.broadcasted_iota(jnp.int32, (NB, 1), 0) & 7
    den8 = jnp.zeros((NB, H), _F32)
    for m in range(8):
        fm = (ri == m).astype(_F32)
        den8 = den8 + jnp.dot(xfull, cmat_ref[m], precision=_HIGH) * fm
    den128 = jnp.dot(den8, b8_ref[:, :], precision=_HIGH) + 1e-16
    aggr = (aggra_ref[:, :] + aggrb_ref[:, :]) / den128
    hg = 0.5 * aggr * (1.0 + lax.erf(aggr * np.float32(1.0 / np.sqrt(2.0))))
    p0 = jnp.dot(hg, wa_ref[0], precision=_HIGH) + ba_ref[0:1, :]
    p1 = jnp.dot(hg, wa_ref[1], precision=_HIGH) + ba_ref[1:2, :]
    trans = jnp.where(m0, p0, p1)
    sg = jax.nn.sigmoid(skip_ref[:, :])
    a = jnp.where(m0, sg[0:1, 0:1], sg[0:1, 1:2])
    x = x_ref[:, :]
    pre = trans * a + x * (1.0 - a)
    mu = jnp.mean(pre, axis=1, keepdims=True)
    var = jnp.mean((pre - mu) ** 2, axis=1, keepdims=True)
    g = jnp.where(m0, lng_ref[0:1, :], lng_ref[1:2, :])
    b = jnp.where(m0, lnb_ref[0:1, :], lnb_ref[1:2, :])
    out_ref[:, :] = (pre - mu) * lax.rsqrt(var + 1e-5) * g + b


def kernel(meta_xs, node_type, edge_index, edge_type, edge_spatial,
           Wk, bk, Wq, bq, Wv, bv, Wa, ba,
           relation_pri, relation_att, relation_msg, skip, ln_g, ln_b):
    del edge_spatial

    x_pad = jnp.pad(meta_xs, ((0, N_PAD - N), (0, 0)))
    nt_f32 = jnp.pad(node_type.astype(_F32), (0, N_PAD - N)).reshape(N_PAD, 1)

    hidx = jnp.arange(H)
    scale = relation_pri / np.float32(np.sqrt(DK))
    A = (jnp.zeros((R, H, DK, H, DK), _F32)
         .at[:, hidx, :, hidx, :]
         .set((relation_att * scale[:, :, None, None]).transpose(1, 0, 2, 3))
         .reshape(R, D, D))
    M = (jnp.zeros((R, H, DK, H, DK), _F32)
         .at[:, hidx, :, hidx, :]
         .set(relation_msg.transpose(1, 0, 2, 3))
         .reshape(R, D, D))

    nblk = pl.BlockSpec((NB, 1), lambda j, r: (j, 0))
    xblk = pl.BlockSpec((NB, D), lambda j, r: (j, 0))
    wblk = pl.BlockSpec((T, D, D), lambda j, r: (0, 0, 0))
    bblk = pl.BlockSpec((T, D), lambda j, r: (0, 0))
    rblk = pl.BlockSpec((1, D, D), lambda j, r: (r, 0, 0))

    q_t, kr_t, mr_t = pl.pallas_call(
        _prep_body,
        grid=(NJ, R),
        in_specs=[xblk, nblk, wblk, bblk, wblk, bblk, wblk, bblk, rblk, rblk],
        out_specs=[
            pl.BlockSpec((NB, D), lambda j, r: (j, 0)),
            pl.BlockSpec((NB, D), lambda j, r: (r * NJ + j, 0)),
            pl.BlockSpec((NB, D), lambda j, r: (r * NJ + j, 0)),
        ],
        out_shape=[
            jax.ShapeDtypeStruct((N_PAD, D), _F32),
            jax.ShapeDtypeStruct((R * N_PAD, D), _F32),
            jax.ShapeDtypeStruct((R * N_PAD, D), _F32),
        ],
    )(x_pad, nt_f32, Wq, bq, Wk, bk, Wv, bv, A, M)

    pad_e = E_PAD - E
    src_p = jnp.concatenate([edge_index[0].astype(jnp.int32),
                             jnp.zeros((pad_e,), jnp.int32)])
    dst_p = jnp.concatenate([edge_index[1].astype(jnp.int32),
                             jnp.full((pad_e,), N_PAD - 1, jnp.int32)])
    et_p = jnp.concatenate([edge_type.astype(jnp.int32),
                            jnp.zeros((pad_e,), jnp.int32)])

    mesh = plsc.VectorSubcoreMesh(core_axis_name="c", subcore_axis_name="s")
    edge_fn = functools.partial(
        pl.kernel,
        out_type=[
            jax.ShapeDtypeStruct((2 * N_PAD, D), _F32),
            jax.ShapeDtypeStruct((2 * DN_ROWS, D), _F32),
        ],
        mesh=mesh,
        scratch_types=[
            pltpu.VMEM((EB,), jnp.int32),
            pltpu.VMEM((EB,), jnp.int32),
            pltpu.VMEM((EB,), jnp.int32),
            pltpu.VMEM((EB,), jnp.int32),
            pltpu.VMEM((EB,), jnp.int32),
            pltpu.VMEM((EB, D), _F32),
            pltpu.VMEM((EB, D), _F32),
            pltpu.VMEM((EB, D), _F32),
            pltpu.VMEM((EB, D), _F32),
            pltpu.SemaphoreType.DMA,
            pltpu.SemaphoreType.DMA,
            pltpu.SemaphoreType.DMA,
            pltpu.VMEM_SHARED((N_PAD, D), _F32),
            pltpu.VMEM_SHARED((DN_ROWS, D), _F32),
        ],
    )(_edge_body)
    aggr2, den2 = edge_fn(q_t, kr_t, mr_t, src_p, dst_p, et_p)

    b8 = jnp.kron(jnp.eye(H, dtype=_F32), jnp.ones((1, DK), _F32))
    amat = (jnp.arange(NB)[:, None] // 8 ==
            jnp.arange(NB // 8)[None, :]).astype(_F32)
    cmat = jnp.zeros((8, D, H), _F32).at[
        jnp.arange(8)[:, None], jnp.arange(8)[:, None] * 16 + jnp.arange(8)[None, :],
        jnp.arange(8)[None, :]].set(1.0)
    skip2 = skip.reshape(1, T)

    out_pad = pl.pallas_call(
        _fin_body,
        grid=(NJ,),
        in_specs=[
            pl.BlockSpec((NB, D), lambda j: (j, 0)),
            pl.BlockSpec((NB, D), lambda j: (NJ + j, 0)),
            pl.BlockSpec((NB // 8, D), lambda j: (j, 0)),
            pl.BlockSpec((NB // 8, D), lambda j: (NJ + j, 0)),
            pl.BlockSpec((NB, D), lambda j: (j, 0)),
            pl.BlockSpec((NB, 1), lambda j: (j, 0)),
            pl.BlockSpec((T, D, D), lambda j: (0, 0, 0)),
            pl.BlockSpec((T, D), lambda j: (0, 0)),
            pl.BlockSpec((1, T), lambda j: (0, 0)),
            pl.BlockSpec((T, D), lambda j: (0, 0)),
            pl.BlockSpec((T, D), lambda j: (0, 0)),
            pl.BlockSpec((NB, NB // 8), lambda j: (0, 0)),
            pl.BlockSpec((8, D, H), lambda j: (0, 0, 0)),
            pl.BlockSpec((H, D), lambda j: (0, 0)),
        ],
        out_specs=pl.BlockSpec((NB, D), lambda j: (j, 0)),
        out_shape=jax.ShapeDtypeStruct((N_PAD, D), _F32),
    )(aggr2, aggr2, den2, den2, x_pad, nt_f32, Wa, ba, skip2, ln_g, ln_b,
      amat, cmat, b8)

    return out_pad[:N, :]

# --- scband reference (transcript-rebuilt; emitter-appended) ---
"""Pipeline reference for scband-spatial-general-conv-36421322670216 (READ-ONLY COPY).

The authoritative reference and input builder live on the scoring server;
editing this copy changes nothing except your own understanding.
"""

import jax, jax.numpy as jnp
import numpy as np

N = 10000
E = 160000
D = 128
T = 2
R = 3
H = 8
DK = D // H


def setup_inputs(seed: int = 0) -> dict:
    key = jax.random.key(seed)
    ks = jax.random.split(key, 24)
    inp = {}
    inp['meta_xs'] = jax.random.normal(ks[0], (N, D), dtype=jnp.float32)
    inp['node_type'] = jax.random.randint(ks[1], (N,), 0, T)
    inp['edge_index'] = jax.random.randint(ks[2], (2, E), 0, N)
    inp['edge_type'] = jax.random.randint(ks[3], (E,), 0, R)
    inp['edge_spatial'] = jax.random.normal(ks[4], (E, 4), dtype=jnp.float32)
    s = 1.0 / np.sqrt(D)
    inp['Wk'] = jax.random.normal(ks[5], (T, D, D), dtype=jnp.float32) * s
    inp['bk'] = jnp.zeros((T, D), dtype=jnp.float32)
    inp['Wq'] = jax.random.normal(ks[6], (T, D, D), dtype=jnp.float32) * s
    inp['bq'] = jnp.zeros((T, D), dtype=jnp.float32)
    inp['Wv'] = jax.random.normal(ks[7], (T, D, D), dtype=jnp.float32) * s
    inp['bv'] = jnp.zeros((T, D), dtype=jnp.float32)
    inp['Wa'] = jax.random.normal(ks[8], (T, D, D), dtype=jnp.float32) * s
    inp['ba'] = jnp.zeros((T, D), dtype=jnp.float32)
    sdk = 1.0 / np.sqrt(DK)
    inp['relation_pri'] = jnp.ones((R, H), dtype=jnp.float32)
    inp['relation_att'] = jax.random.normal(ks[9], (R, H, DK, DK), dtype=jnp.float32) * sdk
    inp['relation_msg'] = jax.random.normal(ks[10], (R, H, DK, DK), dtype=jnp.float32) * sdk
    inp['skip'] = jnp.ones((T,), dtype=jnp.float32)
    inp['ln_g'] = jnp.ones((T, D), dtype=jnp.float32)
    inp['ln_b'] = jnp.zeros((T, D), dtype=jnp.float32)
    return inp


def _type_proj(x, node_type, W, b):
    # type-specific linear: out[n] = x[n] @ W[type[n]] + b[type[n]]
    all_p = jnp.einsum('nd,tde->nte', x, W) + b[None, :, :]
    return jnp.take_along_axis(all_p, node_type[:, None, None], axis=1)[:, 0, :]


def _apply_rel(vec, edge_type, rel_w):
    # vec: [E, H, DK]; rel_w: [R, H, DK, DK]; per-edge head-wise matmul by relation type
    out = jnp.zeros_like(vec)
    for r in range(rel_w.shape[0]):
        vr = jnp.einsum('ehd,hdf->ehf', vec, rel_w[r])
        out = jnp.where((edge_type == r)[:, None, None], vr, out)
    return out


def _forward(meta_xs, node_type, edge_index, edge_type, Wk, bk, Wq, bq, Wv, bv, Wa, ba, relation_pri, relation_att, relation_msg, skip, ln_g, ln_b):
    src = edge_index[0]  # j (source)
    dst = edge_index[1]  # i (target)
    k_node = _type_proj(meta_xs, node_type, Wk, bk)
    q_node = _type_proj(meta_xs, node_type, Wq, bq)
    v_node = _type_proj(meta_xs, node_type, Wv, bv)
    q = q_node[dst].reshape(E, H, DK)
    k0 = k_node[src].reshape(E, H, DK)
    v0 = v_node[src].reshape(E, H, DK)
    k = _apply_rel(k0, edge_type, relation_att)
    pri = relation_pri[edge_type]  # [E, H]
    att = (q * k).sum(axis=-1) * pri / np.sqrt(DK)
    # segment softmax over target nodes (torch_geometric softmax)
    m = jax.ops.segment_max(att, dst, num_segments=N)
    att = jnp.exp(att - m[dst])
    denom = jax.ops.segment_sum(att, dst, num_segments=N)
    alpha_e = att / (denom[dst] + 1e-16)
    msg = _apply_rel(v0, edge_type, relation_msg)
    res = (msg * alpha_e[:, :, None]).reshape(E, D)
    aggr = jax.ops.segment_sum(res, dst, num_segments=N)
    # update
    h = jax.nn.gelu(aggr, approximate=False)
    trans = _type_proj(h, node_type, Wa, ba)
    a = jax.nn.sigmoid(skip)[node_type][:, None]
    pre = trans * a + meta_xs * (1.0 - a)
    mu = pre.mean(axis=-1, keepdims=True)
    var = ((pre - mu) ** 2).mean(axis=-1, keepdims=True)
    out = (pre - mu) / jnp.sqrt(var + 1e-5) * ln_g[node_type] + ln_b[node_type]
    return out


def reference(meta_xs, node_type, edge_index, edge_type, edge_spatial, Wk, bk, Wq, bq, Wv, bv, Wa, ba, relation_pri, relation_att, relation_msg, skip, ln_g, ln_b):
    # edge_spatial unused because use_spatial_encoding=False
    return _forward(meta_xs, node_type, edge_index, edge_type, Wk, bk, Wq, bq, Wv, bv, Wa, ba, relation_pri, relation_att, relation_msg, skip, ln_g, ln_b)

if __name__ == "__main__":
    import jax
    _d = setup_inputs()
    print(jax.jit(kernel)(*tuple(_d.values())))

</pallas_src>

<mosaic_0001>
#map = affine_map<(d0, d1) -> (0, 0)>
#map1 = affine_map<(d0, d1) -> (0)>
module attributes {stable_mosaic.version = 14 : i64} {
  func.func @_edge_body(%arg0: i32, %arg1: i32, %arg2: memref<10240x128xf32, #tpu.memory_space<hbm>>, %arg3: memref<30720x128xf32, #tpu.memory_space<hbm>>, %arg4: memref<30720x128xf32, #tpu.memory_space<hbm>>, %arg5: memref<163840xi32, #tpu.memory_space<hbm>>, %arg6: memref<163840xi32, #tpu.memory_space<hbm>>, %arg7: memref<163840xi32, #tpu.memory_space<hbm>>, %arg8: memref<20480x128xf32, #tpu.memory_space<hbm>>, %arg9: memref<2560x128xf32, #tpu.memory_space<hbm>>, %arg10: memref<64xi32, #tpu.memory_space<vmem>>, %arg11: memref<64xi32, #tpu.memory_space<vmem>>, %arg12: memref<64xi32, #tpu.memory_space<vmem>>, %arg13: memref<64xi32, #tpu.memory_space<vmem>>, %arg14: memref<64xi32, #tpu.memory_space<vmem>>, %arg15: memref<64x128xf32, #tpu.memory_space<vmem>>, %arg16: memref<64x128xf32, #tpu.memory_space<vmem>>, %arg17: memref<64x128xf32, #tpu.memory_space<vmem>>, %arg18: memref<64x128xf32, #tpu.memory_space<vmem>>, %arg19: memref<!tpu.dma_semaphore, #tpu.memory_space<semaphore_mem>>, %arg20: memref<!tpu.dma_semaphore, #tpu.memory_space<semaphore_mem>>, %arg21: memref<!tpu.dma_semaphore, #tpu.memory_space<semaphore_mem>>, %arg22: memref<10240x128xf32, #tpu.memory_space<vmem_shared>>, %arg23: memref<1280x128xf32, #tpu.memory_space<vmem_shared>>) attributes {dimension_semantics = [#tpu.dimension_semantics<core_parallel>, #tpu.dimension_semantics<subcore_parallel>], iteration_bounds = array<i64: 2, 16>, scalar_prefetch = 0 : i64, scratch_operands = 14 : i64, tpu.core_type = #tpu.core_type<sc_vector_subcore>, window_params = [{transform_indices = #map}, {transform_indices = #map}, {transform_indices = #map}, {transform_indices = #map1}, {transform_indices = #map1}, {transform_indices = #map1}, {transform_indices = #map}, {transform_indices = #map}]} {
    %mul3A = arith.constant 16 : i32
    %mul3A_0 = arith.muli %arg0, %mul3A : i32
    %add3A = arith.addi %mul3A_0, %arg1 : i32
    %iota3A = tpu.iota {dimensions = array<i32: 0>} : vector<16xi32>
    %xor3A = arith.constant 8 : i32
    %xor3A_1 = vector.broadcast %xor3A : i32 to vector<16xi32>
    %xor3A_2 = arith.xori %iota3A, %xor3A_1 : vector<16xi32>
    %xor3A_3 = arith.constant 4 : i32
    %xor3A_4 = vector.broadcast %xor3A_3 : i32 to vector<16xi32>
    %xor3A_5 = arith.xori %iota3A, %xor3A_4 : vector<16xi32>
    %xor3A_6 = arith.constant 2 : i32
    %xor3A_7 = vector.broadcast %xor3A_6 : i32 to vector<16xi32>
    %xor3A_8 = arith.xori %iota3A, %xor3A_7 : vector<16xi32>
    %xor3A_9 = arith.constant 1 : i32
    %xor3A_10 = vector.broadcast %xor3A_9 : i32 to vector<16xi32>
    %xor3A_11 = arith.xori %iota3A, %xor3A_10 : vector<16xi32>
    %broadcast_in_dim3A = arith.constant 0.000000e+00 : f32
    %broadcast_in_dim3A_12 = vector.broadcast %broadcast_in_dim3A : f32 to vector<16xf32>
    %scan3A = arith.constant 0 : i32
    %scan3A_13 = arith.constant 0 : i32
    %scan3A_14 = arith.constant 64 : i32
    %scan3A_15 = arith.addi %scan3A_13, %scan3A_14 : i32
    %scan3A_16 = arith.constant 1 : i32
    scf.for %scan3A_152 = %scan3A_13 to %scan3A_15 step %scan3A_16  : i32 {
      %swap3A = arith.index_cast %scan3A_152 : i32 to index
      %swap3A_153 = arith.constant 0 : index
      %swap3A_154 = tpu.vector_load %arg15[%swap3A, %swap3A_153] {strides = array<i32>} : memref<64x128xf32, #tpu.memory_space<vmem>>, vector<1x16xf32>,
      %swap3A_155 = vector.shape_cast %swap3A_154 : vector<1x16xf32> to vector<16xf32>
      %swap3A_156 = vector.shape_cast %broadcast_in_dim3A_12 : vector<16xf32> to vector<1x16xf32>
      tpu.vector_store %arg15[%swap3A, %swap3A_153], %swap3A_156 {strides = array<i32>} : memref<64x128xf32, #tpu.memory_space<vmem>>, vector<1x16xf32>,
      %swap3A_157 = arith.index_cast %scan3A_152 : i32 to index
      %swap3A_158 = arith.constant 0 : index
      %swap3A_159 = tpu.vector_load %arg18[%swap3A_157, %swap3A_158] {strides = array<i32>} : memref<64x128xf32, #tpu.memory_space<vmem>>, vector<1x16xf32>,
      %swap3A_160 = vector.shape_cast %swap3A_159 : vector<1x16xf32> to vector<16xf32>
      %swap3A_161 = vector.shape_cast %broadcast_in_dim3A_12 : vector<16xf32> to vector<1x16xf32>
      tpu.vector_store %arg18[%swap3A_157, %swap3A_158], %swap3A_161 {strides = array<i32>} : memref<64x128xf32, #tpu.memory_space<vmem>>, vector<1x16xf32>,
      %swap3A_162 = arith.index_cast %scan3A_152 : i32 to index
      %swap3A_163 = arith.constant 16 : index
      %swap3A_164 = tpu.vector_load %arg15[%swap3A_162, %swap3A_163] {strides = array<i32>} : memref<64x128xf32, #tpu.memory_space<vmem>>, vector<1x16xf32>,
      %swap3A_165 = vector.shape_cast %swap3A_164 : vector<1x16xf32> to vector<16xf32>
      %swap3A_166 = vector.shape_cast %broadcast_in_dim3A_12 : vector<16xf32> to vector<1x16xf32>
      tpu.vector_store %arg15[%swap3A_162, %swap3A_163], %swap3A_166 {strides = array<i32>} : memref<64x128xf32, #tpu.memory_space<vmem>>, vector<1x16xf32>,
      %swap3A_167 = arith.index_cast %scan3A_152 : i32 to index
      %swap3A_168 = arith.constant 16 : index
      %swap3A_169 = tpu.vector_load %arg18[%swap3A_167, %swap3A_168] {strides = array<i32>} : memref<64x128xf32, #tpu.memory_space<vmem>>, vector<1x16xf32>,
      %swap3A_170 = vector.shape_cast %swap3A_169 : vector<1x16xf32> to vector<16xf32>
      %swap3A_171 = vector.shape_cast %broadcast_in_dim3A_12 : vector<16xf32> to vector<1x16xf32>
      tpu.vector_store %arg18[%swap3A_167, %swap3A_168], %swap3A_171 {strides = array<i32>} : memref<64x128xf32, #tpu.memory_space<vmem>>, vector<1x16xf32>,
      %swap3A_172 = arith.index_cast %scan3A_152 : i32 to index
      %swap3A_173 = arith.constant 32 : index
      %swap3A_174 = tpu.vector_load %arg15[%swap3A_172, %swap3A_173] {strides = array<i32>} : memref<64x128xf32, #tpu.memory_space<vmem>>, vector<1x16xf32>,
      %swap3A_175 = vector.shape_cast %swap3A_174 : vector<1x16xf32> to vector<16xf32>
      %swap3A_176 = vector.shape_cast %broadcast_in_dim3A_12 : vector<16xf32> to vector<1x16xf32>
      tpu.vector_store %arg15[%swap3A_172, %swap3A_173], %swap3A_176 {strides = array<i32>} : memref<64x128xf32, #tpu.memory_space<vmem>>, vector<1x16xf32>,
      %swap3A_177 = arith.index_cast %scan3A_152 : i32 to index
      %swap3A_178 = arith.constant 32 : index
      %swap3A_179 = tpu.vector_load %arg18[%swap3A_177, %swap3A_178] {strides = array<i32>} : memref<64x128xf32, #tpu.memory_space<vmem>>, vector<1x16xf32>,
      %swap3A_180 = vector.shape_cast %swap3A_179 : vector<1x16xf32> to vector<16xf32>
      %swap3A_181 = vector.shape_cast %broadcast_in_dim3A_12 : vector<16xf32> to vector<1x16xf32>
      tpu.vector_store %arg18[%swap3A_177, %swap3A_178], %swap3A_181 {strides = array<i32>} : memref<64x128xf32, #tpu.memory_space<vmem>>, vector<1x16xf32>,
      %swap3A_182 = arith.index_cast %scan3A_152 : i32 to index
      %swap3A_183 = arith.constant 48 : index
      %swap3A_184 = tpu.vector_load %arg15[%swap3A_182, %swap3A_183] {strides = array<i32>} : memref<64x128xf32, #tpu.memory_space<vmem>>, vector<1x16xf32>,
      %swap3A_185 = vector.shape_cast %swap3A_184 : vector<1x16xf32> to vector<16xf32>
      %swap3A_186 = vector.shape_cast %broadcast_in_dim3A_12 : vector<16xf32> to vector<1x16xf32>
      tpu.vector_store %arg15[%swap3A_182, %swap3A_183], %swap3A_186 {strides = array<i32>} : memref<64x128xf32, #tpu.memory_space<vmem>>, vector<1x16xf32>,
      %swap3A_187 = arith.index_cast %scan3A_152 : i32 to index
      %swap3A_188 = arith.constant 48 : index
      %swap3A_189 = tpu.vector_load %arg18[%swap3A_187, %swap3A_188] {strides = array<i32>} : memref<64x128xf32, #tpu.memory_space<vmem>>, vector<1x16xf32>,
      %swap3A_190 = vector.shape_cast %swap3A_189 : vector<1x16xf32> to vector<16xf32>
      %swap3A_191 = vector.shape_cast %broadcast_in_dim3A_12 : vector<16xf32> to vector<1x16xf32>
      tpu.vector_store %arg18[%swap3A_187, %swap3A_188], %swap3A_191 {strides = array<i32>} : memref<64x128xf32, #tpu.memory_space<vmem>>, vector<1x16xf32>,
      %swap3A_192 = arith.index_cast %scan3A_152 : i32 to index
      %swap3A_193 = arith.constant 64 : index
      %swap3A_194 = tpu.vector_load %arg15[%swap3A_192, %swap3A_193] {strides = array<i32>} : memref<64x128xf32, #tpu.memory_space<vmem>>, vector<1x16xf32>,
      %swap3A_195 = vector.shape_cast %swap3A_194 : vector<1x16xf32> to vector<16xf32>
      %swap3A_196 = vector.shape_cast %broadcast_in_dim3A_12 : vector<16xf32> to vector<1x16xf32>
      tpu.vector_store %arg15[%swap3A_192, %swap3A_193], %swap3A_196 {strides = array<i32>} : memref<64x128xf32, #tpu.memory_space<vmem>>, vector<1x16xf32>,
      %swap3A_197 = arith.index_cast %scan3A_152 : i32 to index
      %swap3A_198 = arith.constant 64 : index
      %swap3A_199 = tpu.vector_load %arg18[%swap3A_197, %swap3A_198] {strides = array<i32>} : memref<64x128xf32, #tpu.memory_space<vmem>>, vector<1x16xf32>,
      %swap3A_200 = vector.shape_cast %swap3A_199 : vector<1x16xf32> to vector<16xf32>
      %swap3A_201 = vector.shape_cast %broadcast_in_dim3A_12 : vector<16xf32> to vector<1x16xf32>
      tpu.vector_store %arg18[%swap3A_197, %swap3A_198], %swap3A_201 {strides = array<i32>} : memref<64x128xf32, #tpu.memory_space<vmem>>, vector<1x16xf32>,
      %swap3A_202 = arith.index_cast %scan3A_152 : i32 to index
      %swap3A_203 = arith.constant 80 : index
      %swap3A_204 = tpu.vector_load %arg15[%swap3A_202, %swap3A_203] {strides = array<i32>} : memref<64x128xf32, #tpu.memory_space<vmem>>, vector<1x16xf32>,
      %swap3A_205 = vector.shape_cast %swap3A_204 : vector<1x16xf32> to vector<16xf32>
      %swap3A_206 = vector.shape_cast %broadcast_in_dim3A_12 : vector<16xf32> to vector<1x16xf32>
      tpu.vector_store %arg15[%swap3A_202, %swap3A_203], %swap3A_206 {strides = array<i32>} : memref<64x128xf32, #tpu.memory_space<vmem>>, vector<1x16xf32>,
      %swap3A_207 = arith.index_cast %scan3A_152 : i32 to index
      %swap3A_208 = arith.constant 80 : index
      %swap3A_209 = tpu.vector_load %arg18[%swap3A_207, %swap3A_208] {strides = array<i32>} : memref<64x128xf32, #tpu.memory_space<vmem>>, vector<1x16xf32>,
      %swap3A_210 = vector.shape_cast %swap3A_209 : vector<1x16xf32> to vector<16xf32>
      %swap3A_211 = vector.shape_cast %broadcast_in_dim3A_12 : vector<16xf32> to vector<1x16xf32>
      tpu.vector_store %arg18[%swap3A_207, %swap3A_208], %swap3A_211 {strides = array<i32>} : memref<64x128xf32, #tpu.memory_space<vmem>>, vector<1x16xf32>,
      %swap3A_212 = arith.index_cast %scan3A_152 : i32 to index
      %swap3A_213 = arith.constant 96 : index
      %swap3A_214 = tpu.vector_load %arg15[%swap3A_212, %swap3A_213] {strides = array<i32>} : memref<64x128xf32, #tpu.memory_space<vmem>>, vector<1x16xf32>,
      %swap3A_215 = vector.shape_cast %swap3A_214 : vector<1x16xf32> to vector<16xf32>
      %swap3A_216 = vector.shape_cast %broadcast_in_dim3A_12 : vector<16xf32> to vector<1x16xf32>
      tpu.vector_store %arg15[%swap3A_212, %swap3A_213], %swap3A_216 {strides = array<i32>} : memref<64x128xf32, #tpu.memory_space<vmem>>, vector<1x16xf32>,
      %swap3A_217 = arith.index_cast %scan3A_152 : i32 to index
      %swap3A_218 = arith.constant 96 : index
      %swap3A_219 = tpu.vector_load %arg18[%swap3A_217, %swap3A_218] {strides = array<i32>} : memref<64x128xf32, #tpu.memory_space<vmem>>, vector<1x16xf32>,
      %swap3A_220 = vector.shape_cast %swap3A_219 : vector<1x16xf32> to vector<16xf32>
      %swap3A_221 = vector.shape_cast %broadcast_in_dim3A_12 : vector<16xf32> to vector<1x16xf32>
      tpu.vector_store %arg18[%swap3A_217, %swap3A_218], %swap3A_221 {strides = array<i32>} : memref<64x128xf32, #tpu.memory_space<vmem>>, vector<1x16xf32>,
      %swap3A_222 = arith.index_cast %scan3A_152 : i32 to index
      %swap3A_223 = arith.constant 112 : index
      %swap3A_224 = tpu.vector_load %arg15[%swap3A_222, %swap3A_223] {strides = array<i32>} : memref<64x128xf32, #tpu.memory_space<vmem>>, vector<1x16xf32>,
      %swap3A_225 = vector.shape_cast %swap3A_224 : vector<1x16xf32> to vector<16xf32>
      %swap3A_226 = vector.shape_cast %broadcast_in_dim3A_12 : vector<16xf32> to vector<1x16xf32>
      tpu.vector_store %arg15[%swap3A_222, %swap3A_223], %swap3A_226 {strides = array<i32>} : memref<64x128xf32, #tpu.memory_space<vmem>>, vector<1x16xf32>,
      %swap3A_227 = arith.index_cast %scan3A_152 : i32 to index
      %swap3A_228 = arith.constant 112 : index
      %swap3A_229 = tpu.vector_load %arg18[%swap3A_227, %swap3A_228] {strides = array<i32>} : memref<64x128xf32, #tpu.memory_space<vmem>>, vector<1x16xf32>,
      %swap3A_230 = vector.shape_cast %swap3A_229 : vector<1x16xf32> to vector<16xf32>
      %swap3A_231 = vector.shape_cast %broadcast_in_dim3A_12 : vector<16xf32> to vector<1x16xf32>
      tpu.vector_store %arg18[%swap3A_227, %swap3A_228], %swap3A_231 {strides = array<i32>} : memref<64x128xf32, #tpu.memory_space<vmem>>, vector<1x16xf32>,
    }
    %scan3A_17 = arith.constant 64 : i32
    %mul3A_18 = arith.constant 640 : i32
    %mul3A_19 = arith.muli %arg1, %mul3A_18 : i32
    %add3A_20 = arith.constant 0 : i32
    %add3A_21 = arith.addi %mul3A_19, %add3A_20 : i32
    "tpu.region"() ({
      %run_scoped3A = tpu.sem_alloc : memref<!tpu.dma_semaphore, #tpu.memory_space<semaphore_mem>>
      %dma_start3A = arith.constant 0 : i32
      %dma_start3A_152 = tpu.memref_slice %arg22[%add3A_21, %dma_start3A] : memref<10240x128xf32, #tpu.memory_space<vmem_shared>> -> memref<64x128xf32, #tpu.memory_space<vmem_shared>>
      %dma_start3A_153 = arith.constant 0 : i32
      %dma_start3A_154 = tpu.memref_slice %arg22[%add3A_21, %dma_start3A_153] : memref<10240x128xf32, #tpu.memory_space<vmem_shared>> -> memref<64x128xf32, #tpu.memory_space<vmem_shared>>
      tpu.enqueue_dma source(%arg15 : memref<64x128xf32, #tpu.memory_space<vmem>>) target(%dma_start3A_154 : memref<64x128xf32, #tpu.memory_space<vmem_shared>>) target_semaphore(%run_scoped3A : memref<!tpu.dma_semaphore, #tpu.memory_space<semaphore_mem>>)
      %dma_wait3A = arith.constant 0 : i32
      %dma_wait3A_155 = tpu.memref_slice %arg22[%add3A_21, %dma_wait3A] : memref<10240x128xf32, #tpu.memory_space<vmem_shared>> -> memref<64x128xf32, #tpu.memory_space<vmem_shared>>
      %dma_wait3A_156 = arith.constant 0 : i32
      %dma_wait3A_157 = tpu.memref_slice %arg22[%add3A_21, %dma_wait3A_156] : memref<10240x128xf32, #tpu.memory_space<vmem_shared>> -> memref<64x128xf32, #tpu.memory_space<vmem_shared>>
      tpu.wait_dma2 semaphore(%run_scoped3A : memref<!tpu.dma_semaphore, #tpu.memory_space<semaphore_mem>>) src(%arg15 : memref<64x128xf32, #tpu.memory_space<vmem>>) dst(%dma_wait3A_157 : memref<64x128xf32, #tpu.memory_space<vmem_shared>>)
      tpu.yield
    }) : () -> ()
    %mul3A_22 = arith.constant 640 : i32
    %mul3A_23 = arith.muli %arg1, %mul3A_22 : i32
    %add3A_24 = arith.constant 64 : i32
    %add3A_25 = arith.addi %mul3A_23, %add3A_24 : i32
    "tpu.region"() ({
      %run_scoped3A = tpu.sem_alloc : memref<!tpu.dma_semaphore, #tpu.memory_space<semaphore_mem>>
      %dma_start3A = arith.constant 0 : i32
      %dma_start3A_152 = tpu.memref_slice %arg22[%add3A_25, %dma_start3A] : memref<10240x128xf32, #tpu.memory_space<vmem_shared>> -> memref<64x128xf32, #tpu.memory_space<vmem_shared>>
      %dma_start3A_153 = arith.constant 0 : i32
      %dma_start3A_154 = tpu.memref_slice %arg22[%add3A_25, %dma_start3A_153] : memref<10240x128xf32, #tpu.memory_space<vmem_shared>> -> memref<64x128xf32, #tpu.memory_space<vmem_shared>>
      tpu.enqueue_dma source(%arg15 : memref<64x128xf32, #tpu.memory_space<vmem>>) target(%dma_start3A_154 : memref<64x128xf32, #tpu.memory_space<vmem_shared>>) target_semaphore(%run_scoped3A : memref<!tpu.dma_semaphore, #tpu.memory_space<semaphore_mem>>)
      %dma_wait3A = arith.constant 0 : i32
      %dma_wait3A_155 = tpu.memref_slice %arg22[%add3A_25, %dma_wait3A] : memref<10240x128xf32, #tpu.memory_space<vmem_shared>> -> memref<64x128xf32, #tpu.memory_space<vmem_shared>>
      %dma_wait3A_156 = arith.constant 0 : i32
      %dma_wait3A_157 = tpu.memref_slice %arg22[%add3A_25, %dma_wait3A_156] : memref<10240x128xf32, #tpu.memory_space<vmem_shared>> -> memref<64x128xf32, #tpu.memory_space<vmem_shared>>
      tpu.wait_dma2 semaphore(%run_scoped3A : memref<!tpu.dma_semaphore, #tpu.memory_space<semaphore_mem>>) src(%arg15 : memref<64x128xf32, #tpu.memory_space<vmem>>) dst(%dma_wait3A_157 : memref<64x128xf32, #tpu.memory_space<vmem_shared>>)
      tpu.yield
    }) : () -> ()
    %mul3A_26 = arith.constant 640 : i32
    %mul3A_27 = arith.muli %arg1, %mul3A_26 : i32
    %add3A_28 = arith.constant 128 : i32
    %add3A_29 = arith.addi %mul3A_27, %add3A_28 : i32
    "tpu.region"() ({
      %run_scoped3A = tpu.sem_alloc : memref<!tpu.dma_semaphore, #tpu.memory_space<semaphore_mem>>
      %dma_start3A = arith.constant 0 : i32
      %dma_start3A_152 = tpu.memref_slice %arg22[%add3A_29, %dma_start3A] : memref<10240x128xf32, #tpu.memory_space<vmem_shared>> -> memref<64x128xf32, #tpu.memory_space<vmem_shared>>
      %dma_start3A_153 = arith.constant 0 : i32
      %dma_start3A_154 = tpu.memref_slice %arg22[%add3A_29, %dma_start3A_153] : memref<10240x128xf32, #tpu.memory_space<vmem_shared>> -> memref<64x128xf32, #tpu.memory_space<vmem_shared>>
      tpu.enqueue_dma source(%arg15 : memref<64x128xf32, #tpu.memory_space<vmem>>) target(%dma_start3A_154 : memref<64x128xf32, #tpu.memory_space<vmem_shared>>) target_semaphore(%run_scoped3A : memref<!tpu.dma_semaphore, #tpu.memory_space<semaphore_mem>>)
      %dma_wait3A = arith.constant 0 : i32
      %dma_wait3A_155 = tpu.memref_slice %arg22[%add3A_29, %dma_wait3A] : memref<10240x128xf32, #tpu.memory_space<vmem_shared>> -> memref<64x128xf32, #tpu.memory_space<vmem_shared>>
      %dma_wait3A_156 = arith.constant 0 : i32
      %dma_wait3A_157 = tpu.memref_slice %arg22[%add3A_29, %dma_wait3A_156] : memref<10240x128xf32, #tpu.memory_space<vmem_shared>> -> memref<64x128xf32, #tpu.memory_space<vmem_shared>>
      tpu.wait_dma2 semaphore(%run_scoped3A : memref<!tpu.dma_semaphore, #tpu.memory_space<semaphore_mem>>) src(%arg15 : memref<64x128xf32, #tpu.memory_space<vmem>>) dst(%dma_wait3A_157 : memref<64x128xf32, #tpu.memory_space<vmem_shared>>)
      tpu.yield
    }) : () -> ()
    %mul3A_30 = arith.constant 640 : i32
    %mul3A_31 = arith.muli %arg1, %mul3A_30 : i32
    %add3A_32 = arith.constant 192 : i32
    %add3A_33 = arith.addi %mul3A_31, %add3A_32 : i32
    "tpu.region"() ({
      %run_scoped3A = tpu.sem_alloc : memref<!tpu.dma_semaphore, #tpu.memory_space<semaphore_mem>>
      %dma_start3A = arith.constant 0 : i32
      %dma_start3A_152 = tpu.memref_slice %arg22[%add3A_33, %dma_start3A] : memref<10240x128xf32, #tpu.memory_space<vmem_shared>> -> memref<64x128xf32, #tpu.memory_space<vmem_shared>>
      %dma_start3A_153 = arith.constant 0 : i32
      %dma_start3A_154 = tpu.memref_slice %arg22[%add3A_33, %dma_start3A_153] : memref<10240x128xf32, #tpu.memory_space<vmem_shared>> -> memref<64x128xf32, #tpu.memory_space<vmem_shared>>
      tpu.enqueue_dma source(%arg15 : memref<64x128xf32, #tpu.memory_space<vmem>>) target(%dma_start3A_154 : memref<64x128xf32, #tpu.memory_space<vmem_shared>>) target_semaphore(%run_scoped3A : memref<!tpu.dma_semaphore, #tpu.memory_space<semaphore_mem>>)
      %dma_wait3A = arith.constant 0 : i32
      %dma_wait3A_155 = tpu.memref_slice %arg22[%add3A_33, %dma_wait3A] : memref<10240x128xf32, #tpu.memory_space<vmem_shared>> -> memref<64x128xf32, #tpu.memory_space<vmem_shared>>
      %dma_wait3A_156 = arith.constant 0 : i32
      %dma_wait3A_157 = tpu.memref_slice %arg22[%add3A_33, %dma_wait3A_156] : memref<10240x128xf32, #tpu.memory_space<vmem_shared>> -> memref<64x128xf32, #tpu.memory_space<vmem_shared>>
      tpu.wait_dma2 semaphore(%run_scoped3A : memref<!tpu.dma_semaphore, #tpu.memory_space<semaphore_mem>>) src(%arg15 : memref<64x128xf32, #tpu.memory_space<vmem>>) dst(%dma_wait3A_157 : memref<64x128xf32, #tpu.memory_space<vmem_shared>>)
      tpu.yield
    }) : () -> ()
    %mul3A_34 = arith.constant 640 : i32
    %mul3A_35 = arith.muli %arg1, %mul3A_34 : i32
    %add3A_36 = arith.constant 256 : i32
    %add3A_37 = arith.addi %mul3A_35, %add3A_36 : i32
    "tpu.region"() ({
      %run_scoped3A = tpu.sem_alloc : memref<!tpu.dma_semaphore, #tpu.memory_space<semaphore_mem>>
      %dma_start3A = arith.constant 0 : i32
      %dma_start3A_152 = tpu.memref_slice %arg22[%add3A_37, %dma_start3A] : memref<10240x128xf32, #tpu.memory_space<vmem_shared>> -> memref<64x128xf32, #tpu.memory_space<vmem_shared>>
      %dma_start3A_153 = arith.constant 0 : i32
      %dma_start3A_154 = tpu.memref_slice %arg22[%add3A_37, %dma_start3A_153] : memref<10240x128xf32, #tpu.memory_space<vmem_shared>> -> memref<64x128xf32, #tpu.memory_space<vmem_shared>>
      tpu.enqueue_dma source(%arg15 : memref<64x128xf32, #tpu.memory_space<vmem>>) target(%dma_start3A_154 : memref<64x128xf32, #tpu.memory_space<vmem_shared>>) target_semaphore(%run_scoped3A : memref<!tpu.dma_semaphore, #tpu.memory_space<semaphore_mem>>)
      %dma_wait3A = arith.constant 0 : i32
      %dma_wait3A_155 = tpu.memref_slice %arg22[%add3A_37, %dma_wait3A] : memref<10240x128xf32, #tpu.memory_space<vmem_shared>> -> memref<64x128xf32, #tpu.memory_space<vmem_shared>>
      %dma_wait3A_156 = arith.constant 0 : i32
      %dma_wait3A_157 = tpu.memref_slice %arg22[%add3A_37, %dma_wait3A_156] : memref<10240x128xf32, #tpu.memory_space<vmem_shared>> -> memref<64x128xf32, #tpu.memory_space<vmem_shared>>
      tpu.wait_dma2 semaphore(%run_scoped3A : memref<!tpu.dma_semaphore, #tpu.memory_space<semaphore_mem>>) src(%arg15 : memref<64x128xf32, #tpu.memory_space<vmem>>) dst(%dma_wait3A_157 : memref<64x128xf32, #tpu.memory_space<vmem_shared>>)
      tpu.yield
    }) : () -> ()
    %mul3A_38 = arith.constant 640 : i32
    %mul3A_39 = arith.muli %arg1, %mul3A_38 : i32
    %add3A_40 = arith.constant 320 : i32
    %add3A_41 = arith.addi %mul3A_39, %add3A_40 : i32
    "tpu.region"() ({
      %run_scoped3A = tpu.sem_alloc : memref<!tpu.dma_semaphore, #tpu.memory_space<semaphore_mem>>
      %dma_start3A = arith.constant 0 : i32
      %dma_start3A_152 = tpu.memref_slice %arg22[%add3A_41, %dma_start3A] : memref<10240x128xf32, #tpu.memory_space<vmem_shared>> -> memref<64x128xf32, #tpu.memory_space<vmem_shared>>
      %dma_start3A_153 = arith.constant 0 : i32
      %dma_start3A_154 = tpu.memref_slice %arg22[%add3A_41, %dma_start3A_153] : memref<10240x128xf32, #tpu.memory_space<vmem_shared>> -> memref<64x128xf32, #tpu.memory_space<vmem_shared>>
      tpu.enqueue_dma source(%arg15 : memref<64x128xf32, #tpu.memory_space<vmem>>) target(%dma_start3A_154 : memref<64x128xf32, #tpu.memory_space<vmem_shared>>) target_semaphore(%run_scoped3A : memref<!tpu.dma_semaphore, #tpu.memory_space<semaphore_mem>>)
      %dma_wait3A = arith.constant 0 : i32
      %dma_wait3A_155 = tpu.memref_slice %arg22[%add3A_41, %dma_wait3A] : memref<10240x128xf32, #tpu.memory_space<vmem_shared>> -> memref<64x128xf32, #tpu.memory_space<vmem_shared>>
      %dma_wait3A_156 = arith.constant 0 : i32
      %dma_wait3A_157 = tpu.memref_slice %arg22[%add3A_41, %dma_wait3A_156] : memref<10240x128xf32, #tpu.memory_space<vmem_shared>> -> memref<64x128xf32, #tpu.memory_space<vmem_shared>>
      tpu.wait_dma2 semaphore(%run_scoped3A : memref<!tpu.dma_semaphore, #tpu.memory_space<semaphore_mem>>) src(%arg15 : memref<64x128xf32, #tpu.memory_space<vmem>>) dst(%dma_wait3A_157 : memref<64x128xf32, #tpu.memory_space<vmem_shared>>)
      tpu.yield
    }) : () -> ()
    %mul3A_42 = arith.constant 640 : i32
    %mul3A_43 = arith.muli %arg1, %mul3A_42 : i32
    %add3A_44 = arith.constant 384 : i32
    %add3A_45 = arith.addi %mul3A_43, %add3A_44 : i32
    "tpu.region"() ({
      %run_scoped3A = tpu.sem_alloc : memref<!tpu.dma_semaphore, #tpu.memory_space<semaphore_mem>>
      %dma_start3A = arith.constant 0 : i32
      %dma_start3A_152 = tpu.memref_slice %arg22[%add3A_45, %dma_start3A] : memref<10240x128xf32, #tpu.memory_space<vmem_shared>> -> memref<64x128xf32, #tpu.memory_space<vmem_shared>>
      %dma_start3A_153 = arith.constant 0 : i32
      %dma_start3A_154 = tpu.memref_slice %arg22[%add3A_45, %dma_start3A_153] : memref<10240x128xf32, #tpu.memory_space<vmem_shared>> -> memref<64x128xf32, #tpu.memory_space<vmem_shared>>
      tpu.enqueue_dma source(%arg15 : memref<64x128xf32, #tpu.memory_space<vmem>>) target(%dma_start3A_154 : memref<64x128xf32, #tpu.memory_space<vmem_shared>>) target_semaphore(%run_scoped3A : memref<!tpu.dma_semaphore, #tpu.memory_space<semaphore_mem>>)
      %dma_wait3A = arith.constant 0 : i32
      %dma_wait3A_155 = tpu.memref_slice %arg22[%add3A_45, %dma_wait3A] : memref<10240x128xf32, #tpu.memory_space<vmem_shared>> -> memref<64x128xf32, #tpu.memory_space<vmem_shared>>
      %dma_wait3A_156 = arith.constant 0 : i32
      %dma_wait3A_157 = tpu.memref_slice %arg22[%add3A_45, %dma_wait3A_156] : memref<10240x128xf32, #tpu.memory_space<vmem_shared>> -> memref<64x128xf32, #tpu.memory_space<vmem_shared>>
      tpu.wait_dma2 semaphore(%run_scoped3A : memref<!tpu.dma_semaphore, #tpu.memory_space<semaphore_mem>>) src(%arg15 : memref<64x128xf32, #tpu.memory_space<vmem>>) dst(%dma_wait3A_157 : memref<64x128xf32, #tpu.memory_space<vmem_shared>>)
      tpu.yield
    }) : () -> ()
    %mul3A_46 = arith.constant 640 : i32
    %mul3A_47 = arith.muli %arg1, %mul3A_46 : i32
    %add3A_48 = arith.constant 448 : i32
    %add3A_49 = arith.addi %mul3A_47, %add3A_48 : i32
    "tpu.region"() ({
      %run_scoped3A = tpu.sem_alloc : memref<!tpu.dma_semaphore, #tpu.memory_space<semaphore_mem>>
      %dma_start3A = arith.constant 0 : i32
      %dma_start3A_152 = tpu.memref_slice %arg22[%add3A_49, %dma_start3A] : memref<10240x128xf32, #tpu.memory_space<vmem_shared>> -> memref<64x128xf32, #tpu.memory_space<vmem_shared>>
      %dma_start3A_153 = arith.constant 0 : i32
      %dma_start3A_154 = tpu.memref_slice %arg22[%add3A_49, %dma_start3A_153] : memref<10240x128xf32, #tpu.memory_space<vmem_shared>> -> memref<64x128xf32, #tpu.memory_space<vmem_shared>>
      tpu.enqueue_dma source(%arg15 : memref<64x128xf32, #tpu.memory_space<vmem>>) target(%dma_start3A_154 : memref<64x128xf32, #tpu.memory_space<vmem_shared>>) target_semaphore(%run_scoped3A : memref<!tpu.dma_semaphore, #tpu.memory_space<semaphore_mem>>)
      %dma_wait3A = arith.constant 0 : i32
      %dma_wait3A_155 = tpu.memref_slice %arg22[%add3A_49, %dma_wait3A] : memref<10240x128xf32, #tpu.memory_space<vmem_shared>> -> memref<64x128xf32, #tpu.memory_space<vmem_shared>>
      %dma_wait3A_156 = arith.constant 0 : i32
      %dma_wait3A_157 = tpu.memref_slice %arg22[%add3A_49, %dma_wait3A_156] : memref<10240x128xf32, #tpu.memory_space<vmem_shared>> -> memref<64x128xf32, #tpu.memory_space<vmem_shared>>
      tpu.wait_dma2 semaphore(%run_scoped3A : memref<!tpu.dma_semaphore, #tpu.memory_space<semaphore_mem>>) src(%arg15 : memref<64x128xf32, #tpu.memory_space<vmem>>) dst(%dma_wait3A_157 : memref<64x128xf32, #tpu.memory_space<vmem_shared>>)
      tpu.yield
    }) : () -> ()
    %mul3A_50 = arith.constant 640 : i32
    %mul3A_51 = arith.muli %arg1, %mul3A_50 : i32
    %add3A_52 = arith.constant 512 : i32
    %add3A_53 = arith.addi %mul3A_51, %add3A_52 : i32
    "tpu.region"() ({
      %run_scoped3A = tpu.sem_alloc : memref<!tpu.dma_semaphore, #tpu.memory_space<semaphore_mem>>
      %dma_start3A = arith.constant 0 : i32
      %dma_start3A_152 = tpu.memref_slice %arg22[%add3A_53, %dma_start3A] : memref<10240x128xf32, #tpu.memory_space<vmem_shared>> -> memref<64x128xf32, #tpu.memory_space<vmem_shared>>
      %dma_start3A_153 = arith.constant 0 : i32
      %dma_start3A_154 = tpu.memref_slice %arg22[%add3A_53, %dma_start3A_153] : memref<10240x128xf32, #tpu.memory_space<vmem_shared>> -> memref<64x128xf32, #tpu.memory_space<vmem_shared>>
      tpu.enqueue_dma source(%arg15 : memref<64x128xf32, #tpu.memory_space<vmem>>) target(%dma_start3A_154 : memref<64x128xf32, #tpu.memory_space<vmem_shared>>) target_semaphore(%run_scoped3A : memref<!tpu.dma_semaphore, #tpu.memory_space<semaphore_mem>>)
      %dma_wait3A = arith.constant 0 : i32
      %dma_wait3A_155 = tpu.memref_slice %arg22[%add3A_53, %dma_wait3A] : memref<10240x128xf32, #tpu.memory_space<vmem_shared>> -> memref<64x128xf32, #tpu.memory_space<vmem_shared>>
      %dma_wait3A_156 = arith.constant 0 : i32
      %dma_wait3A_157 = tpu.memref_slice %arg22[%add3A_53, %dma_wait3A_156] : memref<10240x128xf32, #tpu.memory_space<vmem_shared>> -> memref<64x128xf32, #tpu.memory_space<vmem_shared>>
      tpu.wait_dma2 semaphore(%run_scoped3A : memref<!tpu.dma_semaphore, #tpu.memory_space<semaphore_mem>>) src(%arg15 : memref<64x128xf32, #tpu.memory_space<vmem>>) dst(%dma_wait3A_157 : memref<64x128xf32, #tpu.memory_space<vmem_shared>>)
      tpu.yield
    }) : () -> ()
    %mul3A_54 = arith.constant 640 : i32
    %mul3A_55 = arith.muli %arg1, %mul3A_54 : i32
    %add3A_56 = arith.constant 576 : i32
    %add3A_57 = arith.addi %mul3A_55, %add3A_56 : i32
    "tpu.region"() ({
      %run_scoped3A = tpu.sem_alloc : memref<!tpu.dma_semaphore, #tpu.memory_space<semaphore_mem>>
      %dma_start3A = arith.constant 0 : i32
      %dma_start3A_152 = tpu.memref_slice %arg22[%add3A_57, %dma_start3A] : memref<10240x128xf32, #tpu.memory_space<vmem_shared>> -> memref<64x128xf32, #tpu.memory_space<vmem_shared>>
      %dma_start3A_153 = arith.constant 0 : i32
      %dma_start3A_154 = tpu.memref_slice %arg22[%add3A_57, %dma_start3A_153] : memref<10240x128xf32, #tpu.memory_space<vmem_shared>> -> memref<64x128xf32, #tpu.memory_space<vmem_shared>>
      tpu.enqueue_dma source(%arg15 : memref<64x128xf32, #tpu.memory_space<vmem>>) target(%dma_start3A_154 : memref<64x128xf32, #tpu.memory_space<vmem_shared>>) target_semaphore(%run_scoped3A : memref<!tpu.dma_semaphore, #tpu.memory_space<semaphore_mem>>)
      %dma_wait3A = arith.constant 0 : i32
      %dma_wait3A_155 = tpu.memref_slice %arg22[%add3A_57, %dma_wait3A] : memref<10240x128xf32, #tpu.memory_space<vmem_shared>> -> memref<64x128xf32, #tpu.memory_space<vmem_shared>>
      %dma_wait3A_156 = arith.constant 0 : i32
      %dma_wait3A_157 = tpu.memref_slice %arg22[%add3A_57, %dma_wait3A_156] : memref<10240x128xf32, #tpu.memory_space<vmem_shared>> -> memref<64x128xf32, #tpu.memory_space<vmem_shared>>
      tpu.wait_dma2 semaphore(%run_scoped3A : memref<!tpu.dma_semaphore, #tpu.memory_space<semaphore_mem>>) src(%arg15 : memref<64x128xf32, #tpu.memory_space<vmem>>) dst(%dma_wait3A_157 : memref<64x128xf32, #tpu.memory_space<vmem_shared>>)
      tpu.yield
    }) : () -> ()
    %mul3A_58 = arith.constant 80 : i32
    %mul3A_59 = arith.muli %arg1, %mul3A_58 : i32
    "tpu.region"() ({
      %run_scoped3A = tpu.sem_alloc : memref<!tpu.dma_semaphore, #tpu.memory_space<semaphore_mem>>
      %dma_start3A = arith.constant 0 : i32
      %dma_start3A_152 = tpu.memref_slice %arg23[%mul3A_59, %dma_start3A] : memref<1280x128xf32, #tpu.memory_space<vmem_shared>> -> memref<64x128xf32, #tpu.memory_space<vmem_shared>>
      %dma_start3A_153 = arith.constant 0 : i32
      %dma_start3A_154 = tpu.memref_slice %arg23[%mul3A_59, %dma_start3A_153] : memref<1280x128xf32, #tpu.memory_space<vmem_shared>> -> memref<64x128xf32, #tpu.memory_space<vmem_shared>>
      tpu.enqueue_dma source(%arg15 : memref<64x128xf32, #tpu.memory_space<vmem>>) target(%dma_start3A_154 : memref<64x128xf32, #tpu.memory_space<vmem_shared>>) target_semaphore(%run_scoped3A : memref<!tpu.dma_semaphore, #tpu.memory_space<semaphore_mem>>)
      %dma_wait3A = arith.constant 0 : i32
      %dma_wait3A_155 = tpu.memref_slice %arg23[%mul3A_59, %dma_wait3A] : memref<1280x128xf32, #tpu.memory_space<vmem_shared>> -> memref<64x128xf32, #tpu.memory_space<vmem_shared>>
      %dma_wait3A_156 = arith.constant 0 : i32
      %dma_wait3A_157 = tpu.memref_slice %arg23[%mul3A_59, %dma_wait3A_156] : memref<1280x128xf32, #tpu.memory_space<vmem_shared>> -> memref<64x128xf32, #tpu.memory_space<vmem_shared>>
      tpu.wait_dma2 semaphore(%run_scoped3A : memref<!tpu.dma_semaphore, #tpu.memory_space<semaphore_mem>>) src(%arg15 : memref<64x128xf32, #tpu.memory_space<vmem>>) dst(%dma_wait3A_157 : memref<64x128xf32, #tpu.memory_space<vmem_shared>>)
      tpu.yield
    }) : () -> ()
    %mul3A_60 = arith.constant 80 : i32
    %mul3A_61 = arith.muli %arg1, %mul3A_60 : i32
    %add3A_62 = arith.constant 64 : i32
    %add3A_63 = arith.addi %mul3A_61, %add3A_62 : i32
    "tpu.region"() ({
      %run_scoped3A = tpu.sem_alloc : memref<!tpu.dma_semaphore, #tpu.memory_space<semaphore_mem>>
      %dma_start3A = arith.constant 0 : i32
      %dma_start3A_152 = arith.constant 0 : i32
      %dma_start3A_153 = tpu.memref_slice %arg15[%dma_start3A, %dma_start3A_152] : memref<64x128xf32, #tpu.memory_space<vmem>> -> memref<16x128xf32, #tpu.memory_space<vmem>>
      %dma_start3A_154 = arith.constant 0 : i32
      %dma_start3A_155 = tpu.memref_slice %arg23[%add3A_63, %dma_start3A_154] : memref<1280x128xf32, #tpu.memory_space<vmem_shared>> -> memref<16x128xf32, #tpu.memory_space<vmem_shared>>
      %dma_start3A_156 = arith.constant 0 : i32
      %dma_start3A_157 = tpu.memref_slice %arg23[%add3A_63, %dma_start3A_156] : memref<1280x128xf32, #tpu.memory_space<vmem_shared>> -> memref<16x128xf32, #tpu.memory_space<vmem_shared>>
      %dma_start3A_158 = arith.constant 0 : i32
      %dma_start3A_159 = arith.constant 0 : i32
      %dma_start3A_160 = tpu.memref_slice %arg15[%dma_start3A_158, %dma_start3A_159] : memref<64x128xf32, #tpu.memory_space<vmem>> -> memref<16x128xf32, #tpu.memory_space<vmem>>
      tpu.enqueue_dma source(%dma_start3A_160 : memref<16x128xf32, #tpu.memory_space<vmem>>) target(%dma_start3A_157 : memref<16x128xf32, #tpu.memory_space<vmem_shared>>) target_semaphore(%run_scoped3A : memref<!tpu.dma_semaphore, #tpu.memory_space<semaphore_mem>>)
      %dma_wait3A = arith.constant 0 : i32
      %dma_wait3A_161 = arith.constant 0 : i32
      %dma_wait3A_162 = tpu.memref_slice %arg15[%dma_wait3A, %dma_wait3A_161] : memref<64x128xf32, #tpu.memory_space<vmem>> -> memref<16x128xf32, #tpu.memory_space<vmem>>
      %dma_wait3A_163 = arith.constant 0 : i32
      %dma_wait3A_164 = tpu.memref_slice %arg23[%add3A_63, %dma_wait3A_163] : memref<1280x128xf32, #tpu.memory_space<vmem_shared>> -> memref<16x128xf32, #tpu.memory_space<vmem_shared>>
      %dma_wait3A_165 = arith.constant 0 : i32
      %dma_wait3A_166 = tpu.memref_slice %arg23[%add3A_63, %dma_wait3A_165] : memref<1280x128xf32, #tpu.memory_space<vmem_shared>> -> memref<16x128xf32, #tpu.memory_space<vmem_shared>>
      %dma_wait3A_167 = arith.constant 0 : i32
      %dma_wait3A_168 = arith.constant 0 : i32
      %dma_wait3A_169 = tpu.memref_slice %arg15[%dma_wait3A_167, %dma_wait3A_168] : memref<64x128xf32, #tpu.memory_space<vmem>> -> memref<16x128xf32, #tpu.memory_space<vmem>>
      tpu.wait_dma2 semaphore(%run_scoped3A : memref<!tpu.dma_semaphore, #tpu.memory_space<semaphore_mem>>) src(%dma_wait3A_169 : memref<16x128xf32, #tpu.memory_space<vmem>>) dst(%dma_wait3A_166 : memref<16x128xf32, #tpu.memory_space<vmem_shared>>)
      tpu.yield
    }) : () -> ()
    %barrier3A = arith.constant 0 : index
    tpu.barrier barrier_id(%barrier3A)
    %mul3A_64 = arith.constant 5120 : i32
    %mul3A_65 = arith.muli %add3A, %mul3A_64 : i32
    %scan3A_66 = arith.constant 0 : i32
    %scan3A_67 = arith.constant 0 : i32
    %scan3A_68 = arith.constant 80 : i32
    %scan3A_69 = arith.addi %scan3A_67, %scan3A_68 : i32
    %scan3A_70 = arith.constant 1 : i32
    scf.for %scan3A_152 = %scan3A_67 to %scan3A_69 step %scan3A_70  : i32 {
      %mul3A_153 = arith.constant 64 : i32
      %mul3A_154 = arith.muli %scan3A_152, %mul3A_153 : i32
      %add3A_155 = arith.addi %mul3A_65, %mul3A_154 : i32
      "tpu.region"() ({
        %run_scoped3A = tpu.sem_alloc : memref<!tpu.dma_semaphore, #tpu.memory_space<semaphore_mem>>
        %dma_start3A_306 = tpu.memref_slice %arg5[%add3A_155] : memref<163840xi32, #tpu.memory_space<hbm>> -> memref<64xi32, #tpu.memory_space<hbm>>
        %dma_start3A_307 = tpu.memref_slice %arg5[%add3A_155] : memref<163840xi32, #tpu.memory_space<hbm>> -> memref<64xi32, #tpu.memory_space<hbm>>
        tpu.enqueue_dma source(%dma_start3A_307 : memref<64xi32, #tpu.memory_space<hbm>>) target(%arg10 : memref<64xi32, #tpu.memory_space<vmem>>) target_semaphore(%run_scoped3A : memref<!tpu.dma_semaphore, #tpu.memory_space<semaphore_mem>>)
        %dma_wait3A_308 = tpu.memref_slice %arg5[%add3A_155] : memref<163840xi32, #tpu.memory_space<hbm>> -> memref<64xi32, #tpu.memory_space<hbm>>
        %dma_wait3A_309 = tpu.memref_slice %arg5[%add3A_155] : memref<163840xi32, #tpu.memory_space<hbm>> -> memref<64xi32, #tpu.memory_space<hbm>>
        tpu.wait_dma2 semaphore(%run_scoped3A : memref<!tpu.dma_semaphore, #tpu.memory_space<semaphore_mem>>) src(%dma_wait3A_309 : memref<64xi32, #tpu.memory_space<hbm>>) dst(%arg10 : memref<64xi32, #tpu.memory_space<vmem>>)
        tpu.yield
      }) : () -> ()
      "tpu.region"() ({
        %run_scoped3A = tpu.sem_alloc : memref<!tpu.dma_semaphore, #tpu.memory_space<semaphore_mem>>
        %dma_start3A_306 = tpu.memref_slice %arg6[%add3A_155] : memref<163840xi32, #tpu.memory_space<hbm>> -> memref<64xi32, #tpu.memory_space<hbm>>
        %dma_start3A_307 = tpu.memref_slice %arg6[%add3A_155] : memref<163840xi32, #tpu.memory_space<hbm>> -> memref<64xi32, #tpu.memory_space<hbm>>
        tpu.enqueue_dma source(%dma_start3A_307 : memref<64xi32, #tpu.memory_space<hbm>>) target(%arg11 : memref<64xi32, #tpu.memory_space<vmem>>) target_semaphore(%run_scoped3A : memref<!tpu.dma_semaphore, #tpu.memory_space<semaphore_mem>>)
        %dma_wait3A_308 = tpu.memref_slice %arg6[%add3A_155] : memref<163840xi32, #tpu.memory_space<hbm>> -> memref<64xi32, #tpu.memory_space<hbm>>
        %dma_wait3A_309 = tpu.memref_slice %arg6[%add3A_155] : memref<163840xi32, #tpu.memory_space<hbm>> -> memref<64xi32, #tpu.memory_space<hbm>>
        tpu.wait_dma2 semaphore(%run_scoped3A : memref<!tpu.dma_semaphore, #tpu.memory_space<semaphore_mem>>) src(%dma_wait3A_309 : memref<64xi32, #tpu.memory_space<hbm>>) dst(%arg11 : memref<64xi32, #tpu.memory_space<vmem>>)
        tpu.yield
      }) : () -> ()
      "tpu.region"() ({
        %run_scoped3A = tpu.sem_alloc : memref<!tpu.dma_semaphore, #tpu.memory_space<semaphore_mem>>
        %dma_start3A_306 = tpu.memref_slice %arg7[%add3A_155] : memref<163840xi32, #tpu.memory_space<hbm>> -> memref<64xi32, #tpu.memory_space<hbm>>
        %dma_start3A_307 = tpu.memref_slice %arg7[%add3A_155] : memref<163840xi32, #tpu.memory_space<hbm>> -> memref<64xi32, #tpu.memory_space<hbm>>
        tpu.enqueue_dma source(%dma_start3A_307 : memref<64xi32, #tpu.memory_space<hbm>>) target(%arg12 : memref<64xi32, #tpu.memory_space<vmem>>) target_semaphore(%run_scoped3A : memref<!tpu.dma_semaphore, #tpu.memory_space<semaphore_mem>>)
        %dma_wait3A_308 = tpu.memref_slice %arg7[%add3A_155] : memref<163840xi32, #tpu.memory_space<hbm>> -> memref<64xi32, #tpu.memory_space<hbm>>
        %dma_wait3A_309 = tpu.memref_slice %arg7[%add3A_155] : memref<163840xi32, #tpu.memory_space<hbm>> -> memref<64xi32, #tpu.memory_space<hbm>>
        tpu.wait_dma2 semaphore(%run_scoped3A : memref<!tpu.dma_semaphore, #tpu.memory_space<semaphore_mem>>) src(%dma_wait3A_309 : memref<64xi32, #tpu.memory_space<hbm>>) dst(%arg12 : memref<64xi32, #tpu.memory_space<vmem>>)
        tpu.yield
      }) : () -> ()
      %get3A = arith.constant 0 : index
      %get3A_156 = tpu.vector_load %arg12[%get3A] {strides = array<i32>} : memref<64xi32, #tpu.memory_space<vmem>>, vector<16xi32>,
      %get3A_157 = vector.shape_cast %get3A_156 : vector<16xi32> to vector<16xi32>
      %mul3A_158 = arith.constant 10240 : i32
      %mul3A_159 = vector.broadcast %mul3A_158 : i32 to vector<16xi32>
      %mul3A_160 = arith.muli %get3A_157, %mul3A_159 : vector<16xi32>
      %get3A_161 = arith.constant 0 : index
      %get3A_162 = tpu.vector_load %arg10[%get3A_161] {strides = array<i32>} : memref<64xi32, #tpu.memory_space<vmem>>, vector<16xi32>,
      %get3A_163 = vector.shape_cast %get3A_162 : vector<16xi32> to vector<16xi32>
      %add3A_164 = arith.addi %mul3A_160, %get3A_163 : vector<16xi32>
      %swap3A = arith.constant 0 : index
      %swap3A_165 = tpu.vector_load %arg13[%swap3A] {strides = array<i32>} : memref<64xi32, #tpu.memory_space<vmem>>, vector<16xi32>,
      %swap3A_166 = vector.shape_cast %swap3A_165 : vector<16xi32> to vector<16xi32>
      %swap3A_167 = vector.shape_cast %add3A_164 : vector<16xi32> to vector<16xi32>
      tpu.vector_store %arg13[%swap3A], %swap3A_167 {strides = array<i32>} : memref<64xi32, #tpu.memory_space<vmem>>, vector<16xi32>,
      %get3A_168 = arith.constant 0 : index
      %get3A_169 = tpu.vector_load %arg11[%get3A_168] {strides = array<i32>} : memref<64xi32, #tpu.memory_space<vmem>>, vector<16xi32>,
      %get3A_170 = vector.shape_cast %get3A_169 : vector<16xi32> to vector<16xi32>
      %shift_right_logical3A = arith.constant 3 : i32
      %shift_right_logical3A_171 = vector.broadcast %shift_right_logical3A : i32 to vector<16xi32>
      %shift_right_logical3A_172 = arith.shrui %get3A_170, %shift_right_logical3A_171 : vector<16xi32>
      %swap3A_173 = arith.constant 0 : index
      %swap3A_174 = tpu.vector_load %arg14[%swap3A_173] {strides = array<i32>} : memref<64xi32, #tpu.memory_space<vmem>>, vector<16xi32>,
      %swap3A_175 = vector.shape_cast %swap3A_174 : vector<16xi32> to vector<16xi32>
      %swap3A_176 = vector.shape_cast %shift_right_logical3A_172 : vector<16xi32> to vector<16xi32>
      tpu.vector_store %arg14[%swap3A_173], %swap3A_176 {strides = array<i32>} : memref<64xi32, #tpu.memory_space<vmem>>, vector<16xi32>,
      %get3A_177 = arith.constant 16 : index
      %get3A_178 = tpu.vector_load %arg12[%get3A_177] {strides = array<i32>} : memref<64xi32, #tpu.memory_space<vmem>>, vector<16xi32>,
      %get3A_179 = vector.shape_cast %get3A_178 : vector<16xi32> to vector<16xi32>
      %mul3A_180 = arith.constant 10240 : i32
      %mul3A_181 = vector.broadcast %mul3A_180 : i32 to vector<16xi32>
      %mul3A_182 = arith.muli %get3A_179, %mul3A_181 : vector<16xi32>
      %get3A_183 = arith.constant 16 : index
      %get3A_184 = tpu.vector_load %arg10[%get3A_183] {strides = array<i32>} : memref<64xi32, #tpu.memory_space<vmem>>, vector<16xi32>,
      %get3A_185 = vector.shape_cast %get3A_184 : vector<16xi32> to vector<16xi32>
      %add3A_186 = arith.addi %mul3A_182, %get3A_185 : vector<16xi32>
      %swap3A_187 = arith.constant 16 : index
      %swap3A_188 = tpu.vector_load %arg13[%swap3A_187] {strides = array<i32>} : memref<64xi32, #tpu.memory_space<vmem>>, vector<16xi32>,
      %swap3A_189 = vector.shape_cast %swap3A_188 : vector<16xi32> to vector<16xi32>
      %swap3A_190 = vector.shape_cast %add3A_186 : vector<16xi32> to vector<16xi32>
      tpu.vector_store %arg13[%swap3A_187], %swap3A_190 {strides = array<i32>} : memref<64xi32, #tpu.memory_space<vmem>>, vector<16xi32>,
      %get3A_191 = arith.constant 16 : index
      %get3A_192 = tpu.vector_load %arg11[%get3A_191] {strides = array<i32>} : memref<64xi32, #tpu.memory_space<vmem>>, vector<16xi32>,
      %get3A_193 = vector.shape_cast %get3A_192 : vector<16xi32> to vector<16xi32>
      %shift_right_logical3A_194 = arith.constant 3 : i32
      %shift_right_logical3A_195 = vector.broadcast %shift_right_logical3A_194 : i32 to vector<16xi32>
      %shift_right_logical3A_196 = arith.shrui %get3A_193, %shift_right_logical3A_195 : vector<16xi32>
      %swap3A_197 = arith.constant 16 : index
      %swap3A_198 = tpu.vector_load %arg14[%swap3A_197] {strides = array<i32>} : memref<64xi32, #tpu.memory_space<vmem>>, vector<16xi32>,
      %swap3A_199 = vector.shape_cast %swap3A_198 : vector<16xi32> to vector<16xi32>
      %swap3A_200 = vector.shape_cast %shift_right_logical3A_196 : vector<16xi32> to vector<16xi32>
      tpu.vector_store %arg14[%swap3A_197], %swap3A_200 {strides = array<i32>} : memref<64xi32, #tpu.memory_space<vmem>>, vector<16xi32>,
      %get3A_201 = arith.constant 32 : index
      %get3A_202 = tpu.vector_load %arg12[%get3A_201] {strides = array<i32>} : memref<64xi32, #tpu.memory_space<vmem>>, vector<16xi32>,
      %get3A_203 = vector.shape_cast %get3A_202 : vector<16xi32> to vector<16xi32>
      %mul3A_204 = arith.constant 10240 : i32
      %mul3A_205 = vector.broadcast %mul3A_204 : i32 to vector<16xi32>
      %mul3A_206 = arith.muli %get3A_203, %mul3A_205 : vector<16xi32>
      %get3A_207 = arith.constant 32 : index
      %get3A_208 = tpu.vector_load %arg10[%get3A_207] {strides = array<i32>} : memref<64xi32, #tpu.memory_space<vmem>>, vector<16xi32>,
      %get3A_209 = vector.shape_cast %get3A_208 : vector<16xi32> to vector<16xi32>
      %add3A_210 = arith.addi %mul3A_206, %get3A_209 : vector<16xi32>
      %swap3A_211 = arith.constant 32 : index
      %swap3A_212 = tpu.vector_load %arg13[%swap3A_211] {strides = array<i32>} : memref<64xi32, #tpu.memory_space<vmem>>, vector<16xi32>,
      %swap3A_213 = vector.shape_cast %swap3A_212 : vector<16xi32> to vector<16xi32>
      %swap3A_214 = vector.shape_cast %add3A_210 : vector<16xi32> to vector<16xi32>
      tpu.vector_store %arg13[%swap3A_211], %swap3A_214 {strides = array<i32>} : memref<64xi32, #tpu.memory_space<vmem>>, vector<16xi32>,
      %get3A_215 = arith.constant 32 : index
      %get3A_216 = tpu.vector_load %arg11[%get3A_215] {strides = array<i32>} : memref<64xi32, #tpu.memory_space<vmem>>, vector<16xi32>,
      %get3A_217 = vector.shape_cast %get3A_216 : vector<16xi32> to vector<16xi32>
      %shift_right_logical3A_218 = arith.constant 3 : i32
      %shift_right_logical3A_219 = vector.broadcast %shift_right_logical3A_218 : i32 to vector<16xi32>
      %shift_right_logical3A_220 = arith.shrui %get3A_217, %shift_right_logical3A_219 : vector<16xi32>
      %swap3A_221 = arith.constant 32 : index
      %swap3A_222 = tpu.vector_load %arg14[%swap3A_221] {strides = array<i32>} : memref<64xi32, #tpu.memory_space<vmem>>, vector<16xi32>,
      %swap3A_223 = vector.shape_cast %swap3A_222 : vector<16xi32> to vector<16xi32>
      %swap3A_224 = vector.shape_cast %shift_right_logical3A_220 : vector<16xi32> to vector<16xi32>
      tpu.vector_store %arg14[%swap3A_221], %swap3A_224 {strides = array<i32>} : memref<64xi32, #tpu.memory_space<vmem>>, vector<16xi32>,
      %get3A_225 = arith.constant 48 : index
      %get3A_226 = tpu.vector_load %arg12[%get3A_225] {strides = array<i32>} : memref<64xi32, #tpu.memory_space<vmem>>, vector<16xi32>,
      %get3A_227 = vector.shape_cast %get3A_226 : vector<16xi32> to vector<16xi32>
      %mul3A_228 = arith.constant 10240 : i32
      %mul3A_229 = vector.broadcast %mul3A_228 : i32 to vector<16xi32>
      %mul3A_230 = arith.muli %get3A_227, %mul3A_229 : vector<16xi32>
      %get3A_231 = arith.constant 48 : index
      %get3A_232 = tpu.vector_load %arg10[%get3A_231] {strides = array<i32>} : memref<64xi32, #tpu.memory_space<vmem>>, vector<16xi32>,
      %get3A_233 = vector.shape_cast %get3A_232 : vector<16xi32> to vector<16xi32>
      %add3A_234 = arith.addi %mul3A_230, %get3A_233 : vector<16xi32>
      %swap3A_235 = arith.constant 48 : index
      %swap3A_236 = tpu.vector_load %arg13[%swap3A_235] {strides = array<i32>} : memref<64xi32, #tpu.memory_space<vmem>>, vector<16xi32>,
      %swap3A_237 = vector.shape_cast %swap3A_236 : vector<16xi32> to vector<16xi32>
      %swap3A_238 = vector.shape_cast %add3A_234 : vector<16xi32> to vector<16xi32>
      tpu.vector_store %arg13[%swap3A_235], %swap3A_238 {strides = array<i32>} : memref<64xi32, #tpu.memory_space<vmem>>, vector<16xi32>,
      %get3A_239 = arith.constant 48 : index
      %get3A_240 = tpu.vector_load %arg11[%get3A_239] {strides = array<i32>} : memref<64xi32, #tpu.memory_space<vmem>>, vector<16xi32>,
      %get3A_241 = vector.shape_cast %get3A_240 : vector<16xi32> to vector<16xi32>
      %shift_right_logical3A_242 = arith.constant 3 : i32
      %shift_right_logical3A_243 = vector.broadcast %shift_right_logical3A_242 : i32 to vector<16xi32>
      %shift_right_logical3A_244 = arith.shrui %get3A_241, %shift_right_logical3A_243 : vector<16xi32>
      %swap3A_245 = arith.constant 48 : index
      %swap3A_246 = tpu.vector_load %arg14[%swap3A_245] {strides = array<i32>} : memref<64xi32, #tpu.memory_space<vmem>>, vector<16xi32>,
      %swap3A_247 = vector.shape_cast %swap3A_246 : vector<16xi32> to vector<16xi32>
      %swap3A_248 = vector.shape_cast %shift_right_logical3A_244 : vector<16xi32> to vector<16xi32>
      tpu.vector_store %arg14[%swap3A_245], %swap3A_248 {strides = array<i32>} : memref<64xi32, #tpu.memory_space<vmem>>, vector<16xi32>,
      %get3A_249 = arith.constant 0 : index
      %get3A_250 = tpu.vector_load %arg11[%get3A_249] {strides = array<i32>} : memref<64xi32, #tpu.memory_space<vmem>>, vector<16xi32>,
      %get3A_251 = vector.shape_cast %get3A_250 : vector<16xi32> to vector<16xi32>
      %and3A = arith.constant 7 : i32
      %and3A_252 = vector.broadcast %and3A : i32 to vector<16xi32>
      %and3A_253 = arith.andi %get3A_251, %and3A_252 : vector<16xi32>
      %swap3A_254 = arith.constant 0 : index
      %swap3A_255 = tpu.vector_load %arg12[%swap3A_254] {strides = array<i32>} : memref<64xi32, #tpu.memory_space<vmem>>, vector<16xi32>,
      %swap3A_256 = vector.shape_cast %swap3A_255 : vector<16xi32> to vector<16xi32>
      %swap3A_257 = vector.shape_cast %and3A_253 : vector<16xi32> to vector<16xi32>
      tpu.vector_store %arg12[%swap3A_254], %swap3A_257 {strides = array<i32>} : memref<64xi32, #tpu.memory_space<vmem>>, vector<16xi32>,
      %get3A_258 = arith.constant 16 : index
      %get3A_259 = tpu.vector_load %arg11[%get3A_258] {strides = array<i32>} : memref<64xi32, #tpu.memory_space<vmem>>, vector<16xi32>,
      %get3A_260 = vector.shape_cast %get3A_259 : vector<16xi32> to vector<16xi32>
      %and3A_261 = arith.constant 7 : i32
      %and3A_262 = vector.broadcast %and3A_261 : i32 to vector<16xi32>
      %and3A_263 = arith.andi %get3A_260, %and3A_262 : vector<16xi32>
      %swap3A_264 = arith.constant 16 : index
      %swap3A_265 = tpu.vector_load %arg12[%swap3A_264] {strides = array<i32>} : memref<64xi32, #tpu.memory_space<vmem>>, vector<16xi32>,
      %swap3A_266 = vector.shape_cast %swap3A_265 : vector<16xi32> to vector<16xi32>
      %swap3A_267 = vector.shape_cast %and3A_263 : vector<16xi32> to vector<16xi32>
      tpu.vector_store %arg12[%swap3A_264], %swap3A_267 {strides = array<i32>} : memref<64xi32, #tpu.memory_space<vmem>>, vector<16xi32>,
      %get3A_268 = arith.constant 32 : index
      %get3A_269 = tpu.vector_load %arg11[%get3A_268] {strides = array<i32>} : memref<64xi32, #tpu.memory_space<vmem>>, vector<16xi32>,
      %get3A_270 = vector.shape_cast %get3A_269 : vector<16xi32> to vector<16xi32>
      %and3A_271 = arith.constant 7 : i32
      %and3A_272 = vector.broadcast %and3A_271 : i32 to vector<16xi32>
      %and3A_273 = arith.andi %get3A_270, %and3A_272 : vector<16xi32>
      %swap3A_274 = arith.constant 32 : index
      %swap3A_275 = tpu.vector_load %arg12[%swap3A_274] {strides = array<i32>} : memref<64xi32, #tpu.memory_space<vmem>>, vector<16xi32>,
      %swap3A_276 = vector.shape_cast %swap3A_275 : vector<16xi32> to vector<16xi32>
      %swap3A_277 = vector.shape_cast %and3A_273 : vector<16xi32> to vector<16xi32>
      tpu.vector_store %arg12[%swap3A_274], %swap3A_277 {strides = array<i32>} : memref<64xi32, #tpu.memory_space<vmem>>, vector<16xi32>,
      %get3A_278 = arith.constant 48 : index
      %get3A_279 = tpu.vector_load %arg11[%get3A_278] {strides = array<i32>} : memref<64xi32, #tpu.memory_space<vmem>>, vector<16xi32>,
      %get3A_280 = vector.shape_cast %get3A_279 : vector<16xi32> to vector<16xi32>
      %and3A_281 = arith.constant 7 : i32
      %and3A_282 = vector.broadcast %and3A_281 : i32 to vector<16xi32>
      %and3A_283 = arith.andi %get3A_280, %and3A_282 : vector<16xi32>
      %swap3A_284 = arith.constant 48 : index
      %swap3A_285 = tpu.vector_load %arg12[%swap3A_284] {strides = array<i32>} : memref<64xi32, #tpu.memory_space<vmem>>, vector<16xi32>,
      %swap3A_286 = vector.shape_cast %swap3A_285 : vector<16xi32> to vector<16xi32>
      %swap3A_287 = vector.shape_cast %and3A_283 : vector<16xi32> to vector<16xi32>
      tpu.vector_store %arg12[%swap3A_284], %swap3A_287 {strides = array<i32>} : memref<64xi32, #tpu.memory_space<vmem>>, vector<16xi32>,
      %dma_start3A = arith.constant 0 : i32
      %dma_start3A_288 = arith.constant 0 : i32
      %dma_start3A_289 = tpu.memref_slice %arg2[%dma_start3A, %dma_start3A_288] : memref<10240x128xf32, #tpu.memory_space<hbm>> -> memref<10240x128xf32, #tpu.memory_space<hbm>>
      tpu.enqueue_indirect_dma source(%dma_start3A_289 : memref<10240x128xf32, #tpu.memory_space<hbm>>) target(%arg15 : memref<64x128xf32, #tpu.memory_space<vmem>>) offsets(%arg11 : memref<64xi32, #tpu.memory_space<vmem>>) semaphore(%arg19 : memref<!tpu.dma_semaphore, #tpu.memory_space<semaphore_mem>>)
      %dma_start3A_290 = arith.constant 0 : i32
      %dma_start3A_291 = arith.constant 0 : i32
      %dma_start3A_292 = tpu.memref_slice %arg3[%dma_start3A_290, %dma_start3A_291] : memref<30720x128xf32, #tpu.memory_space<hbm>> -> memref<30720x128xf32, #tpu.memory_space<hbm>>
      tpu.enqueue_indirect_dma source(%dma_start3A_292 : memref<30720x128xf32, #tpu.memory_space<hbm>>) target(%arg16 : memref<64x128xf32, #tpu.memory_space<vmem>>) offsets(%arg13 : memref<64xi32, #tpu.memory_space<vmem>>) semaphore(%arg20 : memref<!tpu.dma_semaphore, #tpu.memory_space<semaphore_mem>>)
      %dma_start3A_293 = arith.constant 0 : i32
      %dma_start3A_294 = arith.constant 0 : i32
      %dma_start3A_295 = tpu.memref_slice %arg4[%dma_start3A_293, %dma_start3A_294] : memref<30720x128xf32, #tpu.memory_space<hbm>> -> memref<30720x128xf32, #tpu.memory_space<hbm>>
      tpu.enqueue_indirect_dma source(%dma_start3A_295 : memref<30720x128xf32, #tpu.memory_space<hbm>>) target(%arg17 : memref<64x128xf32, #tpu.memory_space<vmem>>) offsets(%arg13 : memref<64xi32, #tpu.memory_space<vmem>>) semaphore(%arg21 : memref<!tpu.dma_semaphore, #tpu.memory_space<semaphore_mem>>)
      %dma_wait3A = arith.constant 0 : i32
      %dma_wait3A_296 = arith.constant 0 : i32
      %dma_wait3A_297 = tpu.memref_slice %arg2[%dma_wait3A, %dma_wait3A_296] : memref<10240x128xf32, #tpu.memory_space<hbm>> -> memref<10240x128xf32, #tpu.memory_space<hbm>>
      tpu.wait_indirect_dma semaphore(%arg19 : memref<!tpu.dma_semaphore, #tpu.memory_space<semaphore_mem>>) src(%dma_wait3A_297 : memref<10240x128xf32, #tpu.memory_space<hbm>>) dst(%arg15 : memref<64x128xf32, #tpu.memory_space<vmem>>)
      %dma_wait3A_298 = arith.constant 0 : i32
      %dma_wait3A_299 = arith.constant 0 : i32
      %dma_wait3A_300 = tpu.memref_slice %arg3[%dma_wait3A_298, %dma_wait3A_299] : memref<30720x128xf32, #tpu.memory_space<hbm>> -> memref<30720x128xf32, #tpu.memory_space<hbm>>
      tpu.wait_indirect_dma semaphore(%arg20 : memref<!tpu.dma_semaphore, #tpu.memory_space<semaphore_mem>>) src(%dma_wait3A_300 : memref<30720x128xf32, #tpu.memory_space<hbm>>) dst(%arg16 : memref<64x128xf32, #tpu.memory_space<vmem>>)
      %dma_wait3A_301 = arith.constant 0 : i32
      %dma_wait3A_302 = arith.constant 0 : i32
      %dma_wait3A_303 = tpu.memref_slice %arg4[%dma_wait3A_301, %dma_wait3A_302] : memref<30720x128xf32, #tpu.memory_space<hbm>> -> memref<30720x128xf32, #tpu.memory_space<hbm>>
      tpu.wait_indirect_dma semaphore(%arg21 : memref<!tpu.dma_semaphore, #tpu.memory_space<semaphore_mem>>) src(%dma_wait3A_303 : memref<30720x128xf32, #tpu.memory_space<hbm>>) dst(%arg17 : memref<64x128xf32, #tpu.memory_space<vmem>>)
      %parallel_loop3A = arith.constant 0 : i32
      %parallel_loop3A_304 = arith.constant 64 : i32
      %parallel_loop3A_305 = arith.constant 1 : i32
      scf.for %parallel_loop3A_306 = %parallel_loop3A to %parallel_loop3A_304 step %parallel_loop3A_305  : i32 {
        %parallel_loop3A_307 = arith.index_cast %parallel_loop3A_306 : i32 to index
        %parallel_loop3A_308 = arith.constant 0 : index
        %parallel_loop3A_309 = tpu.vector_load %arg15[%parallel_loop3A_307, %parallel_loop3A_308] {strides = array<i32>} : memref<64x128xf32, #tpu.memory_space<vmem>>, vector<1x16xf32>,
        %parallel_loop3A_310 = vector.shape_cast %parallel_loop3A_309 : vector<1x16xf32> to vector<16xf32>
        %parallel_loop3A_311 = arith.index_cast %parallel_loop3A_306 : i32 to index
        %parallel_loop3A_312 = arith.constant 0 : index
        %parallel_loop3A_313 = tpu.vector_load %arg16[%parallel_loop3A_311, %parallel_loop3A_312] {strides = array<i32>} : memref<64x128xf32, #tpu.memory_space<vmem>>, vector<1x16xf32>,
        %parallel_loop3A_314 = vector.shape_cast %parallel_loop3A_313 : vector<1x16xf32> to vector<16xf32>
        %parallel_loop3A_315 = arith.mulf %parallel_loop3A_310, %parallel_loop3A_314 : vector<16xf32>
        %parallel_loop3A_316 = arith.constant 0 : i32
        %parallel_loop3A_317 = vector.broadcast %parallel_loop3A_316 : i32 to vector<16xi32>
        %parallel_loop3A_318 = arith.cmpi slt, %xor3A_2, %parallel_loop3A_317 : vector<16xi32>
        %parallel_loop3A_319 = arith.constant 16 : i32
        %parallel_loop3A_320 = vector.broadcast %parallel_loop3A_319 : i32 to vector<16xi32>
        %parallel_loop3A_321 = arith.addi %xor3A_2, %parallel_loop3A_320 : vector<16xi32>
        %parallel_loop3A_322 = arith.select %parallel_loop3A_318, %parallel_loop3A_321, %xor3A_2 : vector<16xi1>, vector<16xi32>
        %parallel_loop3A_323 = vector.shape_cast %parallel_loop3A_322 : vector<16xi32> to vector<16x1xi32>
        %parallel_loop3A_324 = vector.shape_cast %parallel_loop3A_323 : vector<16x1xi32> to vector<16xi32>
        %parallel_loop3A_325 = tpu.dynamic_gather %parallel_loop3A_315[%parallel_loop3A_324] in [0] : vector<16xf32>, vector<16xi32> -> vector<16xf32>
        %parallel_loop3A_326 = arith.addf %parallel_loop3A_315, %parallel_loop3A_325 : vector<16xf32>
        %parallel_loop3A_327 = arith.constant 0 : i32
        %parallel_loop3A_328 = vector.broadcast %parallel_loop3A_327 : i32 to vector<16xi32>
        %parallel_loop3A_329 = arith.cmpi slt, %xor3A_5, %parallel_loop3A_328 : vector<16xi32>
        %parallel_loop3A_330 = arith.constant 16 : i32
        %parallel_loop3A_331 = vector.broadcast %parallel_loop3A_330 : i32 to vector<16xi32>
        %parallel_loop3A_332 = arith.addi %xor3A_5, %parallel_loop3A_331 : vector<16xi32>
        %parallel_loop3A_333 = arith.select %parallel_loop3A_329, %parallel_loop3A_332, %xor3A_5 : vector<16xi1>, vector<16xi32>
        %parallel_loop3A_334 = vector.shape_cast %parallel_loop3A_333 : vector<16xi32> to vector<16x1xi32>
        %parallel_loop3A_335 = vector.shape_cast %parallel_loop3A_334 : vector<16x1xi32> to vector<16xi32>
        %parallel_loop3A_336 = tpu.dynamic_gather %parallel_loop3A_326[%parallel_loop3A_335] in [0] : vector<16xf32>, vector<16xi32> -> vector<16xf32>
        %parallel_loop3A_337 = arith.addf %parallel_loop3A_326, %parallel_loop3A_336 : vector<16xf32>
        %parallel_loop3A_338 = arith.constant 0 : i32
        %parallel_loop3A_339 = vector.broadcast %parallel_loop3A_338 : i32 to vector<16xi32>
        %parallel_loop3A_340 = arith.cmpi slt, %xor3A_8, %parallel_loop3A_339 : vector<16xi32>
        %parallel_loop3A_341 = arith.constant 16 : i32
        %parallel_loop3A_342 = vector.broadcast %parallel_loop3A_341 : i32 to vector<16xi32>
        %parallel_loop3A_343 = arith.addi %xor3A_8, %parallel_loop3A_342 : vector<16xi32>
        %parallel_loop3A_344 = arith.select %parallel_loop3A_340, %parallel_loop3A_343, %xor3A_8 : vector<16xi1>, vector<16xi32>
        %parallel_loop3A_345 = vector.shape_cast %parallel_loop3A_344 : vector<16xi32> to vector<16x1xi32>
        %parallel_loop3A_346 = vector.shape_cast %parallel_loop3A_345 : vector<16x1xi32> to vector<16xi32>
        %parallel_loop3A_347 = tpu.dynamic_gather %parallel_loop3A_337[%parallel_loop3A_346] in [0] : vector<16xf32>, vector<16xi32> -> vector<16xf32>
        %parallel_loop3A_348 = arith.addf %parallel_loop3A_337, %parallel_loop3A_347 : vector<16xf32>
        %parallel_loop3A_349 = arith.constant 0 : i32
        %parallel_loop3A_350 = vector.broadcast %parallel_loop3A_349 : i32 to vector<16xi32>
        %parallel_loop3A_351 = arith.cmpi slt, %xor3A_11, %parallel_loop3A_350 : vector<16xi32>
        %parallel_loop3A_352 = arith.constant 16 : i32
        %parallel_loop3A_353 = vector.broadcast %parallel_loop3A_352 : i32 to vector<16xi32>
        %parallel_loop3A_354 = arith.addi %xor3A_11, %parallel_loop3A_353 : vector<16xi32>
        %parallel_loop3A_355 = arith.select %parallel_loop3A_351, %parallel_loop3A_354, %xor3A_11 : vector<16xi1>, vector<16xi32>
        %parallel_loop3A_356 = vector.shape_cast %parallel_loop3A_355 : vector<16xi32> to vector<16x1xi32>
        %parallel_loop3A_357 = vector.shape_cast %parallel_loop3A_356 : vector<16x1xi32> to vector<16xi32>
        %parallel_loop3A_358 = tpu.dynamic_gather %parallel_loop3A_348[%parallel_loop3A_357] in [0] : vector<16xf32>, vector<16xi32> -> vector<16xf32>
        %parallel_loop3A_359 = arith.addf %parallel_loop3A_348, %parallel_loop3A_358 : vector<16xf32>
        %parallel_loop3A_360 = arith.constant 0 : i32
        %parallel_loop3A_361 = vector.broadcast %parallel_loop3A_360 : i32 to vector<16xi32>
        %parallel_loop3A_362 = arith.cmpi eq, %iota3A, %parallel_loop3A_361 : vector<16xi32>
        %parallel_loop3A_363 = arith.select %parallel_loop3A_362, %parallel_loop3A_359, %broadcast_in_dim3A_12 : vector<16xi1>, vector<16xf32>
        %parallel_loop3A_364 = arith.index_cast %parallel_loop3A_306 : i32 to index
        %parallel_loop3A_365 = arith.constant 16 : index
        %parallel_loop3A_366 = tpu.vector_load %arg15[%parallel_loop3A_364, %parallel_loop3A_365] {strides = array<i32>} : memref<64x128xf32, #tpu.memory_space<vmem>>, vector<1x16xf32>,
        %parallel_loop3A_367 = vector.shape_cast %parallel_loop3A_366 : vector<1x16xf32> to vector<16xf32>
        %parallel_loop3A_368 = arith.index_cast %parallel_loop3A_306 : i32 to index
        %parallel_loop3A_369 = arith.constant 16 : index
        %parallel_loop3A_370 = tpu.vector_load %arg16[%parallel_loop3A_368, %parallel_loop3A_369] {strides = array<i32>} : memref<64x128xf32, #tpu.memory_space<vmem>>, vector<1x16xf32>,
        %parallel_loop3A_371 = vector.shape_cast %parallel_loop3A_370 : vector<1x16xf32> to vector<16xf32>
        %parallel_loop3A_372 = arith.mulf %parallel_loop3A_367, %parallel_loop3A_371 : vector<16xf32>
        %parallel_loop3A_373 = arith.constant 0 : i32
        %parallel_loop3A_374 = vector.broadcast %parallel_loop3A_373 : i32 to vector<16xi32>
        %parallel_loop3A_375 = arith.cmpi slt, %xor3A_2, %parallel_loop3A_374 : vector<16xi32>
        %parallel_loop3A_376 = arith.constant 16 : i32
        %parallel_loop3A_377 = vector.broadcast %parallel_loop3A_376 : i32 to vector<16xi32>
        %parallel_loop3A_378 = arith.addi %xor3A_2, %parallel_loop3A_377 : vector<16xi32>
        %parallel_loop3A_379 = arith.select %parallel_loop3A_375, %parallel_loop3A_378, %xor3A_2 : vector<16xi1>, vector<16xi32>
        %parallel_loop3A_380 = vector.shape_cast %parallel_loop3A_379 : vector<16xi32> to vector<16x1xi32>
        %parallel_loop3A_381 = vector.shape_cast %parallel_loop3A_380 : vector<16x1xi32> to vector<16xi32>
        %parallel_loop3A_382 = tpu.dynamic_gather %parallel_loop3A_372[%parallel_loop3A_381] in [0] : vector<16xf32>, vector<16xi32> -> vector<16xf32>
        %parallel_loop3A_383 = arith.addf %parallel_loop3A_372, %parallel_loop3A_382 : vector<16xf32>
        %parallel_loop3A_384 = arith.constant 0 : i32
        %parallel_loop3A_385 = vector.broadcast %parallel_loop3A_384 : i32 to vector<16xi32>
        %parallel_loop3A_386 = arith.cmpi slt, %xor3A_5, %parallel_loop3A_385 : vector<16xi32>
        %parallel_loop3A_387 = arith.constant 16 : i32
        %parallel_loop3A_388 = vector.broadcast %parallel_loop3A_387 : i32 to vector<16xi32>
        %parallel_loop3A_389 = arith.addi %xor3A_5, %parallel_loop3A_388 : vector<16xi32>
        %parallel_loop3A_390 = arith.select %parallel_loop3A_386, %parallel_loop3A_389, %xor3A_5 : vector<16xi1>, vector<16xi32>
        %parallel_loop3A_391 = vector.shape_cast %parallel_loop3A_390 : vector<16xi32> to vector<16x1xi32>
        %parallel_loop3A_392 = vector.shape_cast %parallel_loop3A_391 : vector<16x1xi32> to vector<16xi32>
        %parallel_loop3A_393 = tpu.dynamic_gather %parallel_loop3A_383[%parallel_loop3A_392] in [0] : vector<16xf32>, vector<16xi32> -> vector<16xf32>
        %parallel_loop3A_394 = arith.addf %parallel_loop3A_383, %parallel_loop3A_393 : vector<16xf32>
        %parallel_loop3A_395 = arith.constant 0 : i32
        %parallel_loop3A_396 = vector.broadcast %parallel_loop3A_395 : i32 to vector<16xi32>
        %parallel_loop3A_397 = arith.cmpi slt, %xor3A_8, %parallel_loop3A_396 : vector<16xi32>
        %parallel_loop3A_398 = arith.constant 16 : i32
        %parallel_loop3A_399 = vector.broadcast %parallel_loop3A_398 : i32 to vector<16xi32>
        %parallel_loop3A_400 = arith.addi %xor3A_8, %parallel_loop3A_399 : vector<16xi32>
        %parallel_loop3A_401 = arith.select %parallel_loop3A_397, %parallel_loop3A_400, %xor3A_8 : vector<16xi1>, vector<16xi32>
        %parallel_loop3A_402 = vector.shape_cast %parallel_loop3A_401 : vector<16xi32> to vector<16x1xi32>
        %parallel_loop3A_403 = vector.shape_cast %parallel_loop3A_402 : vector<16x1xi32> to vector<16xi32>
        %parallel_loop3A_404 = tpu.dynamic_gather %parallel_loop3A_394[%parallel_loop3A_403] in [0] : vector<16xf32>, vector<16xi32> -> vector<16xf32>
        %parallel_loop3A_405 = arith.addf %parallel_loop3A_394, %parallel_loop3A_404 : vector<16xf32>
        %parallel_loop3A_406 = arith.constant 0 : i32
        %parallel_loop3A_407 = vector.broadcast %parallel_loop3A_406 : i32 to vector<16xi32>
        %parallel_loop3A_408 = arith.cmpi slt, %xor3A_11, %parallel_loop3A_407 : vector<16xi32>
        %parallel_loop3A_409 = arith.constant 16 : i32
        %parallel_loop3A_410 = vector.broadcast %parallel_loop3A_409 : i32 to vector<16xi32>
        %parallel_loop3A_411 = arith.addi %xor3A_11, %parallel_loop3A_410 : vector<16xi32>
        %parallel_loop3A_412 = arith.select %parallel_loop3A_408, %parallel_loop3A_411, %xor3A_11 : vector<16xi1>, vector<16xi32>
        %parallel_loop3A_413 = vector.shape_cast %parallel_loop3A_412 : vector<16xi32> to vector<16x1xi32>
        %parallel_loop3A_414 = vector.shape_cast %parallel_loop3A_413 : vector<16x1xi32> to vector<16xi32>
        %parallel_loop3A_415 = tpu.dynamic_gather %parallel_loop3A_405[%parallel_loop3A_414] in [0] : vector<16xf32>, vector<16xi32> -> vector<16xf32>
        %parallel_loop3A_416 = arith.addf %parallel_loop3A_405, %parallel_loop3A_415 : vector<16xf32>
        %parallel_loop3A_417 = arith.constant 1 : i32
        %parallel_loop3A_418 = vector.broadcast %parallel_loop3A_417 : i32 to vector<16xi32>
        %parallel_loop3A_419 = arith.cmpi eq, %iota3A, %parallel_loop3A_418 : vector<16xi32>
        %parallel_loop3A_420 = arith.select %parallel_loop3A_419, %parallel_loop3A_416, %parallel_loop3A_363 : vector<16xi1>, vector<16xf32>
        %parallel_loop3A_421 = arith.index_cast %parallel_loop3A_306 : i32 to index
        %parallel_loop3A_422 = arith.constant 32 : index
        %parallel_loop3A_423 = tpu.vector_load %arg15[%parallel_loop3A_421, %parallel_loop3A_422] {strides = array<i32>} : memref<64x128xf32, #tpu.memory_space<vmem>>, vector<1x16xf32>,
        %parallel_loop3A_424 = vector.shape_cast %parallel_loop3A_423 : vector<1x16xf32> to vector<16xf32>
        %parallel_loop3A_425 = arith.index_cast %parallel_loop3A_306 : i32 to index
        %parallel_loop3A_426 = arith.constant 32 : index
        %parallel_loop3A_427 = tpu.vector_load %arg16[%parallel_loop3A_425, %parallel_loop3A_426] {strides = array<i32>} : memref<64x128xf32, #tpu.memory_space<vmem>>, vector<1x16xf32>,
        %parallel_loop3A_428 = vector.shape_cast %parallel_loop3A_427 : vector<1x16xf32> to vector<16xf32>
        %parallel_loop3A_429 = arith.mulf %parallel_loop3A_424, %parallel_loop3A_428 : vector<16xf32>
        %parallel_loop3A_430 = arith.constant 0 : i32
        %parallel_loop3A_431 = vector.broadcast %parallel_loop3A_430 : i32 to vector<16xi32>
        %parallel_loop3A_432 = arith.cmpi slt, %xor3A_2, %parallel_loop3A_431 : vector<16xi32>
        %parallel_loop3A_433 = arith.constant 16 : i32
        %parallel_loop3A_434 = vector.broadcast %parallel_loop3A_433 : i32 to vector<16xi32>
        %parallel_loop3A_435 = arith.addi %xor3A_2, %parallel_loop3A_434 : vector<16xi32>
        %parallel_loop3A_436 = arith.select %parallel_loop3A_432, %parallel_loop3A_435, %xor3A_2 : vector<16xi1>, vector<16xi32>
        %parallel_loop3A_437 = vector.shape_cast %parallel_loop3A_436 : vector<16xi32> to vector<16x1xi32>
        %parallel_loop3A_438 = vector.shape_cast %parallel_loop3A_437 : vector<16x1xi32> to vector<16xi32>
        %parallel_loop3A_439 = tpu.dynamic_gather %parallel_loop3A_429[%parallel_loop3A_438] in [0] : vector<16xf32>, vector<16xi32> -> vector<16xf32>
        %parallel_loop3A_440 = arith.addf %parallel_loop3A_429, %parallel_loop3A_439 : vector<16xf32>
        %parallel_loop3A_441 = arith.constant 0 : i32
        %parallel_loop3A_442 = vector.broadcast %parallel_loop3A_441 : i32 to vector<16xi32>
        %parallel_loop3A_443 = arith.cmpi slt, %xor3A_5, %parallel_loop3A_442 : vector<16xi32>
        %parallel_loop3A_444 = arith.constant 16 : i32
        %parallel_loop3A_445 = vector.broadcast %parallel_loop3A_444 : i32 to vector<16xi32>
        %parallel_loop3A_446 = arith.addi %xor3A_5, %parallel_loop3A_445 : vector<16xi32>
        %parallel_loop3A_447 = arith.select %parallel_loop3A_443, %parallel_loop3A_446, %xor3A_5 : vector<16xi1>, vector<16xi32>
        %parallel_loop3A_448 = vector.shape_cast %parallel_loop3A_447 : vector<16xi32> to vector<16x1xi32>
        %parallel_loop3A_449 = vector.shape_cast %parallel_loop3A_448 : vector<16x1xi32> to vector<16xi32>
        %parallel_loop3A_450 = tpu.dynamic_gather %parallel_loop3A_440[%parallel_loop3A_449] in [0] : vector<16xf32>, vector<16xi32> -> vector<16xf32>
        %parallel_loop3A_451 = arith.addf %parallel_loop3A_440, %parallel_loop3A_450 : vector<16xf32>
        %parallel_loop3A_452 = arith.constant 0 : i32
        %parallel_loop3A_453 = vector.broadcast %parallel_loop3A_452 : i32 to vector<16xi32>
        %parallel_loop3A_454 = arith.cmpi slt, %xor3A_8, %parallel_loop3A_453 : vector<16xi32>
        %parallel_loop3A_455 = arith.constant 16 : i32
        %parallel_loop3A_456 = vector.broadcast %parallel_loop3A_455 : i32 to vector<16xi32>
        %parallel_loop3A_457 = arith.addi %xor3A_8, %parallel_loop3A_456 : vector<16xi32>
        %parallel_loop3A_458 = arith.select %parallel_loop3A_454, %parallel_loop3A_457, %xor3A_8 : vector<16xi1>, vector<16xi32>
        %parallel_loop3A_459 = vector.shape_cast %parallel_loop3A_458 : vector<16xi32> to vector<16x1xi32>
        %parallel_loop3A_460 = vector.shape_cast %parallel_loop3A_459 : vector<16x1xi32> to vector<16xi32>
        %parallel_loop3A_461 = tpu.dynamic_gather %parallel_loop3A_451[%parallel_loop3A_460] in [0] : vector<16xf32>, vector<16xi32> -> vector<16xf32>
        %parallel_loop3A_462 = arith.addf %parallel_loop3A_451, %parallel_loop3A_461 : vector<16xf32>
        %parallel_loop3A_463 = arith.constant 0 : i32
        %parallel_loop3A_464 = vector.broadcast %parallel_loop3A_463 : i32 to vector<16xi32>
        %parallel_loop3A_465 = arith.cmpi slt, %xor3A_11, %parallel_loop3A_464 : vector<16xi32>
        %parallel_loop3A_466 = arith.constant 16 : i32
        %parallel_loop3A_467 = vector.broadcast %parallel_loop3A_466 : i32 to vector<16xi32>
        %parallel_loop3A_468 = arith.addi %xor3A_11, %parallel_loop3A_467 : vector<16xi32>
        %parallel_loop3A_469 = arith.select %parallel_loop3A_465, %parallel_loop3A_468, %xor3A_11 : vector<16xi1>, vector<16xi32>
        %parallel_loop3A_470 = vector.shape_cast %parallel_loop3A_469 : vector<16xi32> to vector<16x1xi32>
        %parallel_loop3A_471 = vector.shape_cast %parallel_loop3A_470 : vector<16x1xi32> to vector<16xi32>
        %parallel_loop3A_472 = tpu.dynamic_gather %parallel_loop3A_462[%parallel_loop3A_471] in [0] : vector<16xf32>, vector<16xi32> -> vector<16xf32>
        %parallel_loop3A_473 = arith.addf %parallel_loop3A_462, %parallel_loop3A_472 : vector<16xf32>
        %parallel_loop3A_474 = arith.constant 2 : i32
        %parallel_loop3A_475 = vector.broadcast %parallel_loop3A_474 : i32 to vector<16xi32>
        %parallel_loop3A_476 = arith.cmpi eq, %iota3A, %parallel_loop3A_475 : vector<16xi32>
        %parallel_loop3A_477 = arith.select %parallel_loop3A_476, %parallel_loop3A_473, %parallel_loop3A_420 : vector<16xi1>, vector<16xf32>
        %parallel_loop3A_478 = arith.index_cast %parallel_loop3A_306 : i32 to index
        %parallel_loop3A_479 = arith.constant 48 : index
        %parallel_loop3A_480 = tpu.vector_load %arg15[%parallel_loop3A_478, %parallel_loop3A_479] {strides = array<i32>} : memref<64x128xf32, #tpu.memory_space<vmem>>, vector<1x16xf32>,
        %parallel_loop3A_481 = vector.shape_cast %parallel_loop3A_480 : vector<1x16xf32> to vector<16xf32>
        %parallel_loop3A_482 = arith.index_cast %parallel_loop3A_306 : i32 to index
        %parallel_loop3A_483 = arith.constant 48 : index
        %parallel_loop3A_484 = tpu.vector_load %arg16[%parallel_loop3A_482, %parallel_loop3A_483] {strides = array<i32>} : memref<64x128xf32, #tpu.memory_space<vmem>>, vector<1x16xf32>,
        %parallel_loop3A_485 = vector.shape_cast %parallel_loop3A_484 : vector<1x16xf32> to vector<16xf32>
        %parallel_loop3A_486 = arith.mulf %parallel_loop3A_481, %parallel_loop3A_485 : vector<16xf32>
        %parallel_loop3A_487 = arith.constant 0 : i32
        %parallel_loop3A_488 = vector.broadcast %parallel_loop3A_487 : i32 to vector<16xi32>
        %parallel_loop3A_489 = arith.cmpi slt, %xor3A_2, %parallel_loop3A_488 : vector<16xi32>
        %parallel_loop3A_490 = arith.constant 16 : i32
        %parallel_loop3A_491 = vector.broadcast %parallel_loop3A_490 : i32 to vector<16xi32>
        %parallel_loop3A_492 = arith.addi %xor3A_2, %parallel_loop3A_491 : vector<16xi32>
        %parallel_loop3A_493 = arith.select %parallel_loop3A_489, %parallel_loop3A_492, %xor3A_2 : vector<16xi1>, vector<16xi32>
        %parallel_loop3A_494 = vector.shape_cast %parallel_loop3A_493 : vector<16xi32> to vector<16x1xi32>
        %parallel_loop3A_495 = vector.shape_cast %parallel_loop3A_494 : vector<16x1xi32> to vector<16xi32>
        %parallel_loop3A_496 = tpu.dynamic_gather %parallel_loop3A_486[%parallel_loop3A_495] in [0] : vector<16xf32>, vector<16xi32> -> vector<16xf32>
        %parallel_loop3A_497 = arith.addf %parallel_loop3A_486, %parallel_loop3A_496 : vector<16xf32>
        %parallel_loop3A_498 = arith.constant 0 : i32
        %parallel_loop3A_499 = vector.broadcast %parallel_loop3A_498 : i32 to vector<16xi32>
        %parallel_loop3A_500 = arith.cmpi slt, %xor3A_5, %parallel_loop3A_499 : vector<16xi32>
        %parallel_loop3A_501 = arith.constant 16 : i32
        %parallel_loop3A_502 = vector.broadcast %parallel_loop3A_501 : i32 to vector<16xi32>
        %parallel_loop3A_503 = arith.addi %xor3A_5, %parallel_loop3A_502 : vector<16xi32>
        %parallel_loop3A_504 = arith.select %parallel_loop3A_500, %parallel_loop3A_503, %xor3A_5 : vector<16xi1>, vector<16xi32>
        %parallel_loop3A_505 = vector.shape_cast %parallel_loop3A_504 : vector<16xi32> to vector<16x1xi32>
        %parallel_loop3A_506 = vector.shape_cast %parallel_loop3A_505 : vector<16x1xi32> to vector<16xi32>
        %parallel_loop3A_507 = tpu.dynamic_gather %parallel_loop3A_497[%parallel_loop3A_506] in [0] : vector<16xf32>, vector<16xi32> -> vector<16xf32>
        %parallel_loop3A_508 = arith.addf %parallel_loop3A_497, %parallel_loop3A_507 : vector<16xf32>
        %parallel_loop3A_509 = arith.constant 0 : i32
        %parallel_loop3A_510 = vector.broadcast %parallel_loop3A_509 : i32 to vector<16xi32>
        %parallel_loop3A_511 = arith.cmpi slt, %xor3A_8, %parallel_loop3A_510 : vector<16xi32>
        %parallel_loop3A_512 = arith.constant 16 : i32
        %parallel_loop3A_513 = vector.broadcast %parallel_loop3A_512 : i32 to vector<16xi32>
        %parallel_loop3A_514 = arith.addi %xor3A_8, %parallel_loop3A_513 : vector<16xi32>
        %parallel_loop3A_515 = arith.select %parallel_loop3A_511, %parallel_loop3A_514, %xor3A_8 : vector<16xi1>, vector<16xi32>
        %parallel_loop3A_516 = vector.shape_cast %parallel_loop3A_515 : vector<16xi32> to vector<16x1xi32>
        %parallel_loop3A_517 = vector.shape_cast %parallel_loop3A_516 : vector<16x1xi32> to vector<16xi32>
        %parallel_loop3A_518 = tpu.dynamic_gather %parallel_loop3A_508[%parallel_loop3A_517] in [0] : vector<16xf32>, vector<16xi32> -> vector<16xf32>
        %parallel_loop3A_519 = arith.addf %parallel_loop3A_508, %parallel_loop3A_518 : vector<16xf32>
        %parallel_loop3A_520 = arith.constant 0 : i32
        %parallel_loop3A_521 = vector.broadcast %parallel_loop3A_520 : i32 to vector<16xi32>
        %parallel_loop3A_522 = arith.cmpi slt, %xor3A_11, %parallel_loop3A_521 : vector<16xi32>
        %parallel_loop3A_523 = arith.constant 16 : i32
        %parallel_loop3A_524 = vector.broadcast %parallel_loop3A_523 : i32 to vector<16xi32>
        %parallel_loop3A_525 = arith.addi %xor3A_11, %parallel_loop3A_524 : vector<16xi32>
        %parallel_loop3A_526 = arith.select %parallel_loop3A_522, %parallel_loop3A_525, %xor3A_11 : vector<16xi1>, vector<16xi32>
        %parallel_loop3A_527 = vector.shape_cast %parallel_loop3A_526 : vector<16xi32> to vector<16x1xi32>
        %parallel_loop3A_528 = vector.shape_cast %parallel_loop3A_527 : vector<16x1xi32> to vector<16xi32>
        %parallel_loop3A_529 = tpu.dynamic_gather %parallel_loop3A_519[%parallel_loop3A_528] in [0] : vector<16xf32>, vector<16xi32> -> vector<16xf32>
        %parallel_loop3A_530 = arith.addf %parallel_loop3A_519, %parallel_loop3A_529 : vector<16xf32>
        %parallel_loop3A_531 = arith.constant 3 : i32
        %parallel_loop3A_532 = vector.broadcast %parallel_loop3A_531 : i32 to vector<16xi32>
        %parallel_loop3A_533 = arith.cmpi eq, %iota3A, %parallel_loop3A_532 : vector<16xi32>
        %parallel_loop3A_534 = arith.select %parallel_loop3A_533, %parallel_loop3A_530, %parallel_loop3A_477 : vector<16xi1>, vector<16xf32>
        %parallel_loop3A_535 = arith.index_cast %parallel_loop3A_306 : i32 to index
        %parallel_loop3A_536 = arith.constant 64 : index
        %parallel_loop3A_537 = tpu.vector_load %arg15[%parallel_loop3A_535, %parallel_loop3A_536] {strides = array<i32>} : memref<64x128xf32, #tpu.memory_space<vmem>>, vector<1x16xf32>,
        %parallel_loop3A_538 = vector.shape_cast %parallel_loop3A_537 : vector<1x16xf32> to vector<16xf32>
        %parallel_loop3A_539 = arith.index_cast %parallel_loop3A_306 : i32 to index
        %parallel_loop3A_540 = arith.constant 64 : index
        %parallel_loop3A_541 = tpu.vector_load %arg16[%parallel_loop3A_539, %parallel_loop3A_540] {strides = array<i32>} : memref<64x128xf32, #tpu.memory_space<vmem>>, vector<1x16xf32>,
        %parallel_loop3A_542 = vector.shape_cast %parallel_loop3A_541 : vector<1x16xf32> to vector<16xf32>
        %parallel_loop3A_543 = arith.mulf %parallel_loop3A_538, %parallel_loop3A_542 : vector<16xf32>
        %parallel_loop3A_544 = arith.constant 0 : i32
        %parallel_loop3A_545 = vector.broadcast %parallel_loop3A_544 : i32 to vector<16xi32>
        %parallel_loop3A_546 = arith.cmpi slt, %xor3A_2, %parallel_loop3A_545 : vector<16xi32>
        %parallel_loop3A_547 = arith.constant 16 : i32
        %parallel_loop3A_548 = vector.broadcast %parallel_loop3A_547 : i32 to vector<16xi32>
        %parallel_loop3A_549 = arith.addi %xor3A_2, %parallel_loop3A_548 : vector<16xi32>
        %parallel_loop3A_550 = arith.select %parallel_loop3A_546, %parallel_loop3A_549, %xor3A_2 : vector<16xi1>, vector<16xi32>
        %parallel_loop3A_551 = vector.shape_cast %parallel_loop3A_550 : vector<16xi32> to vector<16x1xi32>
        %parallel_loop3A_552 = vector.shape_cast %parallel_loop3A_551 : vector<16x1xi32> to vector<16xi32>
        %parallel_loop3A_553 = tpu.dynamic_gather %parallel_loop3A_543[%parallel_loop3A_552] in [0] : vector<16xf32>, vector<16xi32> -> vector<16xf32>
        %parallel_loop3A_554 = arith.addf %parallel_loop3A_543, %parallel_loop3A_553 : vector<16xf32>
        %parallel_loop3A_555 = arith.constant 0 : i32
        %parallel_loop3A_556 = vector.broadcast %parallel_loop3A_555 : i32 to vector<16xi32>
        %parallel_loop3A_557 = arith.cmpi slt, %xor3A_5, %parallel_loop3A_556 : vector<16xi32>
        %parallel_loop3A_558 = arith.constant 16 : i32
        %parallel_loop3A_559 = vector.broadcast %parallel_loop3A_558 : i32 to vector<16xi32>
        %parallel_loop3A_560 = arith.addi %xor3A_5, %parallel_loop3A_559 : vector<16xi32>
        %parallel_loop3A_561 = arith.select %parallel_loop3A_557, %parallel_loop3A_560, %xor3A_5 : vector<16xi1>, vector<16xi32>
        %parallel_loop3A_562 = vector.shape_cast %parallel_loop3A_561 : vector<16xi32> to vector<16x1xi32>
        %parallel_loop3A_563 = vector.shape_cast %parallel_loop3A_562 : vector<16x1xi32> to vector<16xi32>
        %parallel_loop3A_564 = tpu.dynamic_gather %parallel_loop3A_554[%parallel_loop3A_563] in [0] : vector<16xf32>, vector<16xi32> -> vector<16xf32>
        %parallel_loop3A_565 = arith.addf %parallel_loop3A_554, %parallel_loop3A_564 : vector<16xf32>
        %parallel_loop3A_566 = arith.constant 0 : i32
        %parallel_loop3A_567 = vector.broadcast %parallel_loop3A_566 : i32 to vector<16xi32>
        %parallel_loop3A_568 = arith.cmpi slt, %xor3A_8, %parallel_loop3A_567 : vector<16xi32>
        %parallel_loop3A_569 = arith.constant 16 : i32
        %parallel_loop3A_570 = vector.broadcast %parallel_loop3A_569 : i32 to vector<16xi32>
        %parallel_loop3A_571 = arith.addi %xor3A_8, %parallel_loop3A_570 : vector<16xi32>
        %parallel_loop3A_572 = arith.select %parallel_loop3A_568, %parallel_loop3A_571, %xor3A_8 : vector<16xi1>, vector<16xi32>
        %parallel_loop3A_573 = vector.shape_cast %parallel_loop3A_572 : vector<16xi32> to vector<16x1xi32>
        %parallel_loop3A_574 = vector.shape_cast %parallel_loop3A_573 : vector<16x1xi32> to vector<16xi32>
        %parallel_loop3A_575 = tpu.dynamic_gather %parallel_loop3A_565[%parallel_loop3A_574] in [0] : vector<16xf32>, vector<16xi32> -> vector<16xf32>
        %parallel_loop3A_576 = arith.addf %parallel_loop3A_565, %parallel_loop3A_575 : vector<16xf32>
        %parallel_loop3A_577 = arith.constant 0 : i32
        %parallel_loop3A_578 = vector.broadcast %parallel_loop3A_577 : i32 to vector<16xi32>
        %parallel_loop3A_579 = arith.cmpi slt, %xor3A_11, %parallel_loop3A_578 : vector<16xi32>
        %parallel_loop3A_580 = arith.constant 16 : i32
        %parallel_loop3A_581 = vector.broadcast %parallel_loop3A_580 : i32 to vector<16xi32>
        %parallel_loop3A_582 = arith.addi %xor3A_11, %parallel_loop3A_581 : vector<16xi32>
        %parallel_loop3A_583 = arith.select %parallel_loop3A_579, %parallel_loop3A_582, %xor3A_11 : vector<16xi1>, vector<16xi32>
        %parallel_loop3A_584 = vector.shape_cast %parallel_loop3A_583 : vector<16xi32> to vector<16x1xi32>
        %parallel_loop3A_585 = vector.shape_cast %parallel_loop3A_584 : vector<16x1xi32> to vector<16xi32>
        %parallel_loop3A_586 = tpu.dynamic_gather %parallel_loop3A_576[%parallel_loop3A_585] in [0] : vector<16xf32>, vector<16xi32> -> vector<16xf32>
        %parallel_loop3A_587 = arith.addf %parallel_loop3A_576, %parallel_loop3A_586 : vector<16xf32>
        %parallel_loop3A_588 = arith.constant 4 : i32
        %parallel_loop3A_589 = vector.broadcast %parallel_loop3A_588 : i32 to vector<16xi32>
        %parallel_loop3A_590 = arith.cmpi eq, %iota3A, %parallel_loop3A_589 : vector<16xi32>
        %parallel_loop3A_591 = arith.select %parallel_loop3A_590, %parallel_loop3A_587, %parallel_loop3A_534 : vector<16xi1>, vector<16xf32>
        %parallel_loop3A_592 = arith.index_cast %parallel_loop3A_306 : i32 to index
        %parallel_loop3A_593 = arith.constant 80 : index
        %parallel_loop3A_594 = tpu.vector_load %arg15[%parallel_loop3A_592, %parallel_loop3A_593] {strides = array<i32>} : memref<64x128xf32, #tpu.memory_space<vmem>>, vector<1x16xf32>,
        %parallel_loop3A_595 = vector.shape_cast %parallel_loop3A_594 : vector<1x16xf32> to vector<16xf32>
        %parallel_loop3A_596 = arith.index_cast %parallel_loop3A_306 : i32 to index
        %parallel_loop3A_597 = arith.constant 80 : index
        %parallel_loop3A_598 = tpu.vector_load %arg16[%parallel_loop3A_596, %parallel_loop3A_597] {strides = array<i32>} : memref<64x128xf32, #tpu.memory_space<vmem>>, vector<1x16xf32>,
        %parallel_loop3A_599 = vector.shape_cast %parallel_loop3A_598 : vector<1x16xf32> to vector<16xf32>
        %parallel_loop3A_600 = arith.mulf %parallel_loop3A_595, %parallel_loop3A_599 : vector<16xf32>
        %parallel_loop3A_601 = arith.constant 0 : i32
        %parallel_loop3A_602 = vector.broadcast %parallel_loop3A_601 : i32 to vector<16xi32>
        %parallel_loop3A_603 = arith.cmpi slt, %xor3A_2, %parallel_loop3A_602 : vector<16xi32>
        %parallel_loop3A_604 = arith.constant 16 : i32
        %parallel_loop3A_605 = vector.broadcast %parallel_loop3A_604 : i32 to vector<16xi32>
        %parallel_loop3A_606 = arith.addi %xor3A_2, %parallel_loop3A_605 : vector<16xi32>
        %parallel_loop3A_607 = arith.select %parallel_loop3A_603, %parallel_loop3A_606, %xor3A_2 : vector<16xi1>, vector<16xi32>
        %parallel_loop3A_608 = vector.shape_cast %parallel_loop3A_607 : vector<16xi32> to vector<16x1xi32>
        %parallel_loop3A_609 = vector.shape_cast %parallel_loop3A_608 : vector<16x1xi32> to vector<16xi32>
        %parallel_loop3A_610 = tpu.dynamic_gather %parallel_loop3A_600[%parallel_loop3A_609] in [0] : vector<16xf32>, vector<16xi32> -> vector<16xf32>
        %parallel_loop3A_611 = arith.addf %parallel_loop3A_600, %parallel_loop3A_610 : vector<16xf32>
        %parallel_loop3A_612 = arith.constant 0 : i32
        %parallel_loop3A_613 = vector.broadcast %parallel_loop3A_612 : i32 to vector<16xi32>
        %parallel_loop3A_614 = arith.cmpi slt, %xor3A_5, %parallel_loop3A_613 : vector<16xi32>
        %parallel_loop3A_615 = arith.constant 16 : i32
        %parallel_loop3A_616 = vector.broadcast %parallel_loop3A_615 : i32 to vector<16xi32>
        %parallel_loop3A_617 = arith.addi %xor3A_5, %parallel_loop3A_616 : vector<16xi32>
        %parallel_loop3A_618 = arith.select %parallel_loop3A_614, %parallel_loop3A_617, %xor3A_5 : vector<16xi1>, vector<16xi32>
        %parallel_loop3A_619 = vector.shape_cast %parallel_loop3A_618 : vector<16xi32> to vector<16x1xi32>
        %parallel_loop3A_620 = vector.shape_cast %parallel_loop3A_619 : vector<16x1xi32> to vector<16xi32>
        %parallel_loop3A_621 = tpu.dynamic_gather %parallel_loop3A_611[%parallel_loop3A_620] in [0] : vector<16xf32>, vector<16xi32> -> vector<16xf32>
        %parallel_loop3A_622 = arith.addf %parallel_loop3A_611, %parallel_loop3A_621 : vector<16xf32>
        %parallel_loop3A_623 = arith.constant 0 : i32
        %parallel_loop3A_624 = vector.broadcast %parallel_loop3A_623 : i32 to vector<16xi32>
        %parallel_loop3A_625 = arith.cmpi slt, %xor3A_8, %parallel_loop3A_624 : vector<16xi32>
        %parallel_loop3A_626 = arith.constant 16 : i32
        %parallel_loop3A_627 = vector.broadcast %parallel_loop3A_626 : i32 to vector<16xi32>
        %parallel_loop3A_628 = arith.addi %xor3A_8, %parallel_loop3A_627 : vector<16xi32>
        %parallel_loop3A_629 = arith.select %parallel_loop3A_625, %parallel_loop3A_628, %xor3A_8 : vector<16xi1>, vector<16xi32>
        %parallel_loop3A_630 = vector.shape_cast %parallel_loop3A_629 : vector<16xi32> to vector<16x1xi32>
        %parallel_loop3A_631 = vector.shape_cast %parallel_loop3A_630 : vector<16x1xi32> to vector<16xi32>
        %parallel_loop3A_632 = tpu.dynamic_gather %parallel_loop3A_622[%parallel_loop3A_631] in [0] : vector<16xf32>, vector<16xi32> -> vector<16xf32>
        %parallel_loop3A_633 = arith.addf %parallel_loop3A_622, %parallel_loop3A_632 : vector<16xf32>
        %parallel_loop3A_634 = arith.constant 0 : i32
        %parallel_loop3A_635 = vector.broadcast %parallel_loop3A_634 : i32 to vector<16xi32>
        %parallel_loop3A_636 = arith.cmpi slt, %xor3A_11, %parallel_loop3A_635 : vector<16xi32>
        %parallel_loop3A_637 = arith.constant 16 : i32
        %parallel_loop3A_638 = vector.broadcast %parallel_loop3A_637 : i32 to vector<16xi32>
        %parallel_loop3A_639 = arith.addi %xor3A_11, %parallel_loop3A_638 : vector<16xi32>
        %parallel_loop3A_640 = arith.select %parallel_loop3A_636, %parallel_loop3A_639, %xor3A_11 : vector<16xi1>, vector<16xi32>
        %parallel_loop3A_641 = vector.shape_cast %parallel_loop3A_640 : vector<16xi32> to vector<16x1xi32>
        %parallel_loop3A_642 = vector.shape_cast %parallel_loop3A_641 : vector<16x1xi32> to vector<16xi32>
        %parallel_loop3A_643 = tpu.dynamic_gather %parallel_loop3A_633[%parallel_loop3A_642] in [0] : vector<16xf32>, vector<16xi32> -> vector<16xf32>
        %parallel_loop3A_644 = arith.addf %parallel_loop3A_633, %parallel_loop3A_643 : vector<16xf32>
        %parallel_loop3A_645 = arith.constant 5 : i32
        %parallel_loop3A_646 = vector.broadcast %parallel_loop3A_645 : i32 to vector<16xi32>
        %parallel_loop3A_647 = arith.cmpi eq, %iota3A, %parallel_loop3A_646 : vector<16xi32>
        %parallel_loop3A_648 = arith.select %parallel_loop3A_647, %parallel_loop3A_644, %parallel_loop3A_591 : vector<16xi1>, vector<16xf32>
        %parallel_loop3A_649 = arith.index_cast %parallel_loop3A_306 : i32 to index
        %parallel_loop3A_650 = arith.constant 96 : index
        %parallel_loop3A_651 = tpu.vector_load %arg15[%parallel_loop3A_649, %parallel_loop3A_650] {strides = array<i32>} : memref<64x128xf32, #tpu.memory_space<vmem>>, vector<1x16xf32>,
        %parallel_loop3A_652 = vector.shape_cast %parallel_loop3A_651 : vector<1x16xf32> to vector<16xf32>
        %parallel_loop3A_653 = arith.index_cast %parallel_loop3A_306 : i32 to index
        %parallel_loop3A_654 = arith.constant 96 : index
        %parallel_loop3A_655 = tpu.vector_load %arg16[%parallel_loop3A_653, %parallel_loop3A_654] {strides = array<i32>} : memref<64x128xf32, #tpu.memory_space<vmem>>, vector<1x16xf32>,
        %parallel_loop3A_656 = vector.shape_cast %parallel_loop3A_655 : vector<1x16xf32> to vector<16xf32>
        %parallel_loop3A_657 = arith.mulf %parallel_loop3A_652, %parallel_loop3A_656 : vector<16xf32>
        %parallel_loop3A_658 = arith.constant 0 : i32
        %parallel_loop3A_659 = vector.broadcast %parallel_loop3A_658 : i32 to vector<16xi32>
        %parallel_loop3A_660 = arith.cmpi slt, %xor3A_2, %parallel_loop3A_659 : vector<16xi32>
        %parallel_loop3A_661 = arith.constant 16 : i32
        %parallel_loop3A_662 = vector.broadcast %parallel_loop3A_661 : i32 to vector<16xi32>
        %parallel_loop3A_663 = arith.addi %xor3A_2, %parallel_loop3A_662 : vector<16xi32>
        %parallel_loop3A_664 = arith.select %parallel_loop3A_660, %parallel_loop3A_663, %xor3A_2 : vector<16xi1>, vector<16xi32>
        %parallel_loop3A_665 = vector.shape_cast %parallel_loop3A_664 : vector<16xi32> to vector<16x1xi32>
        %parallel_loop3A_666 = vector.shape_cast %parallel_loop3A_665 : vector<16x1xi32> to vector<16xi32>
        %parallel_loop3A_667 = tpu.dynamic_gather %parallel_loop3A_657[%parallel_loop3A_666] in [0] : vector<16xf32>, vector<16xi32> -> vector<16xf32>
        %parallel_loop3A_668 = arith.addf %parallel_loop3A_657, %parallel_loop3A_667 : vector<16xf32>
        %parallel_loop3A_669 = arith.constant 0 : i32
        %parallel_loop3A_670 = vector.broadcast %parallel_loop3A_669 : i32 to vector<16xi32>
        %parallel_loop3A_671 = arith.cmpi slt, %xor3A_5, %parallel_loop3A_670 : vector<16xi32>
        %parallel_loop3A_672 = arith.constant 16 : i32
        %parallel_loop3A_673 = vector.broadcast %parallel_loop3A_672 : i32 to vector<16xi32>
        %parallel_loop3A_674 = arith.addi %xor3A_5, %parallel_loop3A_673 : vector<16xi32>
        %parallel_loop3A_675 = arith.select %parallel_loop3A_671, %parallel_loop3A_674, %xor3A_5 : vector<16xi1>, vector<16xi32>
        %parallel_loop3A_676 = vector.shape_cast %parallel_loop3A_675 : vector<16xi32> to vector<16x1xi32>
        %parallel_loop3A_677 = vector.shape_cast %parallel_loop3A_676 : vector<16x1xi32> to vector<16xi32>
        %parallel_loop3A_678 = tpu.dynamic_gather %parallel_loop3A_668[%parallel_loop3A_677] in [0] : vector<16xf32>, vector<16xi32> -> vector<16xf32>
        %parallel_loop3A_679 = arith.addf %parallel_loop3A_668, %parallel_loop3A_678 : vector<16xf32>
        %parallel_loop3A_680 = arith.constant 0 : i32
        %parallel_loop3A_681 = vector.broadcast %parallel_loop3A_680 : i32 to vector<16xi32>
        %parallel_loop3A_682 = arith.cmpi slt, %xor3A_8, %parallel_loop3A_681 : vector<16xi32>
        %parallel_loop3A_683 = arith.constant 16 : i32
        %parallel_loop3A_684 = vector.broadcast %parallel_loop3A_683 : i32 to vector<16xi32>
        %parallel_loop3A_685 = arith.addi %xor3A_8, %parallel_loop3A_684 : vector<16xi32>
        %parallel_loop3A_686 = arith.select %parallel_loop3A_682, %parallel_loop3A_685, %xor3A_8 : vector<16xi1>, vector<16xi32>
        %parallel_loop3A_687 = vector.shape_cast %parallel_loop3A_686 : vector<16xi32> to vector<16x1xi32>
        %parallel_loop3A_688 = vector.shape_cast %parallel_loop3A_687 : vector<16x1xi32> to vector<16xi32>
        %parallel_loop3A_689 = tpu.dynamic_gather %parallel_loop3A_679[%parallel_loop3A_688] in [0] : vector<16xf32>, vector<16xi32> -> vector<16xf32>
        %parallel_loop3A_690 = arith.addf %parallel_loop3A_679, %parallel_loop3A_689 : vector<16xf32>
        %parallel_loop3A_691 = arith.constant 0 : i32
        %parallel_loop3A_692 = vector.broadcast %parallel_loop3A_691 : i32 to vector<16xi32>
        %parallel_loop3A_693 = arith.cmpi slt, %xor3A_11, %parallel_loop3A_692 : vector<16xi32>
        %parallel_loop3A_694 = arith.constant 16 : i32
        %parallel_loop3A_695 = vector.broadcast %parallel_loop3A_694 : i32 to vector<16xi32>
        %parallel_loop3A_696 = arith.addi %xor3A_11, %parallel_loop3A_695 : vector<16xi32>
        %parallel_loop3A_697 = arith.select %parallel_loop3A_693, %parallel_loop3A_696, %xor3A_11 : vector<16xi1>, vector<16xi32>
        %parallel_loop3A_698 = vector.shape_cast %parallel_loop3A_697 : vector<16xi32> to vector<16x1xi32>
        %parallel_loop3A_699 = vector.shape_cast %parallel_loop3A_698 : vector<16x1xi32> to vector<16xi32>
        %parallel_loop3A_700 = tpu.dynamic_gather %parallel_loop3A_690[%parallel_loop3A_699] in [0] : vector<16xf32>, vector<16xi32> -> vector<16xf32>
        %parallel_loop3A_701 = arith.addf %parallel_loop3A_690, %parallel_loop3A_700 : vector<16xf32>
        %parallel_loop3A_702 = arith.constant 6 : i32
        %parallel_loop3A_703 = vector.broadcast %parallel_loop3A_702 : i32 to vector<16xi32>
        %parallel_loop3A_704 = arith.cmpi eq, %iota3A, %parallel_loop3A_703 : vector<16xi32>
        %parallel_loop3A_705 = arith.select %parallel_loop3A_704, %parallel_loop3A_701, %parallel_loop3A_648 : vector<16xi1>, vector<16xf32>
        %parallel_loop3A_706 = arith.index_cast %parallel_loop3A_306 : i32 to index
        %parallel_loop3A_707 = arith.constant 112 : index
        %parallel_loop3A_708 = tpu.vector_load %arg15[%parallel_loop3A_706, %parallel_loop3A_707] {strides = array<i32>} : memref<64x128xf32, #tpu.memory_space<vmem>>, vector<1x16xf32>,
        %parallel_loop3A_709 = vector.shape_cast %parallel_loop3A_708 : vector<1x16xf32> to vector<16xf32>
        %parallel_loop3A_710 = arith.index_cast %parallel_loop3A_306 : i32 to index
        %parallel_loop3A_711 = arith.constant 112 : index
        %parallel_loop3A_712 = tpu.vector_load %arg16[%parallel_loop3A_710, %parallel_loop3A_711] {strides = array<i32>} : memref<64x128xf32, #tpu.memory_space<vmem>>, vector<1x16xf32>,
        %parallel_loop3A_713 = vector.shape_cast %parallel_loop3A_712 : vector<1x16xf32> to vector<16xf32>
        %parallel_loop3A_714 = arith.mulf %parallel_loop3A_709, %parallel_loop3A_713 : vector<16xf32>
        %parallel_loop3A_715 = arith.constant 0 : i32
        %parallel_loop3A_716 = vector.broadcast %parallel_loop3A_715 : i32 to vector<16xi32>
        %parallel_loop3A_717 = arith.cmpi slt, %xor3A_2, %parallel_loop3A_716 : vector<16xi32>
        %parallel_loop3A_718 = arith.constant 16 : i32
        %parallel_loop3A_719 = vector.broadcast %parallel_loop3A_718 : i32 to vector<16xi32>
        %parallel_loop3A_720 = arith.addi %xor3A_2, %parallel_loop3A_719 : vector<16xi32>
        %parallel_loop3A_721 = arith.select %parallel_loop3A_717, %parallel_loop3A_720, %xor3A_2 : vector<16xi1>, vector<16xi32>
        %parallel_loop3A_722 = vector.shape_cast %parallel_loop3A_721 : vector<16xi32> to vector<16x1xi32>
        %parallel_loop3A_723 = vector.shape_cast %parallel_loop3A_722 : vector<16x1xi32> to vector<16xi32>
        %parallel_loop3A_724 = tpu.dynamic_gather %parallel_loop3A_714[%parallel_loop3A_723] in [0] : vector<16xf32>, vector<16xi32> -> vector<16xf32>
        %parallel_loop3A_725 = arith.addf %parallel_loop3A_714, %parallel_loop3A_724 : vector<16xf32>
        %parallel_loop3A_726 = arith.constant 0 : i32
        %parallel_loop3A_727 = vector.broadcast %parallel_loop3A_726 : i32 to vector<16xi32>
        %parallel_loop3A_728 = arith.cmpi slt, %xor3A_5, %parallel_loop3A_727 : vector<16xi32>
        %parallel_loop3A_729 = arith.constant 16 : i32
        %parallel_loop3A_730 = vector.broadcast %parallel_loop3A_729 : i32 to vector<16xi32>
        %parallel_loop3A_731 = arith.addi %xor3A_5, %parallel_loop3A_730 : vector<16xi32>
        %parallel_loop3A_732 = arith.select %parallel_loop3A_728, %parallel_loop3A_731, %xor3A_5 : vector<16xi1>, vector<16xi32>
        %parallel_loop3A_733 = vector.shape_cast %parallel_loop3A_732 : vector<16xi32> to vector<16x1xi32>
        %parallel_loop3A_734 = vector.shape_cast %parallel_loop3A_733 : vector<16x1xi32> to vector<16xi32>
        %parallel_loop3A_735 = tpu.dynamic_gather %parallel_loop3A_725[%parallel_loop3A_734] in [0] : vector<16xf32>, vector<16xi32> -> vector<16xf32>
        %parallel_loop3A_736 = arith.addf %parallel_loop3A_725, %parallel_loop3A_735 : vector<16xf32>
        %parallel_loop3A_737 = arith.constant 0 : i32
        %parallel_loop3A_738 = vector.broadcast %parallel_loop3A_737 : i32 to vector<16xi32>
        %parallel_loop3A_739 = arith.cmpi slt, %xor3A_8, %parallel_loop3A_738 : vector<16xi32>
        %parallel_loop3A_740 = arith.constant 16 : i32
        %parallel_loop3A_741 = vector.broadcast %parallel_loop3A_740 : i32 to vector<16xi32>
        %parallel_loop3A_742 = arith.addi %xor3A_8, %parallel_loop3A_741 : vector<16xi32>
        %parallel_loop3A_743 = arith.select %parallel_loop3A_739, %parallel_loop3A_742, %xor3A_8 : vector<16xi1>, vector<16xi32>
        %parallel_loop3A_744 = vector.shape_cast %parallel_loop3A_743 : vector<16xi32> to vector<16x1xi32>
        %parallel_loop3A_745 = vector.shape_cast %parallel_loop3A_744 : vector<16x1xi32> to vector<16xi32>
        %parallel_loop3A_746 = tpu.dynamic_gather %parallel_loop3A_736[%parallel_loop3A_745] in [0] : vector<16xf32>, vector<16xi32> -> vector<16xf32>
        %parallel_loop3A_747 = arith.addf %parallel_loop3A_736, %parallel_loop3A_746 : vector<16xf32>
        %parallel_loop3A_748 = arith.constant 0 : i32
        %parallel_loop3A_749 = vector.broadcast %parallel_loop3A_748 : i32 to vector<16xi32>
        %parallel_loop3A_750 = arith.cmpi slt, %xor3A_11, %parallel_loop3A_749 : vector<16xi32>
        %parallel_loop3A_751 = arith.constant 16 : i32
        %parallel_loop3A_752 = vector.broadcast %parallel_loop3A_751 : i32 to vector<16xi32>
        %parallel_loop3A_753 = arith.addi %xor3A_11, %parallel_loop3A_752 : vector<16xi32>
        %parallel_loop3A_754 = arith.select %parallel_loop3A_750, %parallel_loop3A_753, %xor3A_11 : vector<16xi1>, vector<16xi32>
        %parallel_loop3A_755 = vector.shape_cast %parallel_loop3A_754 : vector<16xi32> to vector<16x1xi32>
        %parallel_loop3A_756 = vector.shape_cast %parallel_loop3A_755 : vector<16x1xi32> to vector<16xi32>
        %parallel_loop3A_757 = tpu.dynamic_gather %parallel_loop3A_747[%parallel_loop3A_756] in [0] : vector<16xf32>, vector<16xi32> -> vector<16xf32>
        %parallel_loop3A_758 = arith.addf %parallel_loop3A_747, %parallel_loop3A_757 : vector<16xf32>
        %parallel_loop3A_759 = arith.constant 7 : i32
        %parallel_loop3A_760 = vector.broadcast %parallel_loop3A_759 : i32 to vector<16xi32>
        %parallel_loop3A_761 = arith.cmpi eq, %iota3A, %parallel_loop3A_760 : vector<16xi32>
        %parallel_loop3A_762 = arith.select %parallel_loop3A_761, %parallel_loop3A_758, %parallel_loop3A_705 : vector<16xi1>, vector<16xf32>
        %parallel_loop3A_763 = math.exp %parallel_loop3A_762 : vector<16xf32>
        %parallel_loop3A_764 = arith.constant -16 : i32
        %parallel_loop3A_765 = arith.andi %parallel_loop3A_306, %parallel_loop3A_764 : i32
        %parallel_loop3A_766 = arith.index_cast %parallel_loop3A_765 : i32 to index
        %parallel_loop3A_767 = tpu.vector_load %arg12[%parallel_loop3A_766] {strides = array<i32>} : memref<64xi32, #tpu.memory_space<vmem>>, vector<16xi32>,
        %parallel_loop3A_768 = vector.shape_cast %parallel_loop3A_767 : vector<16xi32> to vector<16xi32>
        %parallel_loop3A_769 = arith.constant 15 : i32
        %parallel_loop3A_770 = arith.andi %parallel_loop3A_306, %parallel_loop3A_769 : i32
        %parallel_loop3A_771 = vector.broadcast %parallel_loop3A_770 : i32 to vector<16xi32>
        %parallel_loop3A_772 = arith.constant 0 : i32
        %parallel_loop3A_773 = vector.broadcast %parallel_loop3A_772 : i32 to vector<16xi32>
        %parallel_loop3A_774 = arith.cmpi slt, %parallel_loop3A_771, %parallel_loop3A_773 : vector<16xi32>
        %parallel_loop3A_775 = arith.constant 16 : i32
        %parallel_loop3A_776 = vector.broadcast %parallel_loop3A_775 : i32 to vector<16xi32>
        %parallel_loop3A_777 = arith.addi %parallel_loop3A_771, %parallel_loop3A_776 : vector<16xi32>
        %parallel_loop3A_778 = arith.select %parallel_loop3A_774, %parallel_loop3A_777, %parallel_loop3A_771 : vector<16xi1>, vector<16xi32>
        %parallel_loop3A_779 = vector.shape_cast %parallel_loop3A_778 : vector<16xi32> to vector<16x1xi32>
        %parallel_loop3A_780 = vector.shape_cast %parallel_loop3A_779 : vector<16x1xi32> to vector<16xi32>
        %parallel_loop3A_781 = tpu.dynamic_gather %parallel_loop3A_768[%parallel_loop3A_780] in [0] : vector<16xi32>, vector<16xi32> -> vector<16xi32>
        %parallel_loop3A_782 = arith.sitofp %parallel_loop3A_781 : vector<16xi32> to vector<16xf32>
        %parallel_loop3A_783 = arith.constant 0.000000e+00 : f32
        %parallel_loop3A_784 = vector.broadcast %parallel_loop3A_783 : f32 to vector<16xf32>
        %parallel_loop3A_785 = arith.cmpf oeq, %parallel_loop3A_782, %parallel_loop3A_784 : vector<16xf32>
        %parallel_loop3A_786 = arith.constant 1.000000e+00 : f32
        %parallel_loop3A_787 = arith.constant 0.000000e+00 : f32
        %parallel_loop3A_788 = vector.broadcast %parallel_loop3A_786 : f32 to vector<16xf32>
        %parallel_loop3A_789 = vector.broadcast %parallel_loop3A_787 : f32 to vector<16xf32>
        %parallel_loop3A_790 = arith.select %parallel_loop3A_785, %parallel_loop3A_788, %parallel_loop3A_789 : vector<16xi1>, vector<16xf32>
        %parallel_loop3A_791 = arith.mulf %parallel_loop3A_763, %parallel_loop3A_790 : vector<16xf32>
        %parallel_loop3A_792 = arith.index_cast %parallel_loop3A_306 : i32 to index
        %parallel_loop3A_793 = arith.constant 0 : index
        %parallel_loop3A_794 = tpu.vector_load %arg18[%parallel_loop3A_792, %parallel_loop3A_793] {strides = array<i32>} : memref<64x128xf32, #tpu.memory_space<vmem>>, vector<1x16xf32>,
        %parallel_loop3A_795 = vector.shape_cast %parallel_loop3A_794 : vector<1x16xf32> to vector<16xf32>
        %parallel_loop3A_796 = vector.shape_cast %parallel_loop3A_791 : vector<16xf32> to vector<1x16xf32>
        tpu.vector_store %arg18[%parallel_loop3A_792, %parallel_loop3A_793], %parallel_loop3A_796 {strides = array<i32>} : memref<64x128xf32, #tpu.memory_space<vmem>>, vector<1x16xf32>,
        %parallel_loop3A_797 = arith.constant 1.000000e+00 : f32
        %parallel_loop3A_798 = vector.broadcast %parallel_loop3A_797 : f32 to vector<16xf32>
        %parallel_loop3A_799 = arith.cmpf oeq, %parallel_loop3A_782, %parallel_loop3A_798 : vector<16xf32>
        %parallel_loop3A_800 = arith.constant 1.000000e+00 : f32
        %parallel_loop3A_801 = arith.constant 0.000000e+00 : f32
        %parallel_loop3A_802 = vector.broadcast %parallel_loop3A_800 : f32 to vector<16xf32>
        %parallel_loop3A_803 = vector.broadcast %parallel_loop3A_801 : f32 to vector<16xf32>
        %parallel_loop3A_804 = arith.select %parallel_loop3A_799, %parallel_loop3A_802, %parallel_loop3A_803 : vector<16xi1>, vector<16xf32>
        %parallel_loop3A_805 = arith.mulf %parallel_loop3A_763, %parallel_loop3A_804 : vector<16xf32>
        %parallel_loop3A_806 = arith.index_cast %parallel_loop3A_306 : i32 to index
        %parallel_loop3A_807 = arith.constant 16 : index
        %parallel_loop3A_808 = tpu.vector_load %arg18[%parallel_loop3A_806, %parallel_loop3A_807] {strides = array<i32>} : memref<64x128xf32, #tpu.memory_space<vmem>>, vector<1x16xf32>,
        %parallel_loop3A_809 = vector.shape_cast %parallel_loop3A_808 : vector<1x16xf32> to vector<16xf32>
        %parallel_loop3A_810 = vector.shape_cast %parallel_loop3A_805 : vector<16xf32> to vector<1x16xf32>
        tpu.vector_store %arg18[%parallel_loop3A_806, %parallel_loop3A_807], %parallel_loop3A_810 {strides = array<i32>} : memref<64x128xf32, #tpu.memory_space<vmem>>, vector<1x16xf32>,
        %parallel_loop3A_811 = arith.constant 2.000000e+00 : f32
        %parallel_loop3A_812 = vector.broadcast %parallel_loop3A_811 : f32 to vector<16xf32>
        %parallel_loop3A_813 = arith.cmpf oeq, %parallel_loop3A_782, %parallel_loop3A_812 : vector<16xf32>
        %parallel_loop3A_814 = arith.constant 1.000000e+00 : f32
        %parallel_loop3A_815 = arith.constant 0.000000e+00 : f32
        %parallel_loop3A_816 = vector.broadcast %parallel_loop3A_814 : f32 to vector<16xf32>
        %parallel_loop3A_817 = vector.broadcast %parallel_loop3A_815 : f32 to vector<16xf32>
        %parallel_loop3A_818 = arith.select %parallel_loop3A_813, %parallel_loop3A_816, %parallel_loop3A_817 : vector<16xi1>, vector<16xf32>
        %parallel_loop3A_819 = arith.mulf %parallel_loop3A_763, %parallel_loop3A_818 : vector<16xf32>
        %parallel_loop3A_820 = arith.index_cast %parallel_loop3A_306 : i32 to index
        %parallel_loop3A_821 = arith.constant 32 : index
        %parallel_loop3A_822 = tpu.vector_load %arg18[%parallel_loop3A_820, %parallel_loop3A_821] {strides = array<i32>} : memref<64x128xf32, #tpu.memory_space<vmem>>, vector<1x16xf32>,
        %parallel_loop3A_823 = vector.shape_cast %parallel_loop3A_822 : vector<1x16xf32> to vector<16xf32>
        %parallel_loop3A_824 = vector.shape_cast %parallel_loop3A_819 : vector<16xf32> to vector<1x16xf32>
        tpu.vector_store %arg18[%parallel_loop3A_820, %parallel_loop3A_821], %parallel_loop3A_824 {strides = array<i32>} : memref<64x128xf32, #tpu.memory_space<vmem>>, vector<1x16xf32>,
        %parallel_loop3A_825 = arith.constant 3.000000e+00 : f32
        %parallel_loop3A_826 = vector.broadcast %parallel_loop3A_825 : f32 to vector<16xf32>
        %parallel_loop3A_827 = arith.cmpf oeq, %parallel_loop3A_782, %parallel_loop3A_826 : vector<16xf32>
        %parallel_loop3A_828 = arith.constant 1.000000e+00 : f32
        %parallel_loop3A_829 = arith.constant 0.000000e+00 : f32
        %parallel_loop3A_830 = vector.broadcast %parallel_loop3A_828 : f32 to vector<16xf32>
        %parallel_loop3A_831 = vector.broadcast %parallel_loop3A_829 : f32 to vector<16xf32>
        %parallel_loop3A_832 = arith.select %parallel_loop3A_827, %parallel_loop3A_830, %parallel_loop3A_831 : vector<16xi1>, vector<16xf32>
        %parallel_loop3A_833 = arith.mulf %parallel_loop3A_763, %parallel_loop3A_832 : vector<16xf32>
        %parallel_loop3A_834 = arith.index_cast %parallel_loop3A_306 : i32 to index
        %parallel_loop3A_835 = arith.constant 48 : index
        %parallel_loop3A_836 = tpu.vector_load %arg18[%parallel_loop3A_834, %parallel_loop3A_835] {strides = array<i32>} : memref<64x128xf32, #tpu.memory_space<vmem>>, vector<1x16xf32>,
        %parallel_loop3A_837 = vector.shape_cast %parallel_loop3A_836 : vector<1x16xf32> to vector<16xf32>
        %parallel_loop3A_838 = vector.shape_cast %parallel_loop3A_833 : vector<16xf32> to vector<1x16xf32>
        tpu.vector_store %arg18[%parallel_loop3A_834, %parallel_loop3A_835], %parallel_loop3A_838 {strides = array<i32>} : memref<64x128xf32, #tpu.memory_space<vmem>>, vector<1x16xf32>,
        %parallel_loop3A_839 = arith.constant 4.000000e+00 : f32
        %parallel_loop3A_840 = vector.broadcast %parallel_loop3A_839 : f32 to vector<16xf32>
        %parallel_loop3A_841 = arith.cmpf oeq, %parallel_loop3A_782, %parallel_loop3A_840 : vector<16xf32>
        %parallel_loop3A_842 = arith.constant 1.000000e+00 : f32
        %parallel_loop3A_843 = arith.constant 0.000000e+00 : f32
        %parallel_loop3A_844 = vector.broadcast %parallel_loop3A_842 : f32 to vector<16xf32>
        %parallel_loop3A_845 = vector.broadcast %parallel_loop3A_843 : f32 to vector<16xf32>
        %parallel_loop3A_846 = arith.select %parallel_loop3A_841, %parallel_loop3A_844, %parallel_loop3A_845 : vector<16xi1>, vector<16xf32>
        %parallel_loop3A_847 = arith.mulf %parallel_loop3A_763, %parallel_loop3A_846 : vector<16xf32>
        %parallel_loop3A_848 = arith.index_cast %parallel_loop3A_306 : i32 to index
        %parallel_loop3A_849 = arith.constant 64 : index
        %parallel_loop3A_850 = tpu.vector_load %arg18[%parallel_loop3A_848, %parallel_loop3A_849] {strides = array<i32>} : memref<64x128xf32, #tpu.memory_space<vmem>>, vector<1x16xf32>,
        %parallel_loop3A_851 = vector.shape_cast %parallel_loop3A_850 : vector<1x16xf32> to vector<16xf32>
        %parallel_loop3A_852 = vector.shape_cast %parallel_loop3A_847 : vector<16xf32> to vector<1x16xf32>
        tpu.vector_store %arg18[%parallel_loop3A_848, %parallel_loop3A_849], %parallel_loop3A_852 {strides = array<i32>} : memref<64x128xf32, #tpu.memory_space<vmem>>, vector<1x16xf32>,
        %parallel_loop3A_853 = arith.constant 5.000000e+00 : f32
        %parallel_loop3A_854 = vector.broadcast %parallel_loop3A_853 : f32 to vector<16xf32>
        %parallel_loop3A_855 = arith.cmpf oeq, %parallel_loop3A_782, %parallel_loop3A_854 : vector<16xf32>
        %parallel_loop3A_856 = arith.constant 1.000000e+00 : f32
        %parallel_loop3A_857 = arith.constant 0.000000e+00 : f32
        %parallel_loop3A_858 = vector.broadcast %parallel_loop3A_856 : f32 to vector<16xf32>
        %parallel_loop3A_859 = vector.broadcast %parallel_loop3A_857 : f32 to vector<16xf32>
        %parallel_loop3A_860 = arith.select %parallel_loop3A_855, %parallel_loop3A_858, %parallel_loop3A_859 : vector<16xi1>, vector<16xf32>
        %parallel_loop3A_861 = arith.mulf %parallel_loop3A_763, %parallel_loop3A_860 : vector<16xf32>
        %parallel_loop3A_862 = arith.index_cast %parallel_loop3A_306 : i32 to index
        %parallel_loop3A_863 = arith.constant 80 : index
        %parallel_loop3A_864 = tpu.vector_load %arg18[%parallel_loop3A_862, %parallel_loop3A_863] {strides = array<i32>} : memref<64x128xf32, #tpu.memory_space<vmem>>, vector<1x16xf32>,
        %parallel_loop3A_865 = vector.shape_cast %parallel_loop3A_864 : vector<1x16xf32> to vector<16xf32>
        %parallel_loop3A_866 = vector.shape_cast %parallel_loop3A_861 : vector<16xf32> to vector<1x16xf32>
        tpu.vector_store %arg18[%parallel_loop3A_862, %parallel_loop3A_863], %parallel_loop3A_866 {strides = array<i32>} : memref<64x128xf32, #tpu.memory_space<vmem>>, vector<1x16xf32>,
        %parallel_loop3A_867 = arith.constant 6.000000e+00 : f32
        %parallel_loop3A_868 = vector.broadcast %parallel_loop3A_867 : f32 to vector<16xf32>
        %parallel_loop3A_869 = arith.cmpf oeq, %parallel_loop3A_782, %parallel_loop3A_868 : vector<16xf32>
        %parallel_loop3A_870 = arith.constant 1.000000e+00 : f32
        %parallel_loop3A_871 = arith.constant 0.000000e+00 : f32
        %parallel_loop3A_872 = vector.broadcast %parallel_loop3A_870 : f32 to vector<16xf32>
        %parallel_loop3A_873 = vector.broadcast %parallel_loop3A_871 : f32 to vector<16xf32>
        %parallel_loop3A_874 = arith.select %parallel_loop3A_869, %parallel_loop3A_872, %parallel_loop3A_873 : vector<16xi1>, vector<16xf32>
        %parallel_loop3A_875 = arith.mulf %parallel_loop3A_763, %parallel_loop3A_874 : vector<16xf32>
        %parallel_loop3A_876 = arith.index_cast %parallel_loop3A_306 : i32 to index
        %parallel_loop3A_877 = arith.constant 96 : index
        %parallel_loop3A_878 = tpu.vector_load %arg18[%parallel_loop3A_876, %parallel_loop3A_877] {strides = array<i32>} : memref<64x128xf32, #tpu.memory_space<vmem>>, vector<1x16xf32>,
        %parallel_loop3A_879 = vector.shape_cast %parallel_loop3A_878 : vector<1x16xf32> to vector<16xf32>
        %parallel_loop3A_880 = vector.shape_cast %parallel_loop3A_875 : vector<16xf32> to vector<1x16xf32>
        tpu.vector_store %arg18[%parallel_loop3A_876, %parallel_loop3A_877], %parallel_loop3A_880 {strides = array<i32>} : memref<64x128xf32, #tpu.memory_space<vmem>>, vector<1x16xf32>,
        %parallel_loop3A_881 = arith.constant 7.000000e+00 : f32
        %parallel_loop3A_882 = vector.broadcast %parallel_loop3A_881 : f32 to vector<16xf32>
        %parallel_loop3A_883 = arith.cmpf oeq, %parallel_loop3A_782, %parallel_loop3A_882 : vector<16xf32>
        %parallel_loop3A_884 = arith.constant 1.000000e+00 : f32
        %parallel_loop3A_885 = arith.constant 0.000000e+00 : f32
        %parallel_loop3A_886 = vector.broadcast %parallel_loop3A_884 : f32 to vector<16xf32>
        %parallel_loop3A_887 = vector.broadcast %parallel_loop3A_885 : f32 to vector<16xf32>
        %parallel_loop3A_888 = arith.select %parallel_loop3A_883, %parallel_loop3A_886, %parallel_loop3A_887 : vector<16xi1>, vector<16xf32>
        %parallel_loop3A_889 = arith.mulf %parallel_loop3A_763, %parallel_loop3A_888 : vector<16xf32>
        %parallel_loop3A_890 = arith.index_cast %parallel_loop3A_306 : i32 to index
        %parallel_loop3A_891 = arith.constant 112 : index
        %parallel_loop3A_892 = tpu.vector_load %arg18[%parallel_loop3A_890, %parallel_loop3A_891] {strides = array<i32>} : memref<64x128xf32, #tpu.memory_space<vmem>>, vector<1x16xf32>,
        %parallel_loop3A_893 = vector.shape_cast %parallel_loop3A_892 : vector<1x16xf32> to vector<16xf32>
        %parallel_loop3A_894 = vector.shape_cast %parallel_loop3A_889 : vector<16xf32> to vector<1x16xf32>
        tpu.vector_store %arg18[%parallel_loop3A_890, %parallel_loop3A_891], %parallel_loop3A_894 {strides = array<i32>} : memref<64x128xf32, #tpu.memory_space<vmem>>, vector<1x16xf32>,
        %parallel_loop3A_895 = arith.index_cast %parallel_loop3A_306 : i32 to index
        %parallel_loop3A_896 = arith.constant 0 : index
        %parallel_loop3A_897 = tpu.vector_load %arg17[%parallel_loop3A_895, %parallel_loop3A_896] {strides = array<i32>} : memref<64x128xf32, #tpu.memory_space<vmem>>, vector<1x16xf32>,
        %parallel_loop3A_898 = vector.shape_cast %parallel_loop3A_897 : vector<1x16xf32> to vector<16xf32>
        %parallel_loop3A_899 = vector.extract_strided_slice %parallel_loop3A_763 {offsets = [0], sizes = [1], strides = [1]} : vector<16xf32> to vector<1xf32>
        %parallel_loop3A_900 = vector.extract %parallel_loop3A_899[0] : f32 from vector<1xf32>
        %parallel_loop3A_901 = vector.broadcast %parallel_loop3A_900 : f32 to vector<16xf32>
        %parallel_loop3A_902 = arith.mulf %parallel_loop3A_898, %parallel_loop3A_901 : vector<16xf32>
        %parallel_loop3A_903 = arith.index_cast %parallel_loop3A_306 : i32 to index
        %parallel_loop3A_904 = arith.constant 0 : index
        %parallel_loop3A_905 = tpu.vector_load %arg17[%parallel_loop3A_903, %parallel_loop3A_904] {strides = array<i32>} : memref<64x128xf32, #tpu.memory_space<vmem>>, vector<1x16xf32>,
        %parallel_loop3A_906 = vector.shape_cast %parallel_loop3A_905 : vector<1x16xf32> to vector<16xf32>
        %parallel_loop3A_907 = vector.shape_cast %parallel_loop3A_902 : vector<16xf32> to vector<1x16xf32>
        tpu.vector_store %arg17[%parallel_loop3A_903, %parallel_loop3A_904], %parallel_loop3A_907 {strides = array<i32>} : memref<64x128xf32, #tpu.memory_space<vmem>>, vector<1x16xf32>,
        %parallel_loop3A_908 = arith.index_cast %parallel_loop3A_306 : i32 to index
        %parallel_loop3A_909 = arith.constant 16 : index
        %parallel_loop3A_910 = tpu.vector_load %arg17[%parallel_loop3A_908, %parallel_loop3A_909] {strides = array<i32>} : memref<64x128xf32, #tpu.memory_space<vmem>>, vector<1x16xf32>,
        %parallel_loop3A_911 = vector.shape_cast %parallel_loop3A_910 : vector<1x16xf32> to vector<16xf32>
        %parallel_loop3A_912 = vector.extract_strided_slice %parallel_loop3A_763 {offsets = [1], sizes = [1], strides = [1]} : vector<16xf32> to vector<1xf32>
        %parallel_loop3A_913 = vector.extract %parallel_loop3A_912[0] : f32 from vector<1xf32>
        %parallel_loop3A_914 = vector.broadcast %parallel_loop3A_913 : f32 to vector<16xf32>
        %parallel_loop3A_915 = arith.mulf %parallel_loop3A_911, %parallel_loop3A_914 : vector<16xf32>
        %parallel_loop3A_916 = arith.index_cast %parallel_loop3A_306 : i32 to index
        %parallel_loop3A_917 = arith.constant 16 : index
        %parallel_loop3A_918 = tpu.vector_load %arg17[%parallel_loop3A_916, %parallel_loop3A_917] {strides = array<i32>} : memref<64x128xf32, #tpu.memory_space<vmem>>, vector<1x16xf32>,
        %parallel_loop3A_919 = vector.shape_cast %parallel_loop3A_918 : vector<1x16xf32> to vector<16xf32>
        %parallel_loop3A_920 = vector.shape_cast %parallel_loop3A_915 : vector<16xf32> to vector<1x16xf32>
        tpu.vector_store %arg17[%parallel_loop3A_916, %parallel_loop3A_917], %parallel_loop3A_920 {strides = array<i32>} : memref<64x128xf32, #tpu.memory_space<vmem>>, vector<1x16xf32>,
        %parallel_loop3A_921 = arith.index_cast %parallel_loop3A_306 : i32 to index
        %parallel_loop3A_922 = arith.constant 32 : index
        %parallel_loop3A_923 = tpu.vector_load %arg17[%parallel_loop3A_921, %parallel_loop3A_922] {strides = array<i32>} : memref<64x128xf32, #tpu.memory_space<vmem>>, vector<1x16xf32>,
        %parallel_loop3A_924 = vector.shape_cast %parallel_loop3A_923 : vector<1x16xf32> to vector<16xf32>
        %parallel_loop3A_925 = vector.extract_strided_slice %parallel_loop3A_763 {offsets = [2], sizes = [1], strides = [1]} : vector<16xf32> to vector<1xf32>
        %parallel_loop3A_926 = vector.extract %parallel_loop3A_925[0] : f32 from vector<1xf32>
        %parallel_loop3A_927 = vector.broadcast %parallel_loop3A_926 : f32 to vector<16xf32>
        %parallel_loop3A_928 = arith.mulf %parallel_loop3A_924, %parallel_loop3A_927 : vector<16xf32>
        %parallel_loop3A_929 = arith.index_cast %parallel_loop3A_306 : i32 to index
        %parallel_loop3A_930 = arith.constant 32 : index
        %parallel_loop3A_931 = tpu.vector_load %arg17[%parallel_loop3A_929, %parallel_loop3A_930] {strides = array<i32>} : memref<64x128xf32, #tpu.memory_space<vmem>>, vector<1x16xf32>,
        %parallel_loop3A_932 = vector.shape_cast %parallel_loop3A_931 : vector<1x16xf32> to vector<16xf32>
        %parallel_loop3A_933 = vector.shape_cast %parallel_loop3A_928 : vector<16xf32> to vector<1x16xf32>
        tpu.vector_store %arg17[%parallel_loop3A_929, %parallel_loop3A_930], %parallel_loop3A_933 {strides = array<i32>} : memref<64x128xf32, #tpu.memory_space<vmem>>, vector<1x16xf32>,
        %parallel_loop3A_934 = arith.index_cast %parallel_loop3A_306 : i32 to index
        %parallel_loop3A_935 = arith.constant 48 : index
        %parallel_loop3A_936 = tpu.vector_load %arg17[%parallel_loop3A_934, %parallel_loop3A_935] {strides = array<i32>} : memref<64x128xf32, #tpu.memory_space<vmem>>, vector<1x16xf32>,
        %parallel_loop3A_937 = vector.shape_cast %parallel_loop3A_936 : vector<1x16xf32> to vector<16xf32>
        %parallel_loop3A_938 = vector.extract_strided_slice %parallel_loop3A_763 {offsets = [3], sizes = [1], strides = [1]} : vector<16xf32> to vector<1xf32>
        %parallel_loop3A_939 = vector.extract %parallel_loop3A_938[0] : f32 from vector<1xf32>
        %parallel_loop3A_940 = vector.broadcast %parallel_loop3A_939 : f32 to vector<16xf32>
        %parallel_loop3A_941 = arith.mulf %parallel_loop3A_937, %parallel_loop3A_940 : vector<16xf32>
        %parallel_loop3A_942 = arith.index_cast %parallel_loop3A_306 : i32 to index
        %parallel_loop3A_943 = arith.constant 48 : index
        %parallel_loop3A_944 = tpu.vector_load %arg17[%parallel_loop3A_942, %parallel_loop3A_943] {strides = array<i32>} : memref<64x128xf32, #tpu.memory_space<vmem>>, vector<1x16xf32>,
        %parallel_loop3A_945 = vector.shape_cast %parallel_loop3A_944 : vector<1x16xf32> to vector<16xf32>
        %parallel_loop3A_946 = vector.shape_cast %parallel_loop3A_941 : vector<16xf32> to vector<1x16xf32>
        tpu.vector_store %arg17[%parallel_loop3A_942, %parallel_loop3A_943], %parallel_loop3A_946 {strides = array<i32>} : memref<64x128xf32, #tpu.memory_space<vmem>>, vector<1x16xf32>,
        %parallel_loop3A_947 = arith.index_cast %parallel_loop3A_306 : i32 to index
        %parallel_loop3A_948 = arith.constant 64 : index
        %parallel_loop3A_949 = tpu.vector_load %arg17[%parallel_loop3A_947, %parallel_loop3A_948] {strides = array<i32>} : memref<64x128xf32, #tpu.memory_space<vmem>>, vector<1x16xf32>,
        %parallel_loop3A_950 = vector.shape_cast %parallel_loop3A_949 : vector<1x16xf32> to vector<16xf32>
        %parallel_loop3A_951 = vector.extract_strided_slice %parallel_loop3A_763 {offsets = [4], sizes = [1], strides = [1]} : vector<16xf32> to vector<1xf32>
        %parallel_loop3A_952 = vector.extract %parallel_loop3A_951[0] : f32 from vector<1xf32>
        %parallel_loop3A_953 = vector.broadcast %parallel_loop3A_952 : f32 to vector<16xf32>
        %parallel_loop3A_954 = arith.mulf %parallel_loop3A_950, %parallel_loop3A_953 : vector<16xf32>
        %parallel_loop3A_955 = arith.index_cast %parallel_loop3A_306 : i32 to index
        %parallel_loop3A_956 = arith.constant 64 : index
        %parallel_loop3A_957 = tpu.vector_load %arg17[%parallel_loop3A_955, %parallel_loop3A_956] {strides = array<i32>} : memref<64x128xf32, #tpu.memory_space<vmem>>, vector<1x16xf32>,
        %parallel_loop3A_958 = vector.shape_cast %parallel_loop3A_957 : vector<1x16xf32> to vector<16xf32>
        %parallel_loop3A_959 = vector.shape_cast %parallel_loop3A_954 : vector<16xf32> to vector<1x16xf32>
        tpu.vector_store %arg17[%parallel_loop3A_955, %parallel_loop3A_956], %parallel_loop3A_959 {strides = array<i32>} : memref<64x128xf32, #tpu.memory_space<vmem>>, vector<1x16xf32>,
        %parallel_loop3A_960 = arith.index_cast %parallel_loop3A_306 : i32 to index
        %parallel_loop3A_961 = arith.constant 80 : index
        %parallel_loop3A_962 = tpu.vector_load %arg17[%parallel_loop3A_960, %parallel_loop3A_961] {strides = array<i32>} : memref<64x128xf32, #tpu.memory_space<vmem>>, vector<1x16xf32>,
        %parallel_loop3A_963 = vector.shape_cast %parallel_loop3A_962 : vector<1x16xf32> to vector<16xf32>
        %parallel_loop3A_964 = vector.extract_strided_slice %parallel_loop3A_763 {offsets = [5], sizes = [1], strides = [1]} : vector<16xf32> to vector<1xf32>
        %parallel_loop3A_965 = vector.extract %parallel_loop3A_964[0] : f32 from vector<1xf32>
        %parallel_loop3A_966 = vector.broadcast %parallel_loop3A_965 : f32 to vector<16xf32>
        %parallel_loop3A_967 = arith.mulf %parallel_loop3A_963, %parallel_loop3A_966 : vector<16xf32>
        %parallel_loop3A_968 = arith.index_cast %parallel_loop3A_306 : i32 to index
        %parallel_loop3A_969 = arith.constant 80 : index
        %parallel_loop3A_970 = tpu.vector_load %arg17[%parallel_loop3A_968, %parallel_loop3A_969] {strides = array<i32>} : memref<64x128xf32, #tpu.memory_space<vmem>>, vector<1x16xf32>,
        %parallel_loop3A_971 = vector.shape_cast %parallel_loop3A_970 : vector<1x16xf32> to vector<16xf32>
        %parallel_loop3A_972 = vector.shape_cast %parallel_loop3A_967 : vector<16xf32> to vector<1x16xf32>
        tpu.vector_store %arg17[%parallel_loop3A_968, %parallel_loop3A_969], %parallel_loop3A_972 {strides = array<i32>} : memref<64x128xf32, #tpu.memory_space<vmem>>, vector<1x16xf32>,
        %parallel_loop3A_973 = arith.index_cast %parallel_loop3A_306 : i32 to index
        %parallel_loop3A_974 = arith.constant 96 : index
        %parallel_loop3A_975 = tpu.vector_load %arg17[%parallel_loop3A_973, %parallel_loop3A_974] {strides = array<i32>} : memref<64x128xf32, #tpu.memory_space<vmem>>, vector<1x16xf32>,
        %parallel_loop3A_976 = vector.shape_cast %parallel_loop3A_975 : vector<1x16xf32> to vector<16xf32>
        %parallel_loop3A_977 = vector.extract_strided_slice %parallel_loop3A_763 {offsets = [6], sizes = [1], strides = [1]} : vector<16xf32> to vector<1xf32>
        %parallel_loop3A_978 = vector.extract %parallel_loop3A_977[0] : f32 from vector<1xf32>
        %parallel_loop3A_979 = vector.broadcast %parallel_loop3A_978 : f32 to vector<16xf32>
        %parallel_loop3A_980 = arith.mulf %parallel_loop3A_976, %parallel_loop3A_979 : vector<16xf32>
        %parallel_loop3A_981 = arith.index_cast %parallel_loop3A_306 : i32 to index
        %parallel_loop3A_982 = arith.constant 96 : index
        %parallel_loop3A_983 = tpu.vector_load %arg17[%parallel_loop3A_981, %parallel_loop3A_982] {strides = array<i32>} : memref<64x128xf32, #tpu.memory_space<vmem>>, vector<1x16xf32>,
        %parallel_loop3A_984 = vector.shape_cast %parallel_loop3A_983 : vector<1x16xf32> to vector<16xf32>
        %parallel_loop3A_985 = vector.shape_cast %parallel_loop3A_980 : vector<16xf32> to vector<1x16xf32>
        tpu.vector_store %arg17[%parallel_loop3A_981, %parallel_loop3A_982], %parallel_loop3A_985 {strides = array<i32>} : memref<64x128xf32, #tpu.memory_space<vmem>>, vector<1x16xf32>,
        %parallel_loop3A_986 = arith.index_cast %parallel_loop3A_306 : i32 to index
        %parallel_loop3A_987 = arith.constant 112 : index
        %parallel_loop3A_988 = tpu.vector_load %arg17[%parallel_loop3A_986, %parallel_loop3A_987] {strides = array<i32>} : memref<64x128xf32, #tpu.memory_space<vmem>>, vector<1x16xf32>,
        %parallel_loop3A_989 = vector.shape_cast %parallel_loop3A_988 : vector<1x16xf32> to vector<16xf32>
        %parallel_loop3A_990 = vector.extract_strided_slice %parallel_loop3A_763 {offsets = [7], sizes = [1], strides = [1]} : vector<16xf32> to vector<1xf32>
        %parallel_loop3A_991 = vector.extract %parallel_loop3A_990[0] : f32 from vector<1xf32>
        %parallel_loop3A_992 = vector.broadcast %parallel_loop3A_991 : f32 to vector<16xf32>
        %parallel_loop3A_993 = arith.mulf %parallel_loop3A_989, %parallel_loop3A_992 : vector<16xf32>
        %parallel_loop3A_994 = arith.index_cast %parallel_loop3A_306 : i32 to index
        %parallel_loop3A_995 = arith.constant 112 : index
        %parallel_loop3A_996 = tpu.vector_load %arg17[%parallel_loop3A_994, %parallel_loop3A_995] {strides = array<i32>} : memref<64x128xf32, #tpu.memory_space<vmem>>, vector<1x16xf32>,
        %parallel_loop3A_997 = vector.shape_cast %parallel_loop3A_996 : vector<1x16xf32> to vector<16xf32>
        %parallel_loop3A_998 = vector.shape_cast %parallel_loop3A_993 : vector<16xf32> to vector<1x16xf32>
        tpu.vector_store %arg17[%parallel_loop3A_994, %parallel_loop3A_995], %parallel_loop3A_998 {strides = array<i32>} : memref<64x128xf32, #tpu.memory_space<vmem>>, vector<1x16xf32>,
      } {sc.loop_unroll_factor = 4 : i64, sc.parallel_access}
      "tpu.region"() ({
        %run_scoped3A = tpu.sem_alloc : memref<!tpu.dma_semaphore, #tpu.memory_space<semaphore_mem>>
        %dma_start3A_306 = arith.constant 0 : i32
        %dma_start3A_307 = arith.constant 0 : i32
        %dma_start3A_308 = tpu.memref_slice %arg22[%dma_start3A_306, %dma_start3A_307] : memref<10240x128xf32, #tpu.memory_space<vmem_shared>> -> memref<10240x128xf32, #tpu.memory_space<vmem_shared>>
        tpu.enqueue_indirect_dma source(%arg17 : memref<64x128xf32, #tpu.memory_space<vmem>>) target(%dma_start3A_308 : memref<10240x128xf32, #tpu.memory_space<vmem_shared>>) offsets(%arg11 : memref<64xi32, #tpu.memory_space<vmem>>) semaphore(%run_scoped3A : memref<!tpu.dma_semaphore, #tpu.memory_space<semaphore_mem>>) {add = true}
        %dma_wait3A_309 = arith.constant 0 : i32
        %dma_wait3A_310 = arith.constant 0 : i32
        %dma_wait3A_311 = tpu.memref_slice %arg22[%dma_wait3A_309, %dma_wait3A_310] : memref<10240x128xf32, #tpu.memory_space<vmem_shared>> -> memref<10240x128xf32, #tpu.memory_space<vmem_shared>>
        tpu.wait_indirect_dma semaphore(%run_scoped3A : memref<!tpu.dma_semaphore, #tpu.memory_space<semaphore_mem>>) src(%arg17 : memref<64x128xf32, #tpu.memory_space<vmem>>) dst(%dma_wait3A_311 : memref<10240x128xf32, #tpu.memory_space<vmem_shared>>)
        tpu.yield
      }) : () -> ()
      "tpu.region"() ({
        %run_scoped3A = tpu.sem_alloc : memref<!tpu.dma_semaphore, #tpu.memory_space<semaphore_mem>>
        %dma_start3A_306 = arith.constant 0 : i32
        %dma_start3A_307 = arith.constant 0 : i32
        %dma_start3A_308 = tpu.memref_slice %arg23[%dma_start3A_306, %dma_start3A_307] : memref<1280x128xf32, #tpu.memory_space<vmem_shared>> -> memref<1280x128xf32, #tpu.memory_space<vmem_shared>>
        tpu.enqueue_indirect_dma source(%arg18 : memref<64x128xf32, #tpu.memory_space<vmem>>) target(%dma_start3A_308 : memref<1280x128xf32, #tpu.memory_space<vmem_shared>>) offsets(%arg14 : memref<64xi32, #tpu.memory_space<vmem>>) semaphore(%run_scoped3A : memref<!tpu.dma_semaphore, #tpu.memory_space<semaphore_mem>>) {add = true}
        %dma_wait3A_309 = arith.constant 0 : i32
        %dma_wait3A_310 = arith.constant 0 : i32
        %dma_wait3A_311 = tpu.memref_slice %arg23[%dma_wait3A_309, %dma_wait3A_310] : memref<1280x128xf32, #tpu.memory_space<vmem_shared>> -> memref<1280x128xf32, #tpu.memory_space<vmem_shared>>
        tpu.wait_indirect_dma semaphore(%run_scoped3A : memref<!tpu.dma_semaphore, #tpu.memory_space<semaphore_mem>>) src(%arg18 : memref<64x128xf32, #tpu.memory_space<vmem>>) dst(%dma_wait3A_311 : memref<1280x128xf32, #tpu.memory_space<vmem_shared>>)
        tpu.yield
      }) : () -> ()
    }
    %scan3A_71 = arith.constant 80 : i32
    %barrier3A_72 = arith.constant 0 : index
    tpu.barrier barrier_id(%barrier3A_72)
    %mul3A_73 = arith.constant 640 : i32
    %mul3A_74 = arith.muli %arg1, %mul3A_73 : i32
    %add3A_75 = arith.constant 0 : i32
    %add3A_76 = arith.addi %mul3A_74, %add3A_75 : i32
    %mul3A_77 = arith.constant 10240 : i32
    %mul3A_78 = arith.muli %arg0, %mul3A_77 : i32
    %add3A_79 = arith.addi %mul3A_78, %add3A_76 : i32
    "tpu.region"() ({
      %run_scoped3A = tpu.sem_alloc : memref<!tpu.dma_semaphore, #tpu.memory_space<semaphore_mem>>
      %dma_start3A = arith.constant 0 : i32
      %dma_start3A_152 = tpu.memref_slice %arg22[%add3A_76, %dma_start3A] : memref<10240x128xf32, #tpu.memory_space<vmem_shared>> -> memref<64x128xf32, #tpu.memory_space<vmem_shared>>
      %dma_start3A_153 = arith.constant 0 : i32
      %dma_start3A_154 = tpu.memref_slice %arg22[%add3A_76, %dma_start3A_153] : memref<10240x128xf32, #tpu.memory_space<vmem_shared>> -> memref<64x128xf32, #tpu.memory_space<vmem_shared>>
      tpu.enqueue_dma source(%dma_start3A_154 : memref<64x128xf32, #tpu.memory_space<vmem_shared>>) target(%arg15 : memref<64x128xf32, #tpu.memory_space<vmem>>) target_semaphore(%run_scoped3A : memref<!tpu.dma_semaphore, #tpu.memory_space<semaphore_mem>>)
      %dma_wait3A = arith.constant 0 : i32
      %dma_wait3A_155 = tpu.memref_slice %arg22[%add3A_76, %dma_wait3A] : memref<10240x128xf32, #tpu.memory_space<vmem_shared>> -> memref<64x128xf32, #tpu.memory_space<vmem_shared>>
      %dma_wait3A_156 = arith.constant 0 : i32
      %dma_wait3A_157 = tpu.memref_slice %arg22[%add3A_76, %dma_wait3A_156] : memref<10240x128xf32, #tpu.memory_space<vmem_shared>> -> memref<64x128xf32, #tpu.memory_space<vmem_shared>>
      tpu.wait_dma2 semaphore(%run_scoped3A : memref<!tpu.dma_semaphore, #tpu.memory_space<semaphore_mem>>) src(%dma_wait3A_157 : memref<64x128xf32, #tpu.memory_space<vmem_shared>>) dst(%arg15 : memref<64x128xf32, #tpu.memory_space<vmem>>)
      tpu.yield
    }) : () -> ()
    "tpu.region"() ({
      %run_scoped3A = tpu.sem_alloc : memref<!tpu.dma_semaphore, #tpu.memory_space<semaphore_mem>>
      %dma_start3A = arith.constant 0 : i32
      %dma_start3A_152 = tpu.memref_slice %arg8[%add3A_79, %dma_start3A] : memref<20480x128xf32, #tpu.memory_space<hbm>> -> memref<64x128xf32, #tpu.memory_space<hbm>>
      %dma_start3A_153 = arith.constant 0 : i32
      %dma_start3A_154 = tpu.memref_slice %arg8[%add3A_79, %dma_start3A_153] : memref<20480x128xf32, #tpu.memory_space<hbm>> -> memref<64x128xf32, #tpu.memory_space<hbm>>
      tpu.enqueue_dma source(%arg15 : memref<64x128xf32, #tpu.memory_space<vmem>>) target(%dma_start3A_154 : memref<64x128xf32, #tpu.memory_space<hbm>>) target_semaphore(%run_scoped3A : memref<!tpu.dma_semaphore, #tpu.memory_space<semaphore_mem>>)
      %dma_wait3A = arith.constant 0 : i32
      %dma_wait3A_155 = tpu.memref_slice %arg8[%add3A_79, %dma_wait3A] : memref<20480x128xf32, #tpu.memory_space<hbm>> -> memref<64x128xf32, #tpu.memory_space<hbm>>
      %dma_wait3A_156 = arith.constant 0 : i32
      %dma_wait3A_157 = tpu.memref_slice %arg8[%add3A_79, %dma_wait3A_156] : memref<20480x128xf32, #tpu.memory_space<hbm>> -> memref<64x128xf32, #tpu.memory_space<hbm>>
      tpu.wait_dma2 semaphore(%run_scoped3A : memref<!tpu.dma_semaphore, #tpu.memory_space<semaphore_mem>>) src(%arg15 : memref<64x128xf32, #tpu.memory_space<vmem>>) dst(%dma_wait3A_157 : memref<64x128xf32, #tpu.memory_space<hbm>>)
      tpu.yield
    }) : () -> ()
    %mul3A_80 = arith.constant 640 : i32
    %mul3A_81 = arith.muli %arg1, %mul3A_80 : i32
    %add3A_82 = arith.constant 64 : i32
    %add3A_83 = arith.addi %mul3A_81, %add3A_82 : i32
    %mul3A_84 = arith.constant 10240 : i32
    %mul3A_85 = arith.muli %arg0, %mul3A_84 : i32
    %add3A_86 = arith.addi %mul3A_85, %add3A_83 : i32
    "tpu.region"() ({
      %run_scoped3A = tpu.sem_alloc : memref<!tpu.dma_semaphore, #tpu.memory_space<semaphore_mem>>
      %dma_start3A = arith.constant 0 : i32
      %dma_start3A_152 = tpu.memref_slice %arg22[%add3A_83, %dma_start3A] : memref<10240x128xf32, #tpu.memory_space<vmem_shared>> -> memref<64x128xf32, #tpu.memory_space<vmem_shared>>
      %dma_start3A_153 = arith.constant 0 : i32
      %dma_start3A_154 = tpu.memref_slice %arg22[%add3A_83, %dma_start3A_153] : memref<10240x128xf32, #tpu.memory_space<vmem_shared>> -> memref<64x128xf32, #tpu.memory_space<vmem_shared>>
      tpu.enqueue_dma source(%dma_start3A_154 : memref<64x128xf32, #tpu.memory_space<vmem_shared>>) target(%arg15 : memref<64x128xf32, #tpu.memory_space<vmem>>) target_semaphore(%run_scoped3A : memref<!tpu.dma_semaphore, #tpu.memory_space<semaphore_mem>>)
      %dma_wait3A = arith.constant 0 : i32
      %dma_wait3A_155 = tpu.memref_slice %arg22[%add3A_83, %dma_wait3A] : memref<10240x128xf32, #tpu.memory_space<vmem_shared>> -> memref<64x128xf32, #tpu.memory_space<vmem_shared>>
      %dma_wait3A_156 = arith.constant 0 : i32
      %dma_wait3A_157 = tpu.memref_slice %arg22[%add3A_83, %dma_wait3A_156] : memref<10240x128xf32, #tpu.memory_space<vmem_shared>> -> memref<64x128xf32, #tpu.memory_space<vmem_shared>>
      tpu.wait_dma2 semaphore(%run_scoped3A : memref<!tpu.dma_semaphore, #tpu.memory_space<semaphore_mem>>) src(%dma_wait3A_157 : memref<64x128xf32, #tpu.memory_space<vmem_shared>>) dst(%arg15 : memref<64x128xf32, #tpu.memory_space<vmem>>)
      tpu.yield
    }) : () -> ()
    "tpu.region"() ({
      %run_scoped3A = tpu.sem_alloc : memref<!tpu.dma_semaphore, #tpu.memory_space<semaphore_mem>>
      %dma_start3A = arith.constant 0 : i32
      %dma_start3A_152 = tpu.memref_slice %arg8[%add3A_86, %dma_start3A] : memref<20480x128xf32, #tpu.memory_space<hbm>> -> memref<64x128xf32, #tpu.memory_space<hbm>>
      %dma_start3A_153 = arith.constant 0 : i32
      %dma_start3A_154 = tpu.memref_slice %arg8[%add3A_86, %dma_start3A_153] : memref<20480x128xf32, #tpu.memory_space<hbm>> -> memref<64x128xf32, #tpu.memory_space<hbm>>
      tpu.enqueue_dma source(%arg15 : memref<64x128xf32, #tpu.memory_space<vmem>>) target(%dma_start3A_154 : memref<64x128xf32, #tpu.memory_space<hbm>>) target_semaphore(%run_scoped3A : memref<!tpu.dma_semaphore, #tpu.memory_space<semaphore_mem>>)
      %dma_wait3A = arith.constant 0 : i32
      %dma_wait3A_155 = tpu.memref_slice %arg8[%add3A_86, %dma_wait3A] : memref<20480x128xf32, #tpu.memory_space<hbm>> -> memref<64x128xf32, #tpu.memory_space<hbm>>
      %dma_wait3A_156 = arith.constant 0 : i32
      %dma_wait3A_157 = tpu.memref_slice %arg8[%add3A_86, %dma_wait3A_156] : memref<20480x128xf32, #tpu.memory_space<hbm>> -> memref<64x128xf32, #tpu.memory_space<hbm>>
      tpu.wait_dma2 semaphore(%run_scoped3A : memref<!tpu.dma_semaphore, #tpu.memory_space<semaphore_mem>>) src(%arg15 : memref<64x128xf32, #tpu.memory_space<vmem>>) dst(%dma_wait3A_157 : memref<64x128xf32, #tpu.memory_space<hbm>>)
      tpu.yield
    }) : () -> ()
    %mul3A_87 = arith.constant 640 : i32
    %mul3A_88 = arith.muli %arg1, %mul3A_87 : i32
    %add3A_89 = arith.constant 128 : i32
    %add3A_90 = arith.addi %mul3A_88, %add3A_89 : i32
    %mul3A_91 = arith.constant 10240 : i32
    %mul3A_92 = arith.muli %arg0, %mul3A_91 : i32
    %add3A_93 = arith.addi %mul3A_92, %add3A_90 : i32
    "tpu.region"() ({
      %run_scoped3A = tpu.sem_alloc : memref<!tpu.dma_semaphore, #tpu.memory_space<semaphore_mem>>
      %dma_start3A = arith.constant 0 : i32
      %dma_start3A_152 = tpu.memref_slice %arg22[%add3A_90, %dma_start3A] : memref<10240x128xf32, #tpu.memory_space<vmem_shared>> -> memref<64x128xf32, #tpu.memory_space<vmem_shared>>
      %dma_start3A_153 = arith.constant 0 : i32
      %dma_start3A_154 = tpu.memref_slice %arg22[%add3A_90, %dma_start3A_153] : memref<10240x128xf32, #tpu.memory_space<vmem_shared>> -> memref<64x128xf32, #tpu.memory_space<vmem_shared>>
      tpu.enqueue_dma source(%dma_start3A_154 : memref<64x128xf32, #tpu.memory_space<vmem_shared>>) target(%arg15 : memref<64x128xf32, #tpu.memory_space<vmem>>) target_semaphore(%run_scoped3A : memref<!tpu.dma_semaphore, #tpu.memory_space<semaphore_mem>>)
      %dma_wait3A = arith.constant 0 : i32
      %dma_wait3A_155 = tpu.memref_slice %arg22[%add3A_90, %dma_wait3A] : memref<10240x128xf32, #tpu.memory_space<vmem_shared>> -> memref<64x128xf32, #tpu.memory_space<vmem_shared>>
      %dma_wait3A_156 = arith.constant 0 : i32
      %dma_wait3A_157 = tpu.memref_slice %arg22[%add3A_90, %dma_wait3A_156] : memref<10240x128xf32, #tpu.memory_space<vmem_shared>> -> memref<64x128xf32, #tpu.memory_space<vmem_shared>>
      tpu.wait_dma2 semaphore(%run_scoped3A : memref<!tpu.dma_semaphore, #tpu.memory_space<semaphore_mem>>) src(%dma_wait3A_157 : memref<64x128xf32, #tpu.memory_space<vmem_shared>>) dst(%arg15 : memref<64x128xf32, #tpu.memory_space<vmem>>)
      tpu.yield
    }) : () -> ()
    "tpu.region"() ({
      %run_scoped3A = tpu.sem_alloc : memref<!tpu.dma_semaphore, #tpu.memory_space<semaphore_mem>>
      %dma_start3A = arith.constant 0 : i32
      %dma_start3A_152 = tpu.memref_slice %arg8[%add3A_93, %dma_start3A] : memref<20480x128xf32, #tpu.memory_space<hbm>> -> memref<64x128xf32, #tpu.memory_space<hbm>>
      %dma_start3A_153 = arith.constant 0 : i32
      %dma_start3A_154 = tpu.memref_slice %arg8[%add3A_93, %dma_start3A_153] : memref<20480x128xf32, #tpu.memory_space<hbm>> -> memref<64x128xf32, #tpu.memory_space<hbm>>
      tpu.enqueue_dma source(%arg15 : memref<64x128xf32, #tpu.memory_space<vmem>>) target(%dma_start3A_154 : memref<64x128xf32, #tpu.memory_space<hbm>>) target_semaphore(%run_scoped3A : memref<!tpu.dma_semaphore, #tpu.memory_space<semaphore_mem>>)
      %dma_wait3A = arith.constant 0 : i32
      %dma_wait3A_155 = tpu.memref_slice %arg8[%add3A_93, %dma_wait3A] : memref<20480x128xf32, #tpu.memory_space<hbm>> -> memref<64x128xf32, #tpu.memory_space<hbm>>
      %dma_wait3A_156 = arith.constant 0 : i32
      %dma_wait3A_157 = tpu.memref_slice %arg8[%add3A_93, %dma_wait3A_156] : memref<20480x128xf32, #tpu.memory_space<hbm>> -> memref<64x128xf32, #tpu.memory_space<hbm>>
      tpu.wait_dma2 semaphore(%run_scoped3A : memref<!tpu.dma_semaphore, #tpu.memory_space<semaphore_mem>>) src(%arg15 : memref<64x128xf32, #tpu.memory_space<vmem>>) dst(%dma_wait3A_157 : memref<64x128xf32, #tpu.memory_space<hbm>>)
      tpu.yield
    }) : () -> ()
    %mul3A_94 = arith.constant 640 : i32
    %mul3A_95 = arith.muli %arg1, %mul3A_94 : i32
    %add3A_96 = arith.constant 192 : i32
    %add3A_97 = arith.addi %mul3A_95, %add3A_96 : i32
    %mul3A_98 = arith.constant 10240 : i32
    %mul3A_99 = arith.muli %arg0, %mul3A_98 : i32
    %add3A_100 = arith.addi %mul3A_99, %add3A_97 : i32
    "tpu.region"() ({
      %run_scoped3A = tpu.sem_alloc : memref<!tpu.dma_semaphore, #tpu.memory_space<semaphore_mem>>
      %dma_start3A = arith.constant 0 : i32
      %dma_start3A_152 = tpu.memref_slice %arg22[%add3A_97, %dma_start3A] : memref<10240x128xf32, #tpu.memory_space<vmem_shared>> -> memref<64x128xf32, #tpu.memory_space<vmem_shared>>
      %dma_start3A_153 = arith.constant 0 : i32
      %dma_start3A_154 = tpu.memref_slice %arg22[%add3A_97, %dma_start3A_153] : memref<10240x128xf32, #tpu.memory_space<vmem_shared>> -> memref<64x128xf32, #tpu.memory_space<vmem_shared>>
      tpu.enqueue_dma source(%dma_start3A_154 : memref<64x128xf32, #tpu.memory_space<vmem_shared>>) target(%arg15 : memref<64x128xf32, #tpu.memory_space<vmem>>) target_semaphore(%run_scoped3A : memref<!tpu.dma_semaphore, #tpu.memory_space<semaphore_mem>>)
      %dma_wait3A = arith.constant 0 : i32
      %dma_wait3A_155 = tpu.memref_slice %arg22[%add3A_97, %dma_wait3A] : memref<10240x128xf32, #tpu.memory_space<vmem_shared>> -> memref<64x128xf32, #tpu.memory_space<vmem_shared>>
      %dma_wait3A_156 = arith.constant 0 : i32
      %dma_wait3A_157 = tpu.memref_slice %arg22[%add3A_97, %dma_wait3A_156] : memref<10240x128xf32, #tpu.memory_space<vmem_shared>> -> memref<64x128xf32, #tpu.memory_space<vmem_shared>>
      tpu.wait_dma2 semaphore(%run_scoped3A : memref<!tpu.dma_semaphore, #tpu.memory_space<semaphore_mem>>) src(%dma_wait3A_157 : memref<64x128xf32, #tpu.memory_space<vmem_shared>>) dst(%arg15 : memref<64x128xf32, #tpu.memory_space<vmem>>)
      tpu.yield
    }) : () -> ()
    "tpu.region"() ({
      %run_scoped3A = tpu.sem_alloc : memref<!tpu.dma_semaphore, #tpu.memory_space<semaphore_mem>>
      %dma_start3A = arith.constant 0 : i32
      %dma_start3A_152 = tpu.memref_slice %arg8[%add3A_100, %dma_start3A] : memref<20480x128xf32, #tpu.memory_space<hbm>> -> memref<64x128xf32, #tpu.memory_space<hbm>>
      %dma_start3A_153 = arith.constant 0 : i32
      %dma_start3A_154 = tpu.memref_slice %arg8[%add3A_100, %dma_start3A_153] : memref<20480x128xf32, #tpu.memory_space<hbm>> -> memref<64x128xf32, #tpu.memory_space<hbm>>
      tpu.enqueue_dma source(%arg15 : memref<64x128xf32, #tpu.memory_space<vmem>>) target(%dma_start3A_154 : memref<64x128xf32, #tpu.memory_space<hbm>>) target_semaphore(%run_scoped3A : memref<!tpu.dma_semaphore, #tpu.memory_space<semaphore_mem>>)
      %dma_wait3A = arith.constant 0 : i32
      %dma_wait3A_155 = tpu.memref_slice %arg8[%add3A_100, %dma_wait3A] : memref<20480x128xf32, #tpu.memory_space<hbm>> -> memref<64x128xf32, #tpu.memory_space<hbm>>
      %dma_wait3A_156 = arith.constant 0 : i32
      %dma_wait3A_157 = tpu.memref_slice %arg8[%add3A_100, %dma_wait3A_156] : memref<20480x128xf32, #tpu.memory_space<hbm>> -> memref<64x128xf32, #tpu.memory_space<hbm>>
      tpu.wait_dma2 semaphore(%run_scoped3A : memref<!tpu.dma_semaphore, #tpu.memory_space<semaphore_mem>>) src(%arg15 : memref<64x128xf32, #tpu.memory_space<vmem>>) dst(%dma_wait3A_157 : memref<64x128xf32, #tpu.memory_space<hbm>>)
      tpu.yield
    }) : () -> ()
    %mul3A_101 = arith.constant 640 : i32
    %mul3A_102 = arith.muli %arg1, %mul3A_101 : i32
    %add3A_103 = arith.constant 256 : i32
    %add3A_104 = arith.addi %mul3A_102, %add3A_103 : i32
    %mul3A_105 = arith.constant 10240 : i32
    %mul3A_106 = arith.muli %arg0, %mul3A_105 : i32
    %add3A_107 = arith.addi %mul3A_106, %add3A_104 : i32
    "tpu.region"() ({
      %run_scoped3A = tpu.sem_alloc : memref<!tpu.dma_semaphore, #tpu.memory_space<semaphore_mem>>
      %dma_start3A = arith.constant 0 : i32
      %dma_start3A_152 = tpu.memref_slice %arg22[%add3A_104, %dma_start3A] : memref<10240x128xf32, #tpu.memory_space<vmem_shared>> -> memref<64x128xf32, #tpu.memory_space<vmem_shared>>
      %dma_start3A_153 = arith.constant 0 : i32
      %dma_start3A_154 = tpu.memref_slice %arg22[%add3A_104, %dma_start3A_153] : memref<10240x128xf32, #tpu.memory_space<vmem_shared>> -> memref<64x128xf32, #tpu.memory_space<vmem_shared>>
      tpu.enqueue_dma source(%dma_start3A_154 : memref<64x128xf32, #tpu.memory_space<vmem_shared>>) target(%arg15 : memref<64x128xf32, #tpu.memory_space<vmem>>) target_semaphore(%run_scoped3A : memref<!tpu.dma_semaphore, #tpu.memory_space<semaphore_mem>>)
      %dma_wait3A = arith.constant 0 : i32
      %dma_wait3A_155 = tpu.memref_slice %arg22[%add3A_104, %dma_wait3A] : memref<10240x128xf32, #tpu.memory_space<vmem_shared>> -> memref<64x128xf32, #tpu.memory_space<vmem_shared>>
      %dma_wait3A_156 = arith.constant 0 : i32
      %dma_wait3A_157 = tpu.memref_slice %arg22[%add3A_104, %dma_wait3A_156] : memref<10240x128xf32, #tpu.memory_space<vmem_shared>> -> memref<64x128xf32, #tpu.memory_space<vmem_shared>>
      tpu.wait_dma2 semaphore(%run_scoped3A : memref<!tpu.dma_semaphore, #tpu.memory_space<semaphore_mem>>) src(%dma_wait3A_157 : memref<64x128xf32, #tpu.memory_space<vmem_shared>>) dst(%arg15 : memref<64x128xf32, #tpu.memory_space<vmem>>)
      tpu.yield
    }) : () -> ()
    "tpu.region"() ({
      %run_scoped3A = tpu.sem_alloc : memref<!tpu.dma_semaphore, #tpu.memory_space<semaphore_mem>>
      %dma_start3A = arith.constant 0 : i32
      %dma_start3A_152 = tpu.memref_slice %arg8[%add3A_107, %dma_start3A] : memref<20480x128xf32, #tpu.memory_space<hbm>> -> memref<64x128xf32, #tpu.memory_space<hbm>>
      %dma_start3A_153 = arith.constant 0 : i32
      %dma_start3A_154 = tpu.memref_slice %arg8[%add3A_107, %dma_start3A_153] : memref<20480x128xf32, #tpu.memory_space<hbm>> -> memref<64x128xf32, #tpu.memory_space<hbm>>
      tpu.enqueue_dma source(%arg15 : memref<64x128xf32, #tpu.memory_space<vmem>>) target(%dma_start3A_154 : memref<64x128xf32, #tpu.memory_space<hbm>>) target_semaphore(%run_scoped3A : memref<!tpu.dma_semaphore, #tpu.memory_space<semaphore_mem>>)
      %dma_wait3A = arith.constant 0 : i32
      %dma_wait3A_155 = tpu.memref_slice %arg8[%add3A_107, %dma_wait3A] : memref<20480x128xf32, #tpu.memory_space<hbm>> -> memref<64x128xf32, #tpu.memory_space<hbm>>
      %dma_wait3A_156 = arith.constant 0 : i32
      %dma_wait3A_157 = tpu.memref_slice %arg8[%add3A_107, %dma_wait3A_156] : memref<20480x128xf32, #tpu.memory_space<hbm>> -> memref<64x128xf32, #tpu.memory_space<hbm>>
      tpu.wait_dma2 semaphore(%run_scoped3A : memref<!tpu.dma_semaphore, #tpu.memory_space<semaphore_mem>>) src(%arg15 : memref<64x128xf32, #tpu.memory_space<vmem>>) dst(%dma_wait3A_157 : memref<64x128xf32, #tpu.memory_space<hbm>>)
      tpu.yield
    }) : () -> ()
    %mul3A_108 = arith.constant 640 : i32
    %mul3A_109 = arith.muli %arg1, %mul3A_108 : i32
    %add3A_110 = arith.constant 320 : i32
    %add3A_111 = arith.addi %mul3A_109, %add3A_110 : i32
    %mul3A_112 = arith.constant 10240 : i32
    %mul3A_113 = arith.muli %arg0, %mul3A_112 : i32
    %add3A_114 = arith.addi %mul3A_113, %add3A_111 : i32
    "tpu.region"() ({
      %run_scoped3A = tpu.sem_alloc : memref<!tpu.dma_semaphore, #tpu.memory_space<semaphore_mem>>
      %dma_start3A = arith.constant 0 : i32
      %dma_start3A_152 = tpu.memref_slice %arg22[%add3A_111, %dma_start3A] : memref<10240x128xf32, #tpu.memory_space<vmem_shared>> -> memref<64x128xf32, #tpu.memory_space<vmem_shared>>
      %dma_start3A_153 = arith.constant 0 : i32
      %dma_start3A_154 = tpu.memref_slice %arg22[%add3A_111, %dma_start3A_153] : memref<10240x128xf32, #tpu.memory_space<vmem_shared>> -> memref<64x128xf32, #tpu.memory_space<vmem_shared>>
      tpu.enqueue_dma source(%dma_start3A_154 : memref<64x128xf32, #tpu.memory_space<vmem_shared>>) target(%arg15 : memref<64x128xf32, #tpu.memory_space<vmem>>) target_semaphore(%run_scoped3A : memref<!tpu.dma_semaphore, #tpu.memory_space<semaphore_mem>>)
      %dma_wait3A = arith.constant 0 : i32
      %dma_wait3A_155 = tpu.memref_slice %arg22[%add3A_111, %dma_wait3A] : memref<10240x128xf32, #tpu.memory_space<vmem_shared>> -> memref<64x128xf32, #tpu.memory_space<vmem_shared>>
      %dma_wait3A_156 = arith.constant 0 : i32
      %dma_wait3A_157 = tpu.memref_slice %arg22[%add3A_111, %dma_wait3A_156] : memref<10240x128xf32, #tpu.memory_space<vmem_shared>> -> memref<64x128xf32, #tpu.memory_space<vmem_shared>>
      tpu.wait_dma2 semaphore(%run_scoped3A : memref<!tpu.dma_semaphore, #tpu.memory_space<semaphore_mem>>) src(%dma_wait3A_157 : memref<64x128xf32, #tpu.memory_space<vmem_shared>>) dst(%arg15 : memref<64x128xf32, #tpu.memory_space<vmem>>)
      tpu.yield
    }) : () -> ()
    "tpu.region"() ({
      %run_scoped3A = tpu.sem_alloc : memref<!tpu.dma_semaphore, #tpu.memory_space<semaphore_mem>>
      %dma_start3A = arith.constant 0 : i32
      %dma_start3A_152 = tpu.memref_slice %arg8[%add3A_114, %dma_start3A] : memref<20480x128xf32, #tpu.memory_space<hbm>> -> memref<64x128xf32, #tpu.memory_space<hbm>>
      %dma_start3A_153 = arith.constant 0 : i32
      %dma_start3A_154 = tpu.memref_slice %arg8[%add3A_114, %dma_start3A_153] : memref<20480x128xf32, #tpu.memory_space<hbm>> -> memref<64x128xf32, #tpu.memory_space<hbm>>
      tpu.enqueue_dma source(%arg15 : memref<64x128xf32, #tpu.memory_space<vmem>>) target(%dma_start3A_154 : memref<64x128xf32, #tpu.memory_space<hbm>>) target_semaphore(%run_scoped3A : memref<!tpu.dma_semaphore, #tpu.memory_space<semaphore_mem>>)
      %dma_wait3A = arith.constant 0 : i32
      %dma_wait3A_155 = tpu.memref_slice %arg8[%add3A_114, %dma_wait3A] : memref<20480x128xf32, #tpu.memory_space<hbm>> -> memref<64x128xf32, #tpu.memory_space<hbm>>
      %dma_wait3A_156 = arith.constant 0 : i32
      %dma_wait3A_157 = tpu.memref_slice %arg8[%add3A_114, %dma_wait3A_156] : memref<20480x128xf32, #tpu.memory_space<hbm>> -> memref<64x128xf32, #tpu.memory_space<hbm>>
      tpu.wait_dma2 semaphore(%run_scoped3A : memref<!tpu.dma_semaphore, #tpu.memory_space<semaphore_mem>>) src(%arg15 : memref<64x128xf32, #tpu.memory_space<vmem>>) dst(%dma_wait3A_157 : memref<64x128xf32, #tpu.memory_space<hbm>>)
      tpu.yield
    }) : () -> ()
    %mul3A_115 = arith.constant 640 : i32
    %mul3A_116 = arith.muli %arg1, %mul3A_115 : i32
    %add3A_117 = arith.constant 384 : i32
    %add3A_118 = arith.addi %mul3A_116, %add3A_117 : i32
    %mul3A_119 = arith.constant 10240 : i32
    %mul3A_120 = arith.muli %arg0, %mul3A_119 : i32
    %add3A_121 = arith.addi %mul3A_120, %add3A_118 : i32
    "tpu.region"() ({
      %run_scoped3A = tpu.sem_alloc : memref<!tpu.dma_semaphore, #tpu.memory_space<semaphore_mem>>
      %dma_start3A = arith.constant 0 : i32
      %dma_start3A_152 = tpu.memref_slice %arg22[%add3A_118, %dma_start3A] : memref<10240x128xf32, #tpu.memory_space<vmem_shared>> -> memref<64x128xf32, #tpu.memory_space<vmem_shared>>
      %dma_start3A_153 = arith.constant 0 : i32
      %dma_start3A_154 = tpu.memref_slice %arg22[%add3A_118, %dma_start3A_153] : memref<10240x128xf32, #tpu.memory_space<vmem_shared>> -> memref<64x128xf32, #tpu.memory_space<vmem_shared>>
      tpu.enqueue_dma source(%dma_start3A_154 : memref<64x128xf32, #tpu.memory_space<vmem_shared>>) target(%arg15 : memref<64x128xf32, #tpu.memory_space<vmem>>) target_semaphore(%run_scoped3A : memref<!tpu.dma_semaphore, #tpu.memory_space<semaphore_mem>>)
      %dma_wait3A = arith.constant 0 : i32
      %dma_wait3A_155 = tpu.memref_slice %arg22[%add3A_118, %dma_wait3A] : memref<10240x128xf32, #tpu.memory_space<vmem_shared>> -> memref<64x128xf32, #tpu.memory_space<vmem_shared>>
      %dma_wait3A_156 = arith.constant 0 : i32
      %dma_wait3A_157 = tpu.memref_slice %arg22[%add3A_118, %dma_wait3A_156] : memref<10240x128xf32, #tpu.memory_space<vmem_shared>> -> memref<64x128xf32, #tpu.memory_space<vmem_shared>>
      tpu.wait_dma2 semaphore(%run_scoped3A : memref<!tpu.dma_semaphore, #tpu.memory_space<semaphore_mem>>) src(%dma_wait3A_157 : memref<64x128xf32, #tpu.memory_space<vmem_shared>>) dst(%arg15 : memref<64x128xf32, #tpu.memory_space<vmem>>)
      tpu.yield
    }) : () -> ()
    "tpu.region"() ({
      %run_scoped3A = tpu.sem_alloc : memref<!tpu.dma_semaphore, #tpu.memory_space<semaphore_mem>>
      %dma_start3A = arith.constant 0 : i32
      %dma_start3A_152 = tpu.memref_slice %arg8[%add3A_121, %dma_start3A] : memref<20480x128xf32, #tpu.memory_space<hbm>> -> memref<64x128xf32, #tpu.memory_space<hbm>>
      %dma_start3A_153 = arith.constant 0 : i32
      %dma_start3A_154 = tpu.memref_slice %arg8[%add3A_121, %dma_start3A_153] : memref<20480x128xf32, #tpu.memory_space<hbm>> -> memref<64x128xf32, #tpu.memory_space<hbm>>
      tpu.enqueue_dma source(%arg15 : memref<64x128xf32, #tpu.memory_space<vmem>>) target(%dma_start3A_154 : memref<64x128xf32, #tpu.memory_space<hbm>>) target_semaphore(%run_scoped3A : memref<!tpu.dma_semaphore, #tpu.memory_space<semaphore_mem>>)
      %dma_wait3A = arith.constant 0 : i32
      %dma_wait3A_155 = tpu.memref_slice %arg8[%add3A_121, %dma_wait3A] : memref<20480x128xf32, #tpu.memory_space<hbm>> -> memref<64x128xf32, #tpu.memory_space<hbm>>
      %dma_wait3A_156 = arith.constant 0 : i32
      %dma_wait3A_157 = tpu.memref_slice %arg8[%add3A_121, %dma_wait3A_156] : memref<20480x128xf32, #tpu.memory_space<hbm>> -> memref<64x128xf32, #tpu.memory_space<hbm>>
      tpu.wait_dma2 semaphore(%run_scoped3A : memref<!tpu.dma_semaphore, #tpu.memory_space<semaphore_mem>>) src(%arg15 : memref<64x128xf32, #tpu.memory_space<vmem>>) dst(%dma_wait3A_157 : memref<64x128xf32, #tpu.memory_space<hbm>>)
      tpu.yield
    }) : () -> ()
    %mul3A_122 = arith.constant 640 : i32
    %mul3A_123 = arith.muli %arg1, %mul3A_122 : i32
    %add3A_124 = arith.constant 448 : i32
    %add3A_125 = arith.addi %mul3A_123, %add3A_124 : i32
    %mul3A_126 = arith.constant 10240 : i32
    %mul3A_127 = arith.muli %arg0, %mul3A_126 : i32
    %add3A_128 = arith.addi %mul3A_127, %add3A_125 : i32
    "tpu.region"() ({
      %run_scoped3A = tpu.sem_alloc : memref<!tpu.dma_semaphore, #tpu.memory_space<semaphore_mem>>
      %dma_start3A = arith.constant 0 : i32
      %dma_start3A_152 = tpu.memref_slice %arg22[%add3A_125, %dma_start3A] : memref<10240x128xf32, #tpu.memory_space<vmem_shared>> -> memref<64x128xf32, #tpu.memory_space<vmem_shared>>
      %dma_start3A_153 = arith.constant 0 : i32
      %dma_start3A_154 = tpu.memref_slice %arg22[%add3A_125, %dma_start3A_153] : memref<10240x128xf32, #tpu.memory_space<vmem_shared>> -> memref<64x128xf32, #tpu.memory_space<vmem_shared>>
      tpu.enqueue_dma source(%dma_start3A_154 : memref<64x128xf32, #tpu.memory_space<vmem_shared>>) target(%arg15 : memref<64x128xf32, #tpu.memory_space<vmem>>) target_semaphore(%run_scoped3A : memref<!tpu.dma_semaphore, #tpu.memory_space<semaphore_mem>>)
      %dma_wait3A = arith.constant 0 : i32
      %dma_wait3A_155 = tpu.memref_slice %arg22[%add3A_125, %dma_wait3A] : memref<10240x128xf32, #tpu.memory_space<vmem_shared>> -> memref<64x128xf32, #tpu.memory_space<vmem_shared>>
      %dma_wait3A_156 = arith.constant 0 : i32
      %dma_wait3A_157 = tpu.memref_slice %arg22[%add3A_125, %dma_wait3A_156] : memref<10240x128xf32, #tpu.memory_space<vmem_shared>> -> memref<64x128xf32, #tpu.memory_space<vmem_shared>>
      tpu.wait_dma2 semaphore(%run_scoped3A : memref<!tpu.dma_semaphore, #tpu.memory_space<semaphore_mem>>) src(%dma_wait3A_157 : memref<64x128xf32, #tpu.memory_space<vmem_shared>>) dst(%arg15 : memref<64x128xf32, #tpu.memory_space<vmem>>)
      tpu.yield
    }) : () -> ()
    "tpu.region"() ({
      %run_scoped3A = tpu.sem_alloc : memref<!tpu.dma_semaphore, #tpu.memory_space<semaphore_mem>>
      %dma_start3A = arith.constant 0 : i32
      %dma_start3A_152 = tpu.memref_slice %arg8[%add3A_128, %dma_start3A] : memref<20480x128xf32, #tpu.memory_space<hbm>> -> memref<64x128xf32, #tpu.memory_space<hbm>>
      %dma_start3A_153 = arith.constant 0 : i32
      %dma_start3A_154 = tpu.memref_slice %arg8[%add3A_128, %dma_start3A_153] : memref<20480x128xf32, #tpu.memory_space<hbm>> -> memref<64x128xf32, #tpu.memory_space<hbm>>
      tpu.enqueue_dma source(%arg15 : memref<64x128xf32, #tpu.memory_space<vmem>>) target(%dma_start3A_154 : memref<64x128xf32, #tpu.memory_space<hbm>>) target_semaphore(%run_scoped3A : memref<!tpu.dma_semaphore, #tpu.memory_space<semaphore_mem>>)
      %dma_wait3A = arith.constant 0 : i32
      %dma_wait3A_155 = tpu.memref_slice %arg8[%add3A_128, %dma_wait3A] : memref<20480x128xf32, #tpu.memory_space<hbm>> -> memref<64x128xf32, #tpu.memory_space<hbm>>
      %dma_wait3A_156 = arith.constant 0 : i32
      %dma_wait3A_157 = tpu.memref_slice %arg8[%add3A_128, %dma_wait3A_156] : memref<20480x128xf32, #tpu.memory_space<hbm>> -> memref<64x128xf32, #tpu.memory_space<hbm>>
      tpu.wait_dma2 semaphore(%run_scoped3A : memref<!tpu.dma_semaphore, #tpu.memory_space<semaphore_mem>>) src(%arg15 : memref<64x128xf32, #tpu.memory_space<vmem>>) dst(%dma_wait3A_157 : memref<64x128xf32, #tpu.memory_space<hbm>>)
      tpu.yield
    }) : () -> ()
    %mul3A_129 = arith.constant 640 : i32
    %mul3A_130 = arith.muli %arg1, %mul3A_129 : i32
    %add3A_131 = arith.constant 512 : i32
    %add3A_132 = arith.addi %mul3A_130, %add3A_131 : i32
    %mul3A_133 = arith.constant 10240 : i32
    %mul3A_134 = arith.muli %arg0, %mul3A_133 : i32
    %add3A_135 = arith.addi %mul3A_134, %add3A_132 : i32
    "tpu.region"() ({
      %run_scoped3A = tpu.sem_alloc : memref<!tpu.dma_semaphore, #tpu.memory_space<semaphore_mem>>
      %dma_start3A = arith.constant 0 : i32
      %dma_start3A_152 = tpu.memref_slice %arg22[%add3A_132, %dma_start3A] : memref<10240x128xf32, #tpu.memory_space<vmem_shared>> -> memref<64x128xf32, #tpu.memory_space<vmem_shared>>
      %dma_start3A_153 = arith.constant 0 : i32
      %dma_start3A_154 = tpu.memref_slice %arg22[%add3A_132, %dma_start3A_153] : memref<10240x128xf32, #tpu.memory_space<vmem_shared>> -> memref<64x128xf32, #tpu.memory_space<vmem_shared>>
      tpu.enqueue_dma source(%dma_start3A_154 : memref<64x128xf32, #tpu.memory_space<vmem_shared>>) target(%arg15 : memref<64x128xf32, #tpu.memory_space<vmem>>) target_semaphore(%run_scoped3A : memref<!tpu.dma_semaphore, #tpu.memory_space<semaphore_mem>>)
      %dma_wait3A = arith.constant 0 : i32
      %dma_wait3A_155 = tpu.memref_slice %arg22[%add3A_132, %dma_wait3A] : memref<10240x128xf32, #tpu.memory_space<vmem_shared>> -> memref<64x128xf32, #tpu.memory_space<vmem_shared>>
      %dma_wait3A_156 = arith.constant 0 : i32
      %dma_wait3A_157 = tpu.memref_slice %arg22[%add3A_132, %dma_wait3A_156] : memref<10240x128xf32, #tpu.memory_space<vmem_shared>> -> memref<64x128xf32, #tpu.memory_space<vmem_shared>>
      tpu.wait_dma2 semaphore(%run_scoped3A : memref<!tpu.dma_semaphore, #tpu.memory_space<semaphore_mem>>) src(%dma_wait3A_157 : memref<64x128xf32, #tpu.memory_space<vmem_shared>>) dst(%arg15 : memref<64x128xf32, #tpu.memory_space<vmem>>)
      tpu.yield
    }) : () -> ()
    "tpu.region"() ({
      %run_scoped3A = tpu.sem_alloc : memref<!tpu.dma_semaphore, #tpu.memory_space<semaphore_mem>>
      %dma_start3A = arith.constant 0 : i32
      %dma_start3A_152 = tpu.memref_slice %arg8[%add3A_135, %dma_start3A] : memref<20480x128xf32, #tpu.memory_space<hbm>> -> memref<64x128xf32, #tpu.memory_space<hbm>>
      %dma_start3A_153 = arith.constant 0 : i32
      %dma_start3A_154 = tpu.memref_slice %arg8[%add3A_135, %dma_start3A_153] : memref<20480x128xf32, #tpu.memory_space<hbm>> -> memref<64x128xf32, #tpu.memory_space<hbm>>
      tpu.enqueue_dma source(%arg15 : memref<64x128xf32, #tpu.memory_space<vmem>>) target(%dma_start3A_154 : memref<64x128xf32, #tpu.memory_space<hbm>>) target_semaphore(%run_scoped3A : memref<!tpu.dma_semaphore, #tpu.memory_space<semaphore_mem>>)
      %dma_wait3A = arith.constant 0 : i32
      %dma_wait3A_155 = tpu.memref_slice %arg8[%add3A_135, %dma_wait3A] : memref<20480x128xf32, #tpu.memory_space<hbm>> -> memref<64x128xf32, #tpu.memory_space<hbm>>
      %dma_wait3A_156 = arith.constant 0 : i32
      %dma_wait3A_157 = tpu.memref_slice %arg8[%add3A_135, %dma_wait3A_156] : memref<20480x128xf32, #tpu.memory_space<hbm>> -> memref<64x128xf32, #tpu.memory_space<hbm>>
      tpu.wait_dma2 semaphore(%run_scoped3A : memref<!tpu.dma_semaphore, #tpu.memory_space<semaphore_mem>>) src(%arg15 : memref<64x128xf32, #tpu.memory_space<vmem>>) dst(%dma_wait3A_157 : memref<64x128xf32, #tpu.memory_space<hbm>>)
      tpu.yield
    }) : () -> ()
    %mul3A_136 = arith.constant 640 : i32
    %mul3A_137 = arith.muli %arg1, %mul3A_136 : i32
    %add3A_138 = arith.constant 576 : i32
    %add3A_139 = arith.addi %mul3A_137, %add3A_138 : i32
    %mul3A_140 = arith.constant 10240 : i32
    %mul3A_141 = arith.muli %arg0, %mul3A_140 : i32
    %add3A_142 = arith.addi %mul3A_141, %add3A_139 : i32
    "tpu.region"() ({
      %run_scoped3A = tpu.sem_alloc : memref<!tpu.dma_semaphore, #tpu.memory_space<semaphore_mem>>
      %dma_start3A = arith.constant 0 : i32
      %dma_start3A_152 = tpu.memref_slice %arg22[%add3A_139, %dma_start3A] : memref<10240x128xf32, #tpu.memory_space<vmem_shared>> -> memref<64x128xf32, #tpu.memory_space<vmem_shared>>
      %dma_start3A_153 = arith.constant 0 : i32
      %dma_start3A_154 = tpu.memref_slice %arg22[%add3A_139, %dma_start3A_153] : memref<10240x128xf32, #tpu.memory_space<vmem_shared>> -> memref<64x128xf32, #tpu.memory_space<vmem_shared>>
      tpu.enqueue_dma source(%dma_start3A_154 : memref<64x128xf32, #tpu.memory_space<vmem_shared>>) target(%arg15 : memref<64x128xf32, #tpu.memory_space<vmem>>) target_semaphore(%run_scoped3A : memref<!tpu.dma_semaphore, #tpu.memory_space<semaphore_mem>>)
      %dma_wait3A = arith.constant 0 : i32
      %dma_wait3A_155 = tpu.memref_slice %arg22[%add3A_139, %dma_wait3A] : memref<10240x128xf32, #tpu.memory_space<vmem_shared>> -> memref<64x128xf32, #tpu.memory_space<vmem_shared>>
      %dma_wait3A_156 = arith.constant 0 : i32
      %dma_wait3A_157 = tpu.memref_slice %arg22[%add3A_139, %dma_wait3A_156] : memref<10240x128xf32, #tpu.memory_space<vmem_shared>> -> memref<64x128xf32, #tpu.memory_space<vmem_shared>>
      tpu.wait_dma2 semaphore(%run_scoped3A : memref<!tpu.dma_semaphore, #tpu.memory_space<semaphore_mem>>) src(%dma_wait3A_157 : memref<64x128xf32, #tpu.memory_space<vmem_shared>>) dst(%arg15 : memref<64x128xf32, #tpu.memory_space<vmem>>)
      tpu.yield
    }) : () -> ()
    "tpu.region"() ({
      %run_scoped3A = tpu.sem_alloc : memref<!tpu.dma_semaphore, #tpu.memory_space<semaphore_mem>>
      %dma_start3A = arith.constant 0 : i32
      %dma_start3A_152 = tpu.memref_slice %arg8[%add3A_142, %dma_start3A] : memref<20480x128xf32, #tpu.memory_space<hbm>> -> memref<64x128xf32, #tpu.memory_space<hbm>>
      %dma_start3A_153 = arith.constant 0 : i32
      %dma_start3A_154 = tpu.memref_slice %arg8[%add3A_142, %dma_start3A_153] : memref<20480x128xf32, #tpu.memory_space<hbm>> -> memref<64x128xf32, #tpu.memory_space<hbm>>
      tpu.enqueue_dma source(%arg15 : memref<64x128xf32, #tpu.memory_space<vmem>>) target(%dma_start3A_154 : memref<64x128xf32, #tpu.memory_space<hbm>>) target_semaphore(%run_scoped3A : memref<!tpu.dma_semaphore, #tpu.memory_space<semaphore_mem>>)
      %dma_wait3A = arith.constant 0 : i32
      %dma_wait3A_155 = tpu.memref_slice %arg8[%add3A_142, %dma_wait3A] : memref<20480x128xf32, #tpu.memory_space<hbm>> -> memref<64x128xf32, #tpu.memory_space<hbm>>
      %dma_wait3A_156 = arith.constant 0 : i32
      %dma_wait3A_157 = tpu.memref_slice %arg8[%add3A_142, %dma_wait3A_156] : memref<20480x128xf32, #tpu.memory_space<hbm>> -> memref<64x128xf32, #tpu.memory_space<hbm>>
      tpu.wait_dma2 semaphore(%run_scoped3A : memref<!tpu.dma_semaphore, #tpu.memory_space<semaphore_mem>>) src(%arg15 : memref<64x128xf32, #tpu.memory_space<vmem>>) dst(%dma_wait3A_157 : memref<64x128xf32, #tpu.memory_space<hbm>>)
      tpu.yield
    }) : () -> ()
    %mul3A_143 = arith.constant 80 : i32
    %mul3A_144 = arith.muli %arg1, %mul3A_143 : i32
    %mul3A_145 = arith.constant 1280 : i32
    %mul3A_146 = arith.muli %arg0, %mul3A_145 : i32
    %add3A_147 = arith.addi %mul3A_146, %mul3A_144 : i32
    "tpu.region"() ({
      %run_scoped3A = tpu.sem_alloc : memref<!tpu.dma_semaphore, #tpu.memory_space<semaphore_mem>>
      %dma_start3A = arith.constant 0 : i32
      %dma_start3A_152 = tpu.memref_slice %arg23[%mul3A_144, %dma_start3A] : memref<1280x128xf32, #tpu.memory_space<vmem_shared>> -> memref<64x128xf32, #tpu.memory_space<vmem_shared>>
      %dma_start3A_153 = arith.constant 0 : i32
      %dma_start3A_154 = tpu.memref_slice %arg23[%mul3A_144, %dma_start3A_153] : memref<1280x128xf32, #tpu.memory_space<vmem_shared>> -> memref<64x128xf32, #tpu.memory_space<vmem_shared>>
      tpu.enqueue_dma source(%dma_start3A_154 : memref<64x128xf32, #tpu.memory_space<vmem_shared>>) target(%arg15 : memref<64x128xf32, #tpu.memory_space<vmem>>) target_semaphore(%run_scoped3A : memref<!tpu.dma_semaphore, #tpu.memory_space<semaphore_mem>>)
      %dma_wait3A = arith.constant 0 : i32
      %dma_wait3A_155 = tpu.memref_slice %arg23[%mul3A_144, %dma_wait3A] : memref<1280x128xf32, #tpu.memory_space<vmem_shared>> -> memref<64x128xf32, #tpu.memory_space<vmem_shared>>
      %dma_wait3A_156 = arith.constant 0 : i32
      %dma_wait3A_157 = tpu.memref_slice %arg23[%mul3A_144, %dma_wait3A_156] : memref<1280x128xf32, #tpu.memory_space<vmem_shared>> -> memref<64x128xf32, #tpu.memory_space<vmem_shared>>
      tpu.wait_dma2 semaphore(%run_scoped3A : memref<!tpu.dma_semaphore, #tpu.memory_space<semaphore_mem>>) src(%dma_wait3A_157 : memref<64x128xf32, #tpu.memory_space<vmem_shared>>) dst(%arg15 : memref<64x128xf32, #tpu.memory_space<vmem>>)
      tpu.yield
    }) : () -> ()
    "tpu.region"() ({
      %run_scoped3A = tpu.sem_alloc : memref<!tpu.dma_semaphore, #tpu.memory_space<semaphore_mem>>
      %dma_start3A = arith.constant 0 : i32
      %dma_start3A_152 = tpu.memref_slice %arg9[%add3A_147, %dma_start3A] : memref<2560x128xf32, #tpu.memory_space<hbm>> -> memref<64x128xf32, #tpu.memory_space<hbm>>
      %dma_start3A_153 = arith.constant 0 : i32
      %dma_start3A_154 = tpu.memref_slice %arg9[%add3A_147, %dma_start3A_153] : memref<2560x128xf32, #tpu.memory_space<hbm>> -> memref<64x128xf32, #tpu.memory_space<hbm>>
      tpu.enqueue_dma source(%arg15 : memref<64x128xf32, #tpu.memory_space<vmem>>) target(%dma_start3A_154 : memref<64x128xf32, #tpu.memory_space<hbm>>) target_semaphore(%run_scoped3A : memref<!tpu.dma_semaphore, #tpu.memory_space<semaphore_mem>>)
      %dma_wait3A = arith.constant 0 : i32
      %dma_wait3A_155 = tpu.memref_slice %arg9[%add3A_147, %dma_wait3A] : memref<2560x128xf32, #tpu.memory_space<hbm>> -> memref<64x128xf32, #tpu.memory_space<hbm>>
      %dma_wait3A_156 = arith.constant 0 : i32
      %dma_wait3A_157 = tpu.memref_slice %arg9[%add3A_147, %dma_wait3A_156] : memref<2560x128xf32, #tpu.memory_space<hbm>> -> memref<64x128xf32, #tpu.memory_space<hbm>>
      tpu.wait_dma2 semaphore(%run_scoped3A : memref<!tpu.dma_semaphore, #tpu.memory_space<semaphore_mem>>) src(%arg15 : memref<64x128xf32, #tpu.memory_space<vmem>>) dst(%dma_wait3A_157 : memref<64x128xf32, #tpu.memory_space<hbm>>)
      tpu.yield
    }) : () -> ()
    %add3A_148 = arith.constant 64 : i32
    %add3A_149 = arith.addi %mul3A_144, %add3A_148 : i32
    "tpu.region"() ({
      %run_scoped3A = tpu.sem_alloc : memref<!tpu.dma_semaphore, #tpu.memory_space<semaphore_mem>>
      %dma_start3A = arith.constant 0 : i32
      %dma_start3A_152 = arith.constant 0 : i32
      %dma_start3A_153 = tpu.memref_slice %arg15[%dma_start3A, %dma_start3A_152] : memref<64x128xf32, #tpu.memory_space<vmem>> -> memref<16x128xf32, #tpu.memory_space<vmem>>
      %dma_start3A_154 = arith.constant 0 : i32
      %dma_start3A_155 = tpu.memref_slice %arg23[%add3A_149, %dma_start3A_154] : memref<1280x128xf32, #tpu.memory_space<vmem_shared>> -> memref<16x128xf32, #tpu.memory_space<vmem_shared>>
      %dma_start3A_156 = arith.constant 0 : i32
      %dma_start3A_157 = arith.constant 0 : i32
      %dma_start3A_158 = tpu.memref_slice %arg15[%dma_start3A_156, %dma_start3A_157] : memref<64x128xf32, #tpu.memory_space<vmem>> -> memref<16x128xf32, #tpu.memory_space<vmem>>
      %dma_start3A_159 = arith.constant 0 : i32
      %dma_start3A_160 = tpu.memref_slice %arg23[%add3A_149, %dma_start3A_159] : memref<1280x128xf32, #tpu.memory_space<vmem_shared>> -> memref<16x128xf32, #tpu.memory_space<vmem_shared>>
      tpu.enqueue_dma source(%dma_start3A_160 : memref<16x128xf32, #tpu.memory_space<vmem_shared>>) target(%dma_start3A_158 : memref<16x128xf32, #tpu.memory_space<vmem>>) target_semaphore(%run_scoped3A : memref<!tpu.dma_semaphore, #tpu.memory_space<semaphore_mem>>)
      %dma_wait3A = arith.constant 0 : i32
      %dma_wait3A_161 = arith.constant 0 : i32
      %dma_wait3A_162 = tpu.memref_slice %arg15[%dma_wait3A, %dma_wait3A_161] : memref<64x128xf32, #tpu.memory_space<vmem>> -> memref<16x128xf32, #tpu.memory_space<vmem>>
      %dma_wait3A_163 = arith.constant 0 : i32
      %dma_wait3A_164 = tpu.memref_slice %arg23[%add3A_149, %dma_wait3A_163] : memref<1280x128xf32, #tpu.memory_space<vmem_shared>> -> memref<16x128xf32, #tpu.memory_space<vmem_shared>>
      %dma_wait3A_165 = arith.constant 0 : i32
      %dma_wait3A_166 = arith.constant 0 : i32
      %dma_wait3A_167 = tpu.memref_slice %arg15[%dma_wait3A_165, %dma_wait3A_166] : memref<64x128xf32, #tpu.memory_space<vmem>> -> memref<16x128xf32, #tpu.memory_space<vmem>>
      %dma_wait3A_168 = arith.constant 0 : i32
      %dma_wait3A_169 = tpu.memref_slice %arg23[%add3A_149, %dma_wait3A_168] : memref<1280x128xf32, #tpu.memory_space<vmem_shared>> -> memref<16x128xf32, #tpu.memory_space<vmem_shared>>
      tpu.wait_dma2 semaphore(%run_scoped3A : memref<!tpu.dma_semaphore, #tpu.memory_space<semaphore_mem>>) src(%dma_wait3A_169 : memref<16x128xf32, #tpu.memory_space<vmem_shared>>) dst(%dma_wait3A_167 : memref<16x128xf32, #tpu.memory_space<vmem>>)
      tpu.yield
    }) : () -> ()
    %add3A_150 = arith.constant 64 : i32
    %add3A_151 = arith.addi %add3A_147, %add3A_150 : i32
    "tpu.region"() ({
      %run_scoped3A = tpu.sem_alloc : memref<!tpu.dma_semaphore, #tpu.memory_space<semaphore_mem>>
      %dma_start3A = arith.constant 0 : i32
      %dma_start3A_152 = arith.constant 0 : i32
      %dma_start3A_153 = tpu.memref_slice %arg15[%dma_start3A, %dma_start3A_152] : memref<64x128xf32, #tpu.memory_space<vmem>> -> memref<16x128xf32, #tpu.memory_space<vmem>>
      %dma_start3A_154 = arith.constant 0 : i32
      %dma_start3A_155 = tpu.memref_slice %arg9[%add3A_151, %dma_start3A_154] : memref<2560x128xf32, #tpu.memory_space<hbm>> -> memref<16x128xf32, #tpu.memory_space<hbm>>
      %dma_start3A_156 = arith.constant 0 : i32
      %dma_start3A_157 = tpu.memref_slice %arg9[%add3A_151, %dma_start3A_156] : memref<2560x128xf32, #tpu.memory_space<hbm>> -> memref<16x128xf32, #tpu.memory_space<hbm>>
      %dma_start3A_158 = arith.constant 0 : i32
      %dma_start3A_159 = arith.constant 0 : i32
      %dma_start3A_160 = tpu.memref_slice %arg15[%dma_start3A_158, %dma_start3A_159] : memref<64x128xf32, #tpu.memory_space<vmem>> -> memref<16x128xf32, #tpu.memory_space<vmem>>
      tpu.enqueue_dma source(%dma_start3A_160 : memref<16x128xf32, #tpu.memory_space<vmem>>) target(%dma_start3A_157 : memref<16x128xf32, #tpu.memory_space<hbm>>) target_semaphore(%run_scoped3A : memref<!tpu.dma_semaphore, #tpu.memory_space<semaphore_mem>>)
      %dma_wait3A = arith.constant 0 : i32
      %dma_wait3A_161 = arith.constant 0 : i32
      %dma_wait3A_162 = tpu.memref_slice %arg15[%dma_wait3A, %dma_wait3A_161] : memref<64x128xf32, #tpu.memory_space<vmem>> -> memref<16x128xf32, #tpu.memory_space<vmem>>
      %dma_wait3A_163 = arith.constant 0 : i32
      %dma_wait3A_164 = tpu.memref_slice %arg9[%add3A_151, %dma_wait3A_163] : memref<2560x128xf32, #tpu.memory_space<hbm>> -> memref<16x128xf32, #tpu.memory_space<hbm>>
      %dma_wait3A_165 = arith.constant 0 : i32
      %dma_wait3A_166 = tpu.memref_slice %arg9[%add3A_151, %dma_wait3A_165] : memref<2560x128xf32, #tpu.memory_space<hbm>> -> memref<16x128xf32, #tpu.memory_space<hbm>>
      %dma_wait3A_167 = arith.constant 0 : i32
      %dma_wait3A_168 = arith.constant 0 : i32
      %dma_wait3A_169 = tpu.memref_slice %arg15[%dma_wait3A_167, %dma_wait3A_168] : memref<64x128xf32, #tpu.memory_space<vmem>> -> memref<16x128xf32, #tpu.memory_space<vmem>>
      tpu.wait_dma2 semaphore(%run_scoped3A : memref<!tpu.dma_semaphore, #tpu.memory_space<semaphore_mem>>) src(%dma_wait3A_169 : memref<16x128xf32, #tpu.memory_space<vmem>>) dst(%dma_wait3A_166 : memref<16x128xf32, #tpu.memory_space<hbm>>)
      tpu.yield
    }) : () -> ()
    return
  }
}

module attributes {stable_mosaic.version = 14 : i64} {
  func.func @_prep_body(%arg0: i32, %arg1: i32, %arg2: memref<256x128xf32, #tpu.memory_space<vmem>>, %arg3: memref<256x1xf32, #tpu.memory_space<vmem>>, %arg4: memref<2x128x128xf32, #tpu.memory_space<vmem>>, %arg5: memref<2x128xf32, #tpu.memory_space<vmem>>, %arg6: memref<2x128x128xf32, #tpu.memory_space<vmem>>, %arg7: memref<2x128xf32, #tpu.memory_space<vmem>>, %arg8: memref<2x128x128xf32, #tpu.memory_space<vmem>>, %arg9: memref<2x128xf32, #tpu.memory_space<vmem>>, %arg10: memref<1x128x128xf32, #tpu.memory_space<vmem>>, %arg11: memref<1x128x128xf32, #tpu.memory_space<vmem>>, %arg12: memref<256x128xf32, #tpu.memory_space<vmem>>, %arg13: memref<256x128xf32, #tpu.memory_space<vmem>>, %arg14: memref<256x128xf32, #tpu.memory_space<vmem>>) attributes {dimension_semantics = [#tpu.dimension_semantics<arbitrary>, #tpu.dimension_semantics<arbitrary>], iteration_bounds = array<i64: 40, 3>, scalar_prefetch = 0 : i64, scratch_operands = 0 : i64, tpu.core_type = #tpu.core_type<tc>, window_params = [{transform_indices = @transform_0, window_bounds = array<i64: 256, 128>}, {transform_indices = @transform_1, window_bounds = array<i64: 256, 1>}, {pipeline_mode = #tpu.pipeline_mode<synchronous>, transform_indices = @transform_2, window_bounds = array<i64: 2, 128, 128>}, {pipeline_mode = #tpu.pipeline_mode<synchronous>, transform_indices = @transform_3, window_bounds = array<i64: 2, 128>}, {pipeline_mode = #tpu.pipeline_mode<synchronous>, transform_indices = @transform_4, window_bounds = array<i64: 2, 128, 128>}, {pipeline_mode = #tpu.pipeline_mode<synchronous>, transform_indices = @transform_5, window_bounds = array<i64: 2, 128>}, {pipeline_mode = #tpu.pipeline_mode<synchronous>, transform_indices = @transform_6, window_bounds = array<i64: 2, 128, 128>}, {pipeline_mode = #tpu.pipeline_mode<synchronous>, transform_indices = @transform_7, window_bounds = array<i64: 2, 128>}, {transform_indices = @transform_8, window_bounds = array<i64: 1, 128, 128>}, {transform_indices = @transform_9, window_bounds = array<i64: 1, 128, 128>}, {transform_indices = @transform_10, window_bounds = array<i64: 256, 128>}, {transform_indices = @transform_11, window_bounds = array<i64: 256, 128>}, {transform_indices = @transform_12, window_bounds = array<i64: 256, 128>}]} {
    %get3A = arith.constant 0 : index
    %get3A_0 = arith.constant 0 : index
    %get3A_1 = vector.load %arg2[%get3A, %get3A_0] : memref<256x128xf32, #tpu.memory_space<vmem>>, vector<256x128xf32>
    %get3A_2 = arith.constant 0 : index
    %get3A_3 = arith.constant 0 : index
    %get3A_4 = vector.load %arg3[%get3A_2, %get3A_3] : memref<256x1xf32, #tpu.memory_space<vmem>>, vector<256x1xf32>
    %eq3A = arith.constant 0.000000e+00 : f32
    %eq3A_5 = vector.broadcast %eq3A : f32 to vector<256x1xf32>
    %eq3A_6 = arith.cmpf oeq, %get3A_4, %eq3A_5 : vector<256x1xf32>
    %get3A_7 = arith.constant 0 : index
    %get3A_8 = arith.constant 0 : index
    %get3A_9 = arith.constant 0 : index
    %get3A_10 = vector.load %arg4[%get3A_7, %get3A_8, %get3A_9] : memref<2x128x128xf32, #tpu.memory_space<vmem>>, vector<1x128x128xf32>
    %get3A_11 = vector.shape_cast %get3A_10 : vector<1x128x128xf32> to vector<128x128xf32>
    %dot_general3A = arith.constant dense<0.000000e+00> : vector<256x128xf32>
    %dot_general3A_12 = tpu.matmul %get3A_1, %get3A_11, %dot_general3A {dimension_numbers = #tpu.dot_dimension_numbers<[1], [0], [0], [1], [0, 0, 1, 1], [], []>, precision = #tpu.contract_precision<fp32>, transpose_lhs_hint = false} : vector<256x128xf32>, vector<128x128xf32>, vector<256x128xf32> -> vector<256x128xf32>
    %get3A_13 = arith.constant 0 : index
    %get3A_14 = arith.constant 0 : index
    %get3A_15 = vector.load %arg5[%get3A_13, %get3A_14] : memref<2x128xf32, #tpu.memory_space<vmem>>, vector<1x128xf32>
    %add3A = vector.broadcast %get3A_15 : vector<1x128xf32> to vector<256x128xf32>
    %add3A_16 = arith.addf %dot_general3A_12, %add3A : vector<256x128xf32>
    %get3A_17 = arith.constant 1 : index
    %get3A_18 = arith.constant 0 : index
    %get3A_19 = arith.constant 0 : index
    %get3A_20 = vector.load %arg4[%get3A_17, %get3A_18, %get3A_19] : memref<2x128x128xf32, #tpu.memory_space<vmem>>, vector<1x128x128xf32>
    %get3A_21 = vector.shape_cast %get3A_20 : vector<1x128x128xf32> to vector<128x128xf32>
    %dot_general3A_22 = arith.constant dense<0.000000e+00> : vector<256x128xf32>
    %dot_general3A_23 = tpu.matmul %get3A_1, %get3A_21, %dot_general3A_22 {dimension_numbers = #tpu.dot_dimension_numbers<[1], [0], [0], [1], [0, 0, 1, 1], [], []>, precision = #tpu.contract_precision<fp32>, transpose_lhs_hint = false} : vector<256x128xf32>, vector<128x128xf32>, vector<256x128xf32> -> vector<256x128xf32>
    %get3A_24 = arith.constant 1 : index
    %get3A_25 = arith.constant 0 : index
    %get3A_26 = vector.load %arg5[%get3A_24, %get3A_25] : memref<2x128xf32, #tpu.memory_space<vmem>>, vector<1x128xf32>
    %add3A_27 = vector.broadcast %get3A_26 : vector<1x128xf32> to vector<256x128xf32>
    %add3A_28 = arith.addf %dot_general3A_23, %add3A_27 : vector<256x128xf32>
    %broadcast_in_dim3A = vector.shape_cast %eq3A_6 : vector<256x1xi1> to vector<256x1xi1>
    %broadcast_in_dim3A_29 = vector.broadcast %broadcast_in_dim3A : vector<256x1xi1> to vector<256x128xi1>
    %select_n3A = arith.select %broadcast_in_dim3A_29, %add3A_16, %add3A_28 : vector<256x128xi1>, vector<256x128xf32>
    %swap3A = arith.constant 0 : index
    %swap3A_30 = arith.constant 0 : index
    %swap3A_31 = vector.load %arg12[%swap3A, %swap3A_30] : memref<256x128xf32, #tpu.memory_space<vmem>>, vector<256x128xf32>
    tpu.vector_store %arg12[%swap3A, %swap3A_30], %select_n3A {strides = array<i32>} : memref<256x128xf32, #tpu.memory_space<vmem>>, vector<256x128xf32>,
    %get3A_32 = arith.constant 0 : index
    %get3A_33 = arith.constant 0 : index
    %get3A_34 = arith.constant 0 : index
    %get3A_35 = vector.load %arg6[%get3A_32, %get3A_33, %get3A_34] : memref<2x128x128xf32, #tpu.memory_space<vmem>>, vector<1x128x128xf32>
    %get3A_36 = vector.shape_cast %get3A_35 : vector<1x128x128xf32> to vector<128x128xf32>
    %dot_general3A_37 = arith.constant dense<0.000000e+00> : vector<256x128xf32>
    %dot_general3A_38 = tpu.matmul %get3A_1, %get3A_36, %dot_general3A_37 {dimension_numbers = #tpu.dot_dimension_numbers<[1], [0], [0], [1], [0, 0, 1, 1], [], []>, precision = #tpu.contract_precision<fp32>, transpose_lhs_hint = false} : vector<256x128xf32>, vector<128x128xf32>, vector<256x128xf32> -> vector<256x128xf32>
    %get3A_39 = arith.constant 0 : index
    %get3A_40 = arith.constant 0 : index
    %get3A_41 = vector.load %arg7[%get3A_39, %get3A_40] : memref<2x128xf32, #tpu.memory_space<vmem>>, vector<1x128xf32>
    %add3A_42 = vector.broadcast %get3A_41 : vector<1x128xf32> to vector<256x128xf32>
    %add3A_43 = arith.addf %dot_general3A_38, %add3A_42 : vector<256x128xf32>
    %get3A_44 = arith.constant 1 : index
    %get3A_45 = arith.constant 0 : index
    %get3A_46 = arith.constant 0 : index
    %get3A_47 = vector.load %arg6[%get3A_44, %get3A_45, %get3A_46] : memref<2x128x128xf32, #tpu.memory_space<vmem>>, vector<1x128x128xf32>
    %get3A_48 = vector.shape_cast %get3A_47 : vector<1x128x128xf32> to vector<128x128xf32>
    %dot_general3A_49 = arith.constant dense<0.000000e+00> : vector<256x128xf32>
    %dot_general3A_50 = tpu.matmul %get3A_1, %get3A_48, %dot_general3A_49 {dimension_numbers = #tpu.dot_dimension_numbers<[1], [0], [0], [1], [0, 0, 1, 1], [], []>, precision = #tpu.contract_precision<fp32>, transpose_lhs_hint = false} : vector<256x128xf32>, vector<128x128xf32>, vector<256x128xf32> -> vector<256x128xf32>
    %get3A_51 = arith.constant 1 : index
    %get3A_52 = arith.constant 0 : index
    %get3A_53 = vector.load %arg7[%get3A_51, %get3A_52] : memref<2x128xf32, #tpu.memory_space<vmem>>, vector<1x128xf32>
    %add3A_54 = vector.broadcast %get3A_53 : vector<1x128xf32> to vector<256x128xf32>
    %add3A_55 = arith.addf %dot_general3A_50, %add3A_54 : vector<256x128xf32>
    %broadcast_in_dim3A_56 = vector.shape_cast %eq3A_6 : vector<256x1xi1> to vector<256x1xi1>
    %broadcast_in_dim3A_57 = vector.broadcast %broadcast_in_dim3A_56 : vector<256x1xi1> to vector<256x128xi1>
    %select_n3A_58 = arith.select %broadcast_in_dim3A_57, %add3A_43, %add3A_55 : vector<256x128xi1>, vector<256x128xf32>
    %get3A_59 = arith.constant 0 : index
    %get3A_60 = arith.constant 0 : index
    %get3A_61 = arith.constant 0 : index
    %get3A_62 = vector.load %arg8[%get3A_59, %get3A_60, %get3A_61] : memref<2x128x128xf32, #tpu.memory_space<vmem>>, vector<1x128x128xf32>
    %get3A_63 = vector.shape_cast %get3A_62 : vector<1x128x128xf32> to vector<128x128xf32>
    %dot_general3A_64 = arith.constant dense<0.000000e+00> : vector<256x128xf32>
    %dot_general3A_65 = tpu.matmul %get3A_1, %get3A_63, %dot_general3A_64 {dimension_numbers = #tpu.dot_dimension_numbers<[1], [0], [0], [1], [0, 0, 1, 1], [], []>, precision = #tpu.contract_precision<fp32>, transpose_lhs_hint = false} : vector<256x128xf32>, vector<128x128xf32>, vector<256x128xf32> -> vector<256x128xf32>
    %get3A_66 = arith.constant 0 : index
    %get3A_67 = arith.constant 0 : index
    %get3A_68 = vector.load %arg9[%get3A_66, %get3A_67] : memref<2x128xf32, #tpu.memory_space<vmem>>, vector<1x128xf32>
    %add3A_69 = vector.broadcast %get3A_68 : vector<1x128xf32> to vector<256x128xf32>
    %add3A_70 = arith.addf %dot_general3A_65, %add3A_69 : vector<256x128xf32>
    %get3A_71 = arith.constant 1 : index
    %get3A_72 = arith.constant 0 : index
    %get3A_73 = arith.constant 0 : index
    %get3A_74 = vector.load %arg8[%get3A_71, %get3A_72, %get3A_73] : memref<2x128x128xf32, #tpu.memory_space<vmem>>, vector<1x128x128xf32>
    %get3A_75 = vector.shape_cast %get3A_74 : vector<1x128x128xf32> to vector<128x128xf32>
    %dot_general3A_76 = arith.constant dense<0.000000e+00> : vector<256x128xf32>
    %dot_general3A_77 = tpu.matmul %get3A_1, %get3A_75, %dot_general3A_76 {dimension_numbers = #tpu.dot_dimension_numbers<[1], [0], [0], [1], [0, 0, 1, 1], [], []>, precision = #tpu.contract_precision<fp32>, transpose_lhs_hint = false} : vector<256x128xf32>, vector<128x128xf32>, vector<256x128xf32> -> vector<256x128xf32>
    %get3A_78 = arith.constant 1 : index
    %get3A_79 = arith.constant 0 : index
    %get3A_80 = vector.load %arg9[%get3A_78, %get3A_79] : memref<2x128xf32, #tpu.memory_space<vmem>>, vector<1x128xf32>
    %add3A_81 = vector.broadcast %get3A_80 : vector<1x128xf32> to vector<256x128xf32>
    %add3A_82 = arith.addf %dot_general3A_77, %add3A_81 : vector<256x128xf32>
    %broadcast_in_dim3A_83 = vector.shape_cast %eq3A_6 : vector<256x1xi1> to vector<256x1xi1>
    %broadcast_in_dim3A_84 = vector.broadcast %broadcast_in_dim3A_83 : vector<256x1xi1> to vector<256x128xi1>
    %select_n3A_85 = arith.select %broadcast_in_dim3A_84, %add3A_70, %add3A_82 : vector<256x128xi1>, vector<256x128xf32>
    %get3A_86 = arith.constant 0 : index
    %get3A_87 = arith.constant 0 : index
    %get3A_88 = arith.constant 0 : index
    %get3A_89 = vector.load %arg10[%get3A_86, %get3A_87, %get3A_88] : memref<1x128x128xf32, #tpu.memory_space<vmem>>, vector<1x128x128xf32>
    %get3A_90 = vector.shape_cast %get3A_89 : vector<1x128x128xf32> to vector<128x128xf32>
    %dot_general3A_91 = arith.constant dense<0.000000e+00> : vector<256x128xf32>
    %dot_general3A_92 = tpu.matmul %select_n3A_58, %get3A_90, %dot_general3A_91 {dimension_numbers = #tpu.dot_dimension_numbers<[1], [0], [0], [1], [0, 0, 1, 1], [], []>, precision = #tpu.contract_precision<fp32>, transpose_lhs_hint = false} : vector<256x128xf32>, vector<128x128xf32>, vector<256x128xf32> -> vector<256x128xf32>
    %swap3A_93 = arith.constant 0 : index
    %swap3A_94 = arith.constant 0 : index
    %swap3A_95 = vector.load %arg13[%swap3A_93, %swap3A_94] : memref<256x128xf32, #tpu.memory_space<vmem>>, vector<256x128xf32>
    tpu.vector_store %arg13[%swap3A_93, %swap3A_94], %dot_general3A_92 {strides = array<i32>} : memref<256x128xf32, #tpu.memory_space<vmem>>, vector<256x128xf32>,
    %get3A_96 = arith.constant 0 : index
    %get3A_97 = arith.constant 0 : index
    %get3A_98 = arith.constant 0 : index
    %get3A_99 = vector.load %arg11[%get3A_96, %get3A_97, %get3A_98] : memref<1x128x128xf32, #tpu.memory_space<vmem>>, vector<1x128x128xf32>
    %get3A_100 = vector.shape_cast %get3A_99 : vector<1x128x128xf32> to vector<128x128xf32>
    %dot_general3A_101 = arith.constant dense<0.000000e+00> : vector<256x128xf32>
    %dot_general3A_102 = tpu.matmul %select_n3A_85, %get3A_100, %dot_general3A_101 {dimension_numbers = #tpu.dot_dimension_numbers<[1], [0], [0], [1], [0, 0, 1, 1], [], []>, precision = #tpu.contract_precision<fp32>, transpose_lhs_hint = false} : vector<256x128xf32>, vector<128x128xf32>, vector<256x128xf32> -> vector<256x128xf32>
    %swap3A_103 = arith.constant 0 : index
    %swap3A_104 = arith.constant 0 : index
    %swap3A_105 = vector.load %arg14[%swap3A_103, %swap3A_104] : memref<256x128xf32, #tpu.memory_space<vmem>>, vector<256x128xf32>
    tpu.vector_store %arg14[%swap3A_103, %swap3A_104], %dot_general3A_102 {strides = array<i32>} : memref<256x128xf32, #tpu.memory_space<vmem>>, vector<256x128xf32>,
    return
  }
  func.func @transform_0(%arg0: i32, %arg1: i32) -> (i32, i32) {
    %c0_i32 = arith.constant 0 : i32
    %c0_i32_0 = arith.constant 0 : i32
    return %arg0, %c0_i32 : i32, i32
  }
  func.func @transform_1(%arg0: i32, %arg1: i32) -> (i32, i32) {
    %c0_i32 = arith.constant 0 : i32
    %c0_i32_0 = arith.constant 0 : i32
    return %arg0, %c0_i32 : i32, i32
  }
  func.func @transform_2(%arg0: i32, %arg1: i32) -> (i32, i32, i32) {
    %c0_i32 = arith.constant 0 : i32
    %c0_i32_0 = arith.constant 0 : i32
    %c0_i32_1 = arith.constant 0 : i32
    %c0_i32_2 = arith.constant 0 : i32
    return %c0_i32, %c0_i32_0, %c0_i32_1 : i32, i32, i32
  }
  func.func @transform_3(%arg0: i32, %arg1: i32) -> (i32, i32) {
    %c0_i32 = arith.constant 0 : i32
    %c0_i32_0 = arith.constant 0 : i32
    %c0_i32_1 = arith.constant 0 : i32
    return %c0_i32, %c0_i32_0 : i32, i32
  }
  func.func @transform_4(%arg0: i32, %arg1: i32) -> (i32, i32, i32) {
    %c0_i32 = arith.constant 0 : i32
    %c0_i32_0 = arith.constant 0 : i32
    %c0_i32_1 = arith.constant 0 : i32
    %c0_i32_2 = arith.constant 0 : i32
    return %c0_i32, %c0_i32_0, %c0_i32_1 : i32, i32, i32
  }
  func.func @transform_5(%arg0: i32, %arg1: i32) -> (i32, i32) {
    %c0_i32 = arith.constant 0 : i32
    %c0_i32_0 = arith.constant 0 : i32
    %c0_i32_1 = arith.constant 0 : i32
    return %c0_i32, %c0_i32_0 : i32, i32
  }
  func.func @transform_6(%arg0: i32, %arg1: i32) -> (i32, i32, i32) {
    %c0_i32 = arith.constant 0 : i32
    %c0_i32_0 = arith.constant 0 : i32
    %c0_i32_1 = arith.constant 0 : i32
    %c0_i32_2 = arith.constant 0 : i32
    return %c0_i32, %c0_i32_0, %c0_i32_1 : i32, i32, i32
  }
  func.func @transform_7(%arg0: i32, %arg1: i32) -> (i32, i32) {
    %c0_i32 = arith.constant 0 : i32
    %c0_i32_0 = arith.constant 0 : i32
    %c0_i32_1 = arith.constant 0 : i32
    return %c0_i32, %c0_i32_0 : i32, i32
  }
  func.func @transform_8(%arg0: i32, %arg1: i32) -> (i32, i32, i32) {
    %c0_i32 = arith.constant 0 : i32
    %c0_i32_0 = arith.constant 0 : i32
    %c0_i32_1 = arith.constant 0 : i32
    return %arg1, %c0_i32, %c0_i32_0 : i32, i32, i32
  }
  func.func @transform_9(%arg0: i32, %arg1: i32) -> (i32, i32, i32) {
    %c0_i32 = arith.constant 0 : i32
    %c0_i32_0 = arith.constant 0 : i32
    %c0_i32_1 = arith.constant 0 : i32
    return %arg1, %c0_i32, %c0_i32_0 : i32, i32, i32
  }
  func.func @transform_10(%arg0: i32, %arg1: i32) -> (i32, i32) {
    %c0_i32 = arith.constant 0 : i32
    %c0_i32_0 = arith.constant 0 : i32
    return %arg0, %c0_i32 : i32, i32
  }
  func.func @transform_11(%arg0: i32, %arg1: i32) -> (i32, i32) {
    %mul3A = arith.constant 40 : i32
    %mul3A_0 = arith.muli %arg1, %mul3A : i32
    %add3A = arith.addi %mul3A_0, %arg0 : i32
    %c0_i32 = arith.constant 0 : i32
    %c0_i32_1 = arith.constant 0 : i32
    return %add3A, %c0_i32 : i32, i32
  }
  func.func @transform_12(%arg0: i32, %arg1: i32) -> (i32, i32) {
    %mul3A = arith.constant 40 : i32
    %mul3A_0 = arith.muli %arg1, %mul3A : i32
    %add3A = arith.addi %mul3A_0, %arg0 : i32
    %c0_i32 = arith.constant 0 : i32
    %c0_i32_1 = arith.constant 0 : i32
    return %add3A, %c0_i32 : i32, i32
  }
}

module attributes {stable_mosaic.version = 14 : i64} {
  func.func @_fin_body(%arg0: i32, %arg1: memref<256x128xf32, #tpu.memory_space<vmem>>, %arg2: memref<256x128xf32, #tpu.memory_space<vmem>>, %arg3: memref<32x128xf32, #tpu.memory_space<vmem>>, %arg4: memref<32x128xf32, #tpu.memory_space<vmem>>, %arg5: memref<256x128xf32, #tpu.memory_space<vmem>>, %arg6: memref<256x1xf32, #tpu.memory_space<vmem>>, %arg7: memref<2x128x128xf32, #tpu.memory_space<vmem>>, %arg8: memref<2x128xf32, #tpu.memory_space<vmem>>, %arg9: memref<1x2xf32, #tpu.memory_space<vmem>>, %arg10: memref<2x128xf32, #tpu.memory_space<vmem>>, %arg11: memref<2x128xf32, #tpu.memory_space<vmem>>, %arg12: memref<256x32xf32, #tpu.memory_space<vmem>>, %arg13: memref<8x128x8xf32, #tpu.memory_space<vmem>>, %arg14: memref<8x128xf32, #tpu.memory_space<vmem>>, %arg15: memref<256x128xf32, #tpu.memory_space<vmem>>) attributes {dimension_semantics = [#tpu.dimension_semantics<arbitrary>], iteration_bounds = array<i64: 40>, scalar_prefetch = 0 : i64, scratch_operands = 0 : i64, tpu.core_type = #tpu.core_type<tc>, window_params = [{transform_indices = @transform_0, window_bounds = array<i64: 256, 128>}, {transform_indices = @transform_1, window_bounds = array<i64: 256, 128>}, {transform_indices = @transform_2, window_bounds = array<i64: 32, 128>}, {transform_indices = @transform_3, window_bounds = array<i64: 32, 128>}, {transform_indices = @transform_4, window_bounds = array<i64: 256, 128>}, {transform_indices = @transform_5, window_bounds = array<i64: 256, 1>}, {pipeline_mode = #tpu.pipeline_mode<synchronous>, transform_indices = @transform_6, window_bounds = array<i64: 2, 128, 128>}, {pipeline_mode = #tpu.pipeline_mode<synchronous>, transform_indices = @transform_7, window_bounds = array<i64: 2, 128>}, {pipeline_mode = #tpu.pipeline_mode<synchronous>, transform_indices = @transform_8, window_bounds = array<i64: 1, 2>}, {pipeline_mode = #tpu.pipeline_mode<synchronous>, transform_indices = @transform_9, window_bounds = array<i64: 2, 128>}, {pipeline_mode = #tpu.pipeline_mode<synchronous>, transform_indices = @transform_10, window_bounds = array<i64: 2, 128>}, {pipeline_mode = #tpu.pipeline_mode<synchronous>, transform_indices = @transform_11, window_bounds = array<i64: 256, 32>}, {pipeline_mode = #tpu.pipeline_mode<synchronous>, transform_indices = @transform_12, window_bounds = array<i64: 8, 128, 8>}, {pipeline_mode = #tpu.pipeline_mode<synchronous>, transform_indices = @transform_13, window_bounds = array<i64: 8, 128>}, {transform_indices = @transform_14, window_bounds = array<i64: 256, 128>}]} {
    %get3A = arith.constant 0 : index
    %get3A_0 = arith.constant 0 : index
    %get3A_1 = vector.load %arg6[%get3A, %get3A_0] : memref<256x1xf32, #tpu.memory_space<vmem>>, vector<256x1xf32>
    %eq3A = arith.constant 0.000000e+00 : f32
    %eq3A_2 = vector.broadcast %eq3A : f32 to vector<256x1xf32>
    %eq3A_3 = arith.cmpf oeq, %get3A_1, %eq3A_2 : vector<256x1xf32>
    %get3A_4 = arith.constant 0 : index
    %get3A_5 = arith.constant 0 : index
    %get3A_6 = vector.load %arg3[%get3A_4, %get3A_5] : memref<32x128xf32, #tpu.memory_space<vmem>>, vector<32x128xf32>
    %get3A_7 = arith.constant 0 : index
    %get3A_8 = arith.constant 0 : index
    %get3A_9 = vector.load %arg4[%get3A_7, %get3A_8] : memref<32x128xf32, #tpu.memory_space<vmem>>, vector<32x128xf32>
    %add3A = arith.addf %get3A_6, %get3A_9 : vector<32x128xf32>
    %get3A_10 = arith.constant 0 : index
    %get3A_11 = arith.constant 0 : index
    %get3A_12 = vector.load %arg12[%get3A_10, %get3A_11] : memref<256x32xf32, #tpu.memory_space<vmem>>, vector<256x32xf32>
    %dot_general3A = arith.constant dense<0.000000e+00> : vector<256x128xf32>
    %dot_general3A_13 = tpu.matmul %get3A_12, %add3A, %dot_general3A {dimension_numbers = #tpu.dot_dimension_numbers<[1], [0], [0], [1], [0, 0, 1, 1], [], []>, precision = #tpu.contract_precision<fp32>, transpose_lhs_hint = false} : vector<256x32xf32>, vector<32x128xf32>, vector<256x128xf32> -> vector<256x128xf32>
    %iota3A = tpu.iota {dimensions = array<i32: 0>} : vector<256x1xi32>
    %and3A = arith.constant 7 : i32
    %and3A_14 = vector.broadcast %and3A : i32 to vector<256x1xi32>
    %and3A_15 = arith.andi %iota3A, %and3A_14 : vector<256x1xi32>
    %broadcast_in_dim3A = arith.constant 0.000000e+00 : f32
    %broadcast_in_dim3A_16 = vector.broadcast %broadcast_in_dim3A : f32 to vector<256x8xf32>
    %eq3A_17 = arith.constant 0 : i32
    %eq3A_18 = vector.broadcast %eq3A_17 : i32 to vector<256x1xi32>
    %eq3A_19 = arith.cmpi eq, %and3A_15, %eq3A_18 : vector<256x1xi32>
    %convert_element_type3A = arith.extui %eq3A_19 : vector<256x1xi1> to vector<256x1xi32>
    %convert_element_type3A_20 = arith.sitofp %convert_element_type3A : vector<256x1xi32> to vector<256x1xf32>
    %get3A_21 = arith.constant 0 : index
    %get3A_22 = arith.constant 0 : index
    %get3A_23 = arith.constant 0 : index
    %get3A_24 = vector.load %arg13[%get3A_21, %get3A_22, %get3A_23] : memref<8x128x8xf32, #tpu.memory_space<vmem>>, vector<1x128x8xf32>
    %get3A_25 = vector.shape_cast %get3A_24 : vector<1x128x8xf32> to vector<128x8xf32>
    %dot_general3A_26 = arith.constant dense<0.000000e+00> : vector<256x8xf32>
    %dot_general3A_27 = tpu.matmul %dot_general3A_13, %get3A_25, %dot_general3A_26 {dimension_numbers = #tpu.dot_dimension_numbers<[1], [0], [0], [1], [0, 0, 1, 1], [], []>, precision = #tpu.contract_precision<fp32>, transpose_lhs_hint = false} : vector<256x128xf32>, vector<128x8xf32>, vector<256x8xf32> -> vector<256x8xf32>
    %mul3A = vector.broadcast %convert_element_type3A_20 : vector<256x1xf32> to vector<256x8xf32>
    %mul3A_28 = arith.mulf %dot_general3A_27, %mul3A : vector<256x8xf32>
    %add3A_29 = arith.addf %broadcast_in_dim3A_16, %mul3A_28 : vector<256x8xf32>
    %eq3A_30 = arith.constant 1 : i32
    %eq3A_31 = vector.broadcast %eq3A_30 : i32 to vector<256x1xi32>
    %eq3A_32 = arith.cmpi eq, %and3A_15, %eq3A_31 : vector<256x1xi32>
    %convert_element_type3A_33 = arith.extui %eq3A_32 : vector<256x1xi1> to vector<256x1xi32>
    %convert_element_type3A_34 = arith.sitofp %convert_element_type3A_33 : vector<256x1xi32> to vector<256x1xf32>
    %get3A_35 = arith.constant 1 : index
    %get3A_36 = arith.constant 0 : index
    %get3A_37 = arith.constant 0 : index
    %get3A_38 = vector.load %arg13[%get3A_35, %get3A_36, %get3A_37] : memref<8x128x8xf32, #tpu.memory_space<vmem>>, vector<1x128x8xf32>
    %get3A_39 = vector.shape_cast %get3A_38 : vector<1x128x8xf32> to vector<128x8xf32>
    %dot_general3A_40 = arith.constant dense<0.000000e+00> : vector<256x8xf32>
    %dot_general3A_41 = tpu.matmul %dot_general3A_13, %get3A_39, %dot_general3A_40 {dimension_numbers = #tpu.dot_dimension_numbers<[1], [0], [0], [1], [0, 0, 1, 1], [], []>, precision = #tpu.contract_precision<fp32>, transpose_lhs_hint = false} : vector<256x128xf32>, vector<128x8xf32>, vector<256x8xf32> -> vector<256x8xf32>
    %mul3A_42 = vector.broadcast %convert_element_type3A_34 : vector<256x1xf32> to vector<256x8xf32>
    %mul3A_43 = arith.mulf %dot_general3A_41, %mul3A_42 : vector<256x8xf32>
    %add3A_44 = arith.addf %add3A_29, %mul3A_43 : vector<256x8xf32>
    %eq3A_45 = arith.constant 2 : i32
    %eq3A_46 = vector.broadcast %eq3A_45 : i32 to vector<256x1xi32>
    %eq3A_47 = arith.cmpi eq, %and3A_15, %eq3A_46 : vector<256x1xi32>
    %convert_element_type3A_48 = arith.extui %eq3A_47 : vector<256x1xi1> to vector<256x1xi32>
    %convert_element_type3A_49 = arith.sitofp %convert_element_type3A_48 : vector<256x1xi32> to vector<256x1xf32>
    %get3A_50 = arith.constant 2 : index
    %get3A_51 = arith.constant 0 : index
    %get3A_52 = arith.constant 0 : index
    %get3A_53 = vector.load %arg13[%get3A_50, %get3A_51, %get3A_52] : memref<8x128x8xf32, #tpu.memory_space<vmem>>, vector<1x128x8xf32>
    %get3A_54 = vector.shape_cast %get3A_53 : vector<1x128x8xf32> to vector<128x8xf32>
    %dot_general3A_55 = arith.constant dense<0.000000e+00> : vector<256x8xf32>
    %dot_general3A_56 = tpu.matmul %dot_general3A_13, %get3A_54, %dot_general3A_55 {dimension_numbers = #tpu.dot_dimension_numbers<[1], [0], [0], [1], [0, 0, 1, 1], [], []>, precision = #tpu.contract_precision<fp32>, transpose_lhs_hint = false} : vector<256x128xf32>, vector<128x8xf32>, vector<256x8xf32> -> vector<256x8xf32>
    %mul3A_57 = vector.broadcast %convert_element_type3A_49 : vector<256x1xf32> to vector<256x8xf32>
    %mul3A_58 = arith.mulf %dot_general3A_56, %mul3A_57 : vector<256x8xf32>
    %add3A_59 = arith.addf %add3A_44, %mul3A_58 : vector<256x8xf32>
    %eq3A_60 = arith.constant 3 : i32
    %eq3A_61 = vector.broadcast %eq3A_60 : i32 to vector<256x1xi32>
    %eq3A_62 = arith.cmpi eq, %and3A_15, %eq3A_61 : vector<256x1xi32>
    %convert_element_type3A_63 = arith.extui %eq3A_62 : vector<256x1xi1> to vector<256x1xi32>
    %convert_element_type3A_64 = arith.sitofp %convert_element_type3A_63 : vector<256x1xi32> to vector<256x1xf32>
    %get3A_65 = arith.constant 3 : index
    %get3A_66 = arith.constant 0 : index
    %get3A_67 = arith.constant 0 : index
    %get3A_68 = vector.load %arg13[%get3A_65, %get3A_66, %get3A_67] : memref<8x128x8xf32, #tpu.memory_space<vmem>>, vector<1x128x8xf32>
    %get3A_69 = vector.shape_cast %get3A_68 : vector<1x128x8xf32> to vector<128x8xf32>
    %dot_general3A_70 = arith.constant dense<0.000000e+00> : vector<256x8xf32>
    %dot_general3A_71 = tpu.matmul %dot_general3A_13, %get3A_69, %dot_general3A_70 {dimension_numbers = #tpu.dot_dimension_numbers<[1], [0], [0], [1], [0, 0, 1, 1], [], []>, precision = #tpu.contract_precision<fp32>, transpose_lhs_hint = false} : vector<256x128xf32>, vector<128x8xf32>, vector<256x8xf32> -> vector<256x8xf32>
    %mul3A_72 = vector.broadcast %convert_element_type3A_64 : vector<256x1xf32> to vector<256x8xf32>
    %mul3A_73 = arith.mulf %dot_general3A_71, %mul3A_72 : vector<256x8xf32>
    %add3A_74 = arith.addf %add3A_59, %mul3A_73 : vector<256x8xf32>
    %eq3A_75 = arith.constant 4 : i32
    %eq3A_76 = vector.broadcast %eq3A_75 : i32 to vector<256x1xi32>
    %eq3A_77 = arith.cmpi eq, %and3A_15, %eq3A_76 : vector<256x1xi32>
    %convert_element_type3A_78 = arith.extui %eq3A_77 : vector<256x1xi1> to vector<256x1xi32>
    %convert_element_type3A_79 = arith.sitofp %convert_element_type3A_78 : vector<256x1xi32> to vector<256x1xf32>
    %get3A_80 = arith.constant 4 : index
    %get3A_81 = arith.constant 0 : index
    %get3A_82 = arith.constant 0 : index
    %get3A_83 = vector.load %arg13[%get3A_80, %get3A_81, %get3A_82] : memref<8x128x8xf32, #tpu.memory_space<vmem>>, vector<1x128x8xf32>
    %get3A_84 = vector.shape_cast %get3A_83 : vector<1x128x8xf32> to vector<128x8xf32>
    %dot_general3A_85 = arith.constant dense<0.000000e+00> : vector<256x8xf32>
    %dot_general3A_86 = tpu.matmul %dot_general3A_13, %get3A_84, %dot_general3A_85 {dimension_numbers = #tpu.dot_dimension_numbers<[1], [0], [0], [1], [0, 0, 1, 1], [], []>, precision = #tpu.contract_precision<fp32>, transpose_lhs_hint = false} : vector<256x128xf32>, vector<128x8xf32>, vector<256x8xf32> -> vector<256x8xf32>
    %mul3A_87 = vector.broadcast %convert_element_type3A_79 : vector<256x1xf32> to vector<256x8xf32>
    %mul3A_88 = arith.mulf %dot_general3A_86, %mul3A_87 : vector<256x8xf32>
    %add3A_89 = arith.addf %add3A_74, %mul3A_88 : vector<256x8xf32>
    %eq3A_90 = arith.constant 5 : i32
    %eq3A_91 = vector.broadcast %eq3A_90 : i32 to vector<256x1xi32>
    %eq3A_92 = arith.cmpi eq, %and3A_15, %eq3A_91 : vector<256x1xi32>
    %convert_element_type3A_93 = arith.extui %eq3A_92 : vector<256x1xi1> to vector<256x1xi32>
    %convert_element_type3A_94 = arith.sitofp %convert_element_type3A_93 : vector<256x1xi32> to vector<256x1xf32>
    %get3A_95 = arith.constant 5 : index
    %get3A_96 = arith.constant 0 : index
    %get3A_97 = arith.constant 0 : index
    %get3A_98 = vector.load %arg13[%get3A_95, %get3A_96, %get3A_97] : memref<8x128x8xf32, #tpu.memory_space<vmem>>, vector<1x128x8xf32>
    %get3A_99 = vector.shape_cast %get3A_98 : vector<1x128x8xf32> to vector<128x8xf32>
    %dot_general3A_100 = arith.constant dense<0.000000e+00> : vector<256x8xf32>
    %dot_general3A_101 = tpu.matmul %dot_general3A_13, %get3A_99, %dot_general3A_100 {dimension_numbers = #tpu.dot_dimension_numbers<[1], [0], [0], [1], [0, 0, 1, 1], [], []>, precision = #tpu.contract_precision<fp32>, transpose_lhs_hint = false} : vector<256x128xf32>, vector<128x8xf32>, vector<256x8xf32> -> vector<256x8xf32>
    %mul3A_102 = vector.broadcast %convert_element_type3A_94 : vector<256x1xf32> to vector<256x8xf32>
    %mul3A_103 = arith.mulf %dot_general3A_101, %mul3A_102 : vector<256x8xf32>
    %add3A_104 = arith.addf %add3A_89, %mul3A_103 : vector<256x8xf32>
    %eq3A_105 = arith.constant 6 : i32
    %eq3A_106 = vector.broadcast %eq3A_105 : i32 to vector<256x1xi32>
    %eq3A_107 = arith.cmpi eq, %and3A_15, %eq3A_106 : vector<256x1xi32>
    %convert_element_type3A_108 = arith.extui %eq3A_107 : vector<256x1xi1> to vector<256x1xi32>
    %convert_element_type3A_109 = arith.sitofp %convert_element_type3A_108 : vector<256x1xi32> to vector<256x1xf32>
    %get3A_110 = arith.constant 6 : index
    %get3A_111 = arith.constant 0 : index
    %get3A_112 = arith.constant 0 : index
    %get3A_113 = vector.load %arg13[%get3A_110, %get3A_111, %get3A_112] : memref<8x128x8xf32, #tpu.memory_space<vmem>>, vector<1x128x8xf32>
    %get3A_114 = vector.shape_cast %get3A_113 : vector<1x128x8xf32> to vector<128x8xf32>
    %dot_general3A_115 = arith.constant dense<0.000000e+00> : vector<256x8xf32>
    %dot_general3A_116 = tpu.matmul %dot_general3A_13, %get3A_114, %dot_general3A_115 {dimension_numbers = #tpu.dot_dimension_numbers<[1], [0], [0], [1], [0, 0, 1, 1], [], []>, precision = #tpu.contract_precision<fp32>, transpose_lhs_hint = false} : vector<256x128xf32>, vector<128x8xf32>, vector<256x8xf32> -> vector<256x8xf32>
    %mul3A_117 = vector.broadcast %convert_element_type3A_109 : vector<256x1xf32> to vector<256x8xf32>
    %mul3A_118 = arith.mulf %dot_general3A_116, %mul3A_117 : vector<256x8xf32>
    %add3A_119 = arith.addf %add3A_104, %mul3A_118 : vector<256x8xf32>
    %eq3A_120 = arith.constant 7 : i32
    %eq3A_121 = vector.broadcast %eq3A_120 : i32 to vector<256x1xi32>
    %eq3A_122 = arith.cmpi eq, %and3A_15, %eq3A_121 : vector<256x1xi32>
    %convert_element_type3A_123 = arith.extui %eq3A_122 : vector<256x1xi1> to vector<256x1xi32>
    %convert_element_type3A_124 = arith.sitofp %convert_element_type3A_123 : vector<256x1xi32> to vector<256x1xf32>
    %get3A_125 = arith.constant 7 : index
    %get3A_126 = arith.constant 0 : index
    %get3A_127 = arith.constant 0 : index
    %get3A_128 = vector.load %arg13[%get3A_125, %get3A_126, %get3A_127] : memref<8x128x8xf32, #tpu.memory_space<vmem>>, vector<1x128x8xf32>
    %get3A_129 = vector.shape_cast %get3A_128 : vector<1x128x8xf32> to vector<128x8xf32>
    %dot_general3A_130 = arith.constant dense<0.000000e+00> : vector<256x8xf32>
    %dot_general3A_131 = tpu.matmul %dot_general3A_13, %get3A_129, %dot_general3A_130 {dimension_numbers = #tpu.dot_dimension_numbers<[1], [0], [0], [1], [0, 0, 1, 1], [], []>, precision = #tpu.contract_precision<fp32>, transpose_lhs_hint = false} : vector<256x128xf32>, vector<128x8xf32>, vector<256x8xf32> -> vector<256x8xf32>
    %mul3A_132 = vector.broadcast %convert_element_type3A_124 : vector<256x1xf32> to vector<256x8xf32>
    %mul3A_133 = arith.mulf %dot_general3A_131, %mul3A_132 : vector<256x8xf32>
    %add3A_134 = arith.addf %add3A_119, %mul3A_133 : vector<256x8xf32>
    %get3A_135 = arith.constant 0 : index
    %get3A_136 = arith.constant 0 : index
    %get3A_137 = vector.load %arg14[%get3A_135, %get3A_136] : memref<8x128xf32, #tpu.memory_space<vmem>>, vector<8x128xf32>
    %dot_general3A_138 = arith.constant dense<0.000000e+00> : vector<256x128xf32>
    %dot_general3A_139 = tpu.matmul %add3A_134, %get3A_137, %dot_general3A_138 {dimension_numbers = #tpu.dot_dimension_numbers<[1], [0], [0], [1], [0, 0, 1, 1], [], []>, precision = #tpu.contract_precision<fp32>, transpose_lhs_hint = false} : vector<256x8xf32>, vector<8x128xf32>, vector<256x128xf32> -> vector<256x128xf32>
    %add3A_140 = arith.constant 1.000000e-16 : f32
    %add3A_141 = vector.broadcast %add3A_140 : f32 to vector<256x128xf32>
    %add3A_142 = arith.addf %dot_general3A_139, %add3A_141 : vector<256x128xf32>
    %get3A_143 = arith.constant 0 : index
    %get3A_144 = arith.constant 0 : index
    %get3A_145 = vector.load %arg1[%get3A_143, %get3A_144] : memref<256x128xf32, #tpu.memory_space<vmem>>, vector<256x128xf32>
    %get3A_146 = arith.constant 0 : index
    %get3A_147 = arith.constant 0 : index
    %get3A_148 = vector.load %arg2[%get3A_146, %get3A_147] : memref<256x128xf32, #tpu.memory_space<vmem>>, vector<256x128xf32>
    %add3A_149 = arith.addf %get3A_145, %get3A_148 : vector<256x128xf32>
    %div3A = arith.divf %add3A_149, %add3A_142 : vector<256x128xf32>
    %mul3A_150 = arith.constant 5.000000e-01 : f32
    %mul3A_151 = vector.broadcast %mul3A_150 : f32 to vector<256x128xf32>
    %mul3A_152 = arith.mulf %mul3A_151, %div3A : vector<256x128xf32>
    %mul3A_153 = arith.constant 0.707106769 : f32
    %mul3A_154 = vector.broadcast %mul3A_153 : f32 to vector<256x128xf32>
    %mul3A_155 = arith.mulf %div3A, %mul3A_154 : vector<256x128xf32>
    %erf3A = math.erf %mul3A_155 : vector<256x128xf32>
    %add3A_156 = arith.constant 1.000000e+00 : f32
    %add3A_157 = vector.broadcast %add3A_156 : f32 to vector<256x128xf32>
    %add3A_158 = arith.addf %add3A_157, %erf3A : vector<256x128xf32>
    %mul3A_159 = arith.mulf %mul3A_152, %add3A_158 : vector<256x128xf32>
    %get3A_160 = arith.constant 0 : index
    %get3A_161 = arith.constant 0 : index
    %get3A_162 = arith.constant 0 : index
    %get3A_163 = vector.load %arg7[%get3A_160, %get3A_161, %get3A_162] : memref<2x128x128xf32, #tpu.memory_space<vmem>>, vector<1x128x128xf32>
    %get3A_164 = vector.shape_cast %get3A_163 : vector<1x128x128xf32> to vector<128x128xf32>
    %dot_general3A_165 = arith.constant dense<0.000000e+00> : vector<256x128xf32>
    %dot_general3A_166 = tpu.matmul %mul3A_159, %get3A_164, %dot_general3A_165 {dimension_numbers = #tpu.dot_dimension_numbers<[1], [0], [0], [1], [0, 0, 1, 1], [], []>, precision = #tpu.contract_precision<fp32>, transpose_lhs_hint = false} : vector<256x128xf32>, vector<128x128xf32>, vector<256x128xf32> -> vector<256x128xf32>
    %get3A_167 = arith.constant 0 : index
    %get3A_168 = arith.constant 0 : index
    %get3A_169 = vector.load %arg8[%get3A_167, %get3A_168] : memref<2x128xf32, #tpu.memory_space<vmem>>, vector<1x128xf32>
    %add3A_170 = vector.broadcast %get3A_169 : vector<1x128xf32> to vector<256x128xf32>
    %add3A_171 = arith.addf %dot_general3A_166, %add3A_170 : vector<256x128xf32>
    %get3A_172 = arith.constant 1 : index
    %get3A_173 = arith.constant 0 : index
    %get3A_174 = arith.constant 0 : index
    %get3A_175 = vector.load %arg7[%get3A_172, %get3A_173, %get3A_174] : memref<2x128x128xf32, #tpu.memory_space<vmem>>, vector<1x128x128xf32>
    %get3A_176 = vector.shape_cast %get3A_175 : vector<1x128x128xf32> to vector<128x128xf32>
    %dot_general3A_177 = arith.constant dense<0.000000e+00> : vector<256x128xf32>
    %dot_general3A_178 = tpu.matmul %mul3A_159, %get3A_176, %dot_general3A_177 {dimension_numbers = #tpu.dot_dimension_numbers<[1], [0], [0], [1], [0, 0, 1, 1], [], []>, precision = #tpu.contract_precision<fp32>, transpose_lhs_hint = false} : vector<256x128xf32>, vector<128x128xf32>, vector<256x128xf32> -> vector<256x128xf32>
    %get3A_179 = arith.constant 1 : index
    %get3A_180 = arith.constant 0 : index
    %get3A_181 = vector.load %arg8[%get3A_179, %get3A_180] : memref<2x128xf32, #tpu.memory_space<vmem>>, vector<1x128xf32>
    %add3A_182 = vector.broadcast %get3A_181 : vector<1x128xf32> to vector<256x128xf32>
    %add3A_183 = arith.addf %dot_general3A_178, %add3A_182 : vector<256x128xf32>
    %broadcast_in_dim3A_184 = vector.shape_cast %eq3A_3 : vector<256x1xi1> to vector<256x1xi1>
    %broadcast_in_dim3A_185 = vector.broadcast %broadcast_in_dim3A_184 : vector<256x1xi1> to vector<256x128xi1>
    %select_n3A = arith.select %broadcast_in_dim3A_185, %add3A_171, %add3A_183 : vector<256x128xi1>, vector<256x128xf32>
    %get3A_186 = arith.constant 0 : index
    %get3A_187 = arith.constant 0 : index
    %get3A_188 = vector.load %arg9[%get3A_186, %get3A_187] : memref<1x2xf32, #tpu.memory_space<vmem>>, vector<1x2xf32>
    %logistic3A = arith.negf %get3A_188 : vector<1x2xf32>
    %logistic3A_189 = math.exp %logistic3A : vector<1x2xf32>
    %logistic3A_190 = arith.constant 1.000000e+00 : f32
    %logistic3A_191 = vector.broadcast %logistic3A_190 : f32 to vector<1x2xf32>
    %logistic3A_192 = arith.addf %logistic3A_191, %logistic3A_189 : vector<1x2xf32>
    %logistic3A_193 = arith.divf %logistic3A_191, %logistic3A_192 : vector<1x2xf32>
    %slice3A = vector.extract_strided_slice %logistic3A_193 {offsets = [0, 0], sizes = [1, 1], strides = [1, 1]} : vector<1x2xf32> to vector<1x1xf32>
    %slice3A_194 = vector.extract_strided_slice %logistic3A_193 {offsets = [0, 1], sizes = [1, 1], strides = [1, 1]} : vector<1x2xf32> to vector<1x1xf32>
    %broadcast_in_dim3A_195 = vector.shape_cast %slice3A : vector<1x1xf32> to vector<1x1xf32>
    %broadcast_in_dim3A_196 = vector.broadcast %broadcast_in_dim3A_195 : vector<1x1xf32> to vector<256x1xf32>
    %broadcast_in_dim3A_197 = vector.shape_cast %slice3A_194 : vector<1x1xf32> to vector<1x1xf32>
    %broadcast_in_dim3A_198 = vector.broadcast %broadcast_in_dim3A_197 : vector<1x1xf32> to vector<256x1xf32>
    %select_n3A_199 = arith.select %eq3A_3, %broadcast_in_dim3A_196, %broadcast_in_dim3A_198 : vector<256x1xi1>, vector<256x1xf32>
    %get3A_200 = arith.constant 0 : index
    %get3A_201 = arith.constant 0 : index
    %get3A_202 = vector.load %arg5[%get3A_200, %get3A_201] : memref<256x128xf32, #tpu.memory_space<vmem>>, vector<256x128xf32>
    %mul3A_203 = vector.broadcast %select_n3A_199 : vector<256x1xf32> to vector<256x128xf32>
    %mul3A_204 = arith.mulf %select_n3A, %mul3A_203 : vector<256x128xf32>
    %sub3A = arith.constant 1.000000e+00 : f32
    %sub3A_205 = vector.broadcast %sub3A : f32 to vector<256x1xf32>
    %sub3A_206 = arith.subf %sub3A_205, %select_n3A_199 : vector<256x1xf32>
    %mul3A_207 = vector.broadcast %sub3A_206 : vector<256x1xf32> to vector<256x128xf32>
    %mul3A_208 = arith.mulf %get3A_202, %mul3A_207 : vector<256x128xf32>
    %add3A_209 = arith.addf %mul3A_204, %mul3A_208 : vector<256x128xf32>
    %reduce_sum3A = arith.constant dense<0.000000e+00> : vector<256xf32>
    %reduce_sum3A_210 = vector.multi_reduction <add>, %add3A_209, %reduce_sum3A [1] : vector<256x128xf32> to vector<256xf32>
    %broadcast_in_dim3A_211 = vector.shape_cast %reduce_sum3A_210 : vector<256xf32> to vector<256x1xf32>
    %div3A_212 = arith.constant 1.280000e+02 : f32
    %div3A_213 = vector.broadcast %div3A_212 : f32 to vector<256x1xf32>
    %div3A_214 = arith.divf %broadcast_in_dim3A_211, %div3A_213 : vector<256x1xf32>
    %sub3A_215 = vector.broadcast %div3A_214 : vector<256x1xf32> to vector<256x128xf32>
    %sub3A_216 = arith.subf %add3A_209, %sub3A_215 : vector<256x128xf32>
    %integer_pow3A = arith.mulf %sub3A_216, %sub3A_216 : vector<256x128xf32>
    %reduce_sum3A_217 = arith.constant dense<0.000000e+00> : vector<256xf32>
    %reduce_sum3A_218 = vector.multi_reduction <add>, %integer_pow3A, %reduce_sum3A_217 [1] : vector<256x128xf32> to vector<256xf32>
    %broadcast_in_dim3A_219 = vector.shape_cast %reduce_sum3A_218 : vector<256xf32> to vector<256x1xf32>
    %div3A_220 = arith.constant 1.280000e+02 : f32
    %div3A_221 = vector.broadcast %div3A_220 : f32 to vector<256x1xf32>
    %div3A_222 = arith.divf %broadcast_in_dim3A_219, %div3A_221 : vector<256x1xf32>
    %get3A_223 = arith.constant 0 : index
    %get3A_224 = arith.constant 0 : index
    %get3A_225 = vector.load %arg10[%get3A_223, %get3A_224] : memref<2x128xf32, #tpu.memory_space<vmem>>, vector<1x128xf32>
    %get3A_226 = arith.constant 1 : index
    %get3A_227 = arith.constant 0 : index
    %get3A_228 = vector.load %arg10[%get3A_226, %get3A_227] : memref<2x128xf32, #tpu.memory_space<vmem>>, vector<1x128xf32>
    %broadcast_in_dim3A_229 = vector.shape_cast %eq3A_3 : vector<256x1xi1> to vector<256x1xi1>
    %broadcast_in_dim3A_230 = vector.broadcast %broadcast_in_dim3A_229 : vector<256x1xi1> to vector<256x128xi1>
    %broadcast_in_dim3A_231 = vector.shape_cast %get3A_225 : vector<1x128xf32> to vector<1x128xf32>
    %broadcast_in_dim3A_232 = vector.broadcast %broadcast_in_dim3A_231 : vector<1x128xf32> to vector<256x128xf32>
    %broadcast_in_dim3A_233 = vector.shape_cast %get3A_228 : vector<1x128xf32> to vector<1x128xf32>
    %broadcast_in_dim3A_234 = vector.broadcast %broadcast_in_dim3A_233 : vector<1x128xf32> to vector<256x128xf32>
    %select_n3A_235 = arith.select %broadcast_in_dim3A_230, %broadcast_in_dim3A_232, %broadcast_in_dim3A_234 : vector<256x128xi1>, vector<256x128xf32>
    %get3A_236 = arith.constant 0 : index
    %get3A_237 = arith.constant 0 : index
    %get3A_238 = vector.load %arg11[%get3A_236, %get3A_237] : memref<2x128xf32, #tpu.memory_space<vmem>>, vector<1x128xf32>
    %get3A_239 = arith.constant 1 : index
    %get3A_240 = arith.constant 0 : index
    %get3A_241 = vector.load %arg11[%get3A_239, %get3A_240] : memref<2x128xf32, #tpu.memory_space<vmem>>, vector<1x128xf32>
    %broadcast_in_dim3A_242 = vector.shape_cast %eq3A_3 : vector<256x1xi1> to vector<256x1xi1>
    %broadcast_in_dim3A_243 = vector.broadcast %broadcast_in_dim3A_242 : vector<256x1xi1> to vector<256x128xi1>
    %broadcast_in_dim3A_244 = vector.shape_cast %get3A_238 : vector<1x128xf32> to vector<1x128xf32>
    %broadcast_in_dim3A_245 = vector.broadcast %broadcast_in_dim3A_244 : vector<1x128xf32> to vector<256x128xf32>
    %broadcast_in_dim3A_246 = vector.shape_cast %get3A_241 : vector<1x128xf32> to vector<1x128xf32>
    %broadcast_in_dim3A_247 = vector.broadcast %broadcast_in_dim3A_246 : vector<1x128xf32> to vector<256x128xf32>
    %select_n3A_248 = arith.select %broadcast_in_dim3A_243, %broadcast_in_dim3A_245, %broadcast_in_dim3A_247 : vector<256x128xi1>, vector<256x128xf32>
    %sub3A_249 = vector.broadcast %div3A_214 : vector<256x1xf32> to vector<256x128xf32>
    %sub3A_250 = arith.subf %add3A_209, %sub3A_249 : vector<256x128xf32>
    %add3A_251 = arith.constant 9.99999974E-6 : f32
    %add3A_252 = vector.broadcast %add3A_251 : f32 to vector<256x1xf32>
    %add3A_253 = arith.addf %div3A_222, %add3A_252 : vector<256x1xf32>
    %rsqrt3A = math.rsqrt %add3A_253 : vector<256x1xf32>
    %mul3A_254 = vector.broadcast %rsqrt3A : vector<256x1xf32> to vector<256x128xf32>
    %mul3A_255 = arith.mulf %sub3A_250, %mul3A_254 : vector<256x128xf32>
    %mul3A_256 = arith.mulf %mul3A_255, %select_n3A_235 : vector<256x128xf32>
    %add3A_257 = arith.addf %mul3A_256, %select_n3A_248 : vector<256x128xf32>
    %swap3A = arith.constant 0 : index
    %swap3A_258 = arith.constant 0 : index
    %swap3A_259 = vector.load %arg15[%swap3A, %swap3A_258] : memref<256x128xf32, #tpu.memory_space<vmem>>, vector<256x128xf32>
    tpu.vector_store %arg15[%swap3A, %swap3A_258], %add3A_257 {strides = array<i32>} : memref<256x128xf32, #tpu.memory_space<vmem>>, vector<256x128xf32>,
    return
  }
  func.func @transform_0(%arg0: i32) -> (i32, i32) {
    %c0_i32 = arith.constant 0 : i32
    %c0_i32_0 = arith.constant 0 : i32
    return %arg0, %c0_i32 : i32, i32
  }
  func.func @transform_1(%arg0: i32) -> (i32, i32) {
    %add3A = arith.constant 40 : i32
    %add3A_0 = arith.addi %add3A, %arg0 : i32
    %c0_i32 = arith.constant 0 : i32
    %c0_i32_1 = arith.constant 0 : i32
    return %add3A_0, %c0_i32 : i32, i32
  }
  func.func @transform_2(%arg0: i32) -> (i32, i32) {
    %c0_i32 = arith.constant 0 : i32
    %c0_i32_0 = arith.constant 0 : i32
    return %arg0, %c0_i32 : i32, i32
  }
  func.func @transform_3(%arg0: i32) -> (i32, i32) {
    %add3A = arith.constant 40 : i32
    %add3A_0 = arith.addi %add3A, %arg0 : i32
    %c0_i32 = arith.constant 0 : i32
    %c0_i32_1 = arith.constant 0 : i32
    return %add3A_0, %c0_i32 : i32, i32
  }
  func.func @transform_4(%arg0: i32) -> (i32, i32) {
    %c0_i32 = arith.constant 0 : i32
    %c0_i32_0 = arith.constant 0 : i32
    return %arg0, %c0_i32 : i32, i32
  }
  func.func @transform_5(%arg0: i32) -> (i32, i32) {
    %c0_i32 = arith.constant 0 : i32
    %c0_i32_0 = arith.constant 0 : i32
    return %arg0, %c0_i32 : i32, i32
  }
  func.func @transform_6(%arg0: i32) -> (i32, i32, i32) {
    %c0_i32 = arith.constant 0 : i32
    %c0_i32_0 = arith.constant 0 : i32
    %c0_i32_1 = arith.constant 0 : i32
    %c0_i32_2 = arith.constant 0 : i32
    return %c0_i32, %c0_i32_0, %c0_i32_1 : i32, i32, i32
  }
  func.func @transform_7(%arg0: i32) -> (i32, i32) {
    %c0_i32 = arith.constant 0 : i32
    %c0_i32_0 = arith.constant 0 : i32
    %c0_i32_1 = arith.constant 0 : i32
    return %c0_i32, %c0_i32_0 : i32, i32
  }
  func.func @transform_8(%arg0: i32) -> (i32, i32) {
    %c0_i32 = arith.constant 0 : i32
    %c0_i32_0 = arith.constant 0 : i32
    %c0_i32_1 = arith.constant 0 : i32
    return %c0_i32, %c0_i32_0 : i32, i32
  }
  func.func @transform_9(%arg0: i32) -> (i32, i32) {
    %c0_i32 = arith.constant 0 : i32
    %c0_i32_0 = arith.constant 0 : i32
    %c0_i32_1 = arith.constant 0 : i32
    return %c0_i32, %c0_i32_0 : i32, i32
  }
  func.func @transform_10(%arg0: i32) -> (i32, i32) {
    %c0_i32 = arith.constant 0 : i32
    %c0_i32_0 = arith.constant 0 : i32
    %c0_i32_1 = arith.constant 0 : i32
    return %c0_i32, %c0_i32_0 : i32, i32
  }
  func.func @transform_11(%arg0: i32) -> (i32, i32) {
    %c0_i32 = arith.constant 0 : i32
    %c0_i32_0 = arith.constant 0 : i32
    %c0_i32_1 = arith.constant 0 : i32
    return %c0_i32, %c0_i32_0 : i32, i32
  }
  func.func @transform_12(%arg0: i32) -> (i32, i32, i32) {
    %c0_i32 = arith.constant 0 : i32
    %c0_i32_0 = arith.constant 0 : i32
    %c0_i32_1 = arith.constant 0 : i32
    %c0_i32_2 = arith.constant 0 : i32
    return %c0_i32, %c0_i32_0, %c0_i32_1 : i32, i32, i32
  }
  func.func @transform_13(%arg0: i32) -> (i32, i32) {
    %c0_i32 = arith.constant 0 : i32
    %c0_i32_0 = arith.constant 0 : i32
    %c0_i32_1 = arith.constant 0 : i32
    return %c0_i32, %c0_i32_0 : i32, i32
  }
  func.func @transform_14(%arg0: i32) -> (i32, i32) {
    %c0_i32 = arith.constant 0 : i32
    %c0_i32_0 = arith.constant 0 : i32
    return %arg0, %c0_i32 : i32, i32
  }
}

</mosaic_0001>

<sc_bundles>
// kernel: kernel.5.cloned.1.call-start
scs
__scs_entry_jumppad:
0x0: {  	(pc) =	sbr.rel $0x88, $3  }
0x1: {  	(tag) =	ssettag $0x0;
	lr =	simm.s32 $0x1  }
0x2: {  	[smem:$0x3F8F] =	sst lr;
	_ =	strace $0xD0000000  }
0x3: {  	_ = 	snop  }
0x4: {  	_ = 	snop  }
0x5: {  	_ = 	snop  }
0x6: {  	_ = 	snop  }
0x7: {  	_ = 	snop  }
__scs_overlays_trampoline_lowered:
0x8: {  	[smem:$0x3F9E] =	sst s0  }
0x9: {  	[smem:$0x3F9F] =	sst s1  }
0xa: {  	[smem:$0x3FA0] =	sst s2  }
0xb: {  	[smem:$0x3FA1] =	sst s3  }
0xc: {  	[smem:$0x3FA2] =	sst s4  }
0xd: {  	[smem:$0x3FA3] =	sst s5  }
0xe: {  	[smem:$0x3FA4] =	sst s6  }
0xf: {  	[smem:$0x3FA5] =	sst s7  }
0x10: {  	[smem:$0x3FA6] =	sst s8  }
0x11: {  	[smem:$0x3FA7] =	sst s9;
	s0 =	simm.s32 @!p0 $0x0  }
0x12: {  	s1 =	sld [smem:$0x3F8D];
	s0 =	simm.s32 @p0 $0x1  }
0x13: {  	[smem:$0x3FA8] =	sst s0;
	s0 =	simm.s32 @!p1 $0x0  }
0x14: {  	s2 =	sld [smem:$0x3F8C];
	s0 =	simm.s32 @p1 $0x1  }
0x15: {  	[smem:$0x3FA9] =	sst s0;
	s0 =	simm.s32 @!p2 $0x0  }
0x16: {  	s3 =	sld [smem:$0x3FDB];
	s0 =	simm.s32 @p2 $0x1  }
0x17: {  	s4 =	simm.s32 $0x1BF5;
	[smem:$0x3FAB] =	sst s0  }
0x18: {  	s0 =	sld [smem:$0x3F8E];
	_ =	swait.ge [sflag:s4], $0x0  }
0x19: {  	s7 =	sld [smem:$0x3F8F]  }
0x1a: {  	s8 =	sadd.s32 $0xFFFFE003, lr  }
0x1b: {  	s9 =	sadd.s32 $0xFFFFFEF7, lr;
	s5 =	simm.s32 $0xFFFFFFFF;
	p2 =	slt.u32 s8, $0xFFFFF086  }
0x1c: {  	p1 =	slt.u32 s9, $0xF7A;
	s5 =	simm.s32 @!p2 $0x0  }
0x1d: {  	s5 =	simm.s32 @p1 $0x1;
	p0 =	seq.s32 s7, s2  }
0x1e: {  	s7 =	smul.u32 @!p0 $0xF7A, s2;
	p2 =	seq.s32 @!p0 s5, $0x0  }
0x1f: {  	s9 =	smul.u32 $0xF7A, s1;
	s8 =	simm.s32 @!p0 $0x1BF5;
	p2 =	por !p2, p0  }
0x20: {  	[sflag:s8] =	ssyncset.s32 @!p0 $0xFFFFF086;
	s6 =	sadd.s32 @!p0 s3, s7;
	s7 =	simm.s32 @!p0 $0x108  }
0x21: {  	s3 =	sadd.s32 s3, s9;
	s6 =	sadd.s32 @!p0 $0x88, s6;
	s7 =	simm.s32 @p2 $0x1082  }
0x22: {  	[simem:s7], [sflag:s8] =	dma.local @!p0 [hbm:s6], $0xF7A  }
0x23: {  	s9 =	sor.u32 $0xD0000000, s2;
	s6 =	simm.s32 $0x108;
	_ =	swait.ge @!p0 [sflag:s8], $0x0  }
0x24: {  	s3 =	sadd.s32 $0x88, s3;
	s6 =	simm.s32 @!p1 $0x1082;
	[sflag:s4] =	ssyncset.s32 $0xFFFFF086  }
0x25: {  	[simem:s6], [sflag:s4] =	dma.local [hbm:s3], $0xF7A  }
0x26: {  	[smem:$0x3F8F] =	sst s1;
	(tag) =	ssettag s2;
	_ =	strace s9  }
0x27: {  	s1 =	sld [smem:$0x3F9F]  }
0x28: {  	s2 =	sld [smem:$0x3FA0]  }
0x29: {  	s4 =	sld [smem:$0x3FA2]  }
0x2a: {  	p0 =	seq.s32 s5, $0x0;
	s5 =	sld [smem:$0x3FA3]  }
0x2b: {  	s6 =	sld [smem:$0x3FA4]  }
0x2c: {  	s7 =	sld [smem:$0x3FA5]  }
0x2d: {  	s3 =	simm.s32 $0x108;
	s8 =	sld [smem:$0x3FA6]  }
0x2e: {  	s3 =	simm.s32 @!p0 $0x1082;
	s9 =	sld [smem:$0x3FA7]  }
0x2f: {  	lr =	sadd.s32 s0, s3;
	s0 =	sld [smem:$0x3F9E]  }
0x30: {  	s3 =	sld [smem:$0x3FA1]  }
0x31: {  	[smem:$0x3FAA] =	sst s10  }
0x32: {  	s10 =	sld [smem:$0x3FA8];
	_ =	sdelay $0x3  }
0x33: {  	p0 =	seq.s32 s10, $0x1;
	s10 =	sld [smem:$0x3FAA];
	_ =	sdelay $0x3  }
0x34: {  	[smem:$0x3FAA] =	sst s10  }
0x35: {  	s10 =	sld [smem:$0x3FA9];
	_ =	sdelay $0x3  }
0x36: {  	p1 =	seq.s32 s10, $0x1;
	s10 =	sld [smem:$0x3FAA];
	_ =	sdelay $0x3  }
0x37: {  	[smem:$0x3FAA] =	sst s10  }
0x38: {  	s10 =	sld [smem:$0x3FAB]  }
0x39: {  	_ = 	snop;
	(pc) =	sbr.ind lr, $3  }
0x3a: {  	_ = 	snop  }
0x3b: {  	_ = 	snop  }
0x3c: {  	p2 =	seq.s32 s10, $0x1;
	s10 =	sld [smem:$0x3FAA]  }
0x3d: {  	_ =	shalt  }
0x3e: {  	_ =	shalt  }
0x3f: {  	_ =	shalt  }
0x40: {  	_ =	shalt  }
0x41: {  	_ =	shalt  }
0x42: {  	_ =	shalt  }
0x43: {  	_ =	shalt  }
0x44: {  	_ =	shalt  }
0x45: {  	_ =	shalt  }
0x46: {  	_ =	shalt  }
0x47: {  	_ =	shalt  }
0x48: {  	_ =	shalt  }
0x49: {  	_ =	shalt  }
0x4a: {  	_ =	shalt  }
0x4b: {  	_ =	shalt  }
0x4c: {  	_ =	shalt  }
0x4d: {  	_ =	shalt  }
0x4e: {  	_ =	shalt  }
0x4f: {  	_ =	shalt  }
0x50: {  	_ =	shalt  }
0x51: {  	_ =	shalt  }
0x52: {  	_ =	shalt  }
0x53: {  	_ =	shalt  }
0x54: {  	_ =	shalt  }
0x55: {  	_ =	shalt  }
0x56: {  	_ =	shalt  }
0x57: {  	_ =	shalt  }
0x58: {  	_ =	shalt  }
0x59: {  	_ =	shalt  }
0x5a: {  	_ =	shalt  }
0x5b: {  	_ =	shalt  }
0x5c: {  	_ =	shalt  }
0x5d: {  	_ =	shalt  }
0x5e: {  	_ =	shalt  }
0x5f: {  	_ =	shalt  }
0x60: {  	_ =	shalt  }
0x61: {  	_ =	shalt  }
0x62: {  	_ =	shalt  }
0x63: {  	_ =	shalt  }
0x64: {  	_ =	shalt  }
0x65: {  	_ =	shalt  }
0x66: {  	_ =	shalt  }
0x67: {  	_ =	shalt  }
0x68: {  	_ =	shalt  }
0x69: {  	_ =	shalt  }
0x6a: {  	_ =	shalt  }
0x6b: {  	_ =	shalt  }
0x6c: {  	_ =	shalt  }
0x6d: {  	_ =	shalt  }
0x6e: {  	_ =	shalt  }
0x6f: {  	_ =	shalt  }
0x70: {  	_ =	shalt  }
0x71: {  	_ =	shalt  }
0x72: {  	_ =	shalt  }
0x73: {  	_ =	shalt  }
0x74: {  	_ =	shalt  }
0x75: {  	_ =	shalt  }
0x76: {  	_ =	shalt  }
0x77: {  	_ =	shalt  }
0x78: {  	_ =	shalt  }
0x79: {  	_ =	shalt  }
0x7a: {  	_ =	shalt  }
0x7b: {  	_ =	shalt  }
0x7c: {  	_ =	shalt  }
0x7d: {  	_ =	shalt  }
0x7e: {  	_ =	shalt  }
0x7f: {  	_ =	shalt  }
0x80: {  	_ =	shalt  }
0x81: {  	_ =	shalt  }
0x82: {  	_ =	shalt  }
0x83: {  	_ =	shalt  }
0x84: {  	_ =	shalt  }
0x85: {  	_ =	shalt  }
0x86: {  	_ =	shalt  }
0x87: {  	_ =	shalt  }
.Lfunc_end0:
.L_simem_size_0:
called_computation_lowered:
.L_overlay_start_0:
0x88: {  	s2 =	sld [smem:$0x3FD9]  }
0x89: {  	s3 =	sld [smem:$0x3FFE];
	_ =	sdelay $0x1  }
0x8a: {  	s1 =	srdreg.scid  }
0x8b: {  	s0 =	sand.u32 $0x1, s1  }
0x8c: {  	s17 =	sshll.u32 s0, $0xA;
	s2 =	sadd.s32 s3, s2  }
0x8d: {  	s2 =	sadd.s32 s2, s17  }
0x8e: {  	[smem:$0x3FB6] =	sst s2  }
0x8f: {  	_ = 	snop  }
0x90: {  	s2 =	sld [smem:$0x3FD0];
	(tm) =	ssettm $0x1  }
0x91: {  	s18 =	sld [smem:$0x3FFB];
	_ =	sdelay $0x3  }
0x92: {  	_ =	strace s18  }
0x93: {  	s3 =	sld [smem:$0x3FFC];
	_ =	sdelay $0x3  }
0x94: {  	_ =	strace s3  }
0x95: {  	s3 =	sld [smem:$0x3FFD];
	_ =	sdelay $0x3  }
0x96: {  	_ =	strace s3  }
0x97: {  	_ =	strace $0x8FFFFFFF  }
0x98: {  	s19 =	sld [smem:$0x3FDB];
	_ =	sdelay $0x1  }
0x99: {  	s4 =	simm.s32 $_scs_section_size  }
0x9a: {  	s5 =	simm.s32 $_size__tile_overlayer_lowered;
	s6 =	simm.s32 $_tile_overlayer_lowered  }
0x9b: {  	s22 =	simm.s32 $0x1BFF;
	s21 =	sshll.u32 s6, $0x1;
	s3 =	sadd.s32 s4, s19  }
0x9c: {  	s7 =	simm.s32 $0x0;
	s20 =	sshll.u32 s5, $0x1;
	s5 =	sadd.s32 s21, s3  }
0x9d: {  	[timem:s7], [sflag:s22] =	dma.local [hbm:s5], s20  }
0x9e: {  	_ =	swait.ge [sflag:s22], s20  }
0x9f: {  	s4 =	ssub.s32 $0x0, s20;
	[sflag:s22] =	ssyncset.done $0x0  }
0xa0: {  	[sflag:s22] =	ssyncadd.s32 s4;
	_ =	sdelay $0x1  }
0xa1: {  	s23 =	simm.s32 $0x1B8B  }
0xa2: {  	_ =	swait.ge [sflag:s23], $0x1  }
0xa3: {  	[sflag:s23] =	ssyncset.done $0x0  }
0xa4: {  	s25 =	simm.s32 $0x1B8E;
	s24 =	sld [smem:$0x3FFE];
	[sflag:s23] =	ssyncadd.s32 $0xFFFFFFFF  }
0xa5: {  	s26 =	simm.s32 $execute0_lowered;
	[smem:$0x3FD2] =	sst s25  }
0xa6: {  	s5 =	sshll.u32 s26, $0x1;
	_ =	strace $0x80000046;
	[dreg:$0x1] =	wrdreg $0xFFFFFFFF  }
0xa7: {  	s28 =	simm.s32 $_size_execute0_lowered;
	s3 =	sadd.s32 s3, s5;
	[dreg:$0x0] =	wrdreg $0x0  }
0xa8: {  	s5 =	sshll.u32 s28, $0x1;
	[dreg:$0x2] =	wrdreg s3  }
0xa9: {  	[dreg:$0x3] =	wrdreg s5  }
0xaa: {  	[dreg:$0x4] =	wrdreg $0xC0  }
0xab: {  	_ =	task [dreg:s7], $0x5FFFF  }
0xac: {  	[dreg:$0x1] =	wrdreg $0xFFFFFFFF  }
0xad: {  	[dreg:$0x0] =	wrdreg $0x60  }
0xae: {  	[dreg:$0x2] =	wrdreg s24  }
0xaf: {  	[dreg:$0x3] =	wrdreg s2  }
0xb0: {  	[dreg:$0x4] =	wrdreg $0x82800  }
0xb1: {  	[dreg:$0x5] =	wrdreg $0x1C2800  }
0xb2: {  	[dreg:$0x6] =	wrdreg $0x9  }
0xb3: {  	_ =	task.clear_ibuf [dreg:s7], $0x7FFFF;
	_ =	strace $0x90000046  }
0xb4: {  	s29 =	simm.s32 $0x9;
	_ =	strace $0x80000048  }
0xb5: {  	_ =	swait.ge [sflag:s29], $0x1  }
0xb6: {  	[sflag:s29] =	ssyncadd.s32 $0xFFFFFFFF  }
0xb7: {  	_ =	strace $0x90000048  }
0xb8: {  	_ =	sfence  }
0xb9: {  	s30 =	sld [smem:$0x0];
	_ =	sdelay $0x2  }
0xba: {  	s31 =	sshll.u32 s1, $0xD;
	s1 =	sshrl.u32 s1, $0x2  }
0xbb: {  	s3 =	sand.u32 $0x4000, s31;
	s1 =	sadd.s32 s1, s30  }
0xbc: {  	s0 =	sor.u32 s3, s0;
	s1 =	sshll.u32 s1, $0x11  }
0xbd: {  	s0 =	sor.u32 s1, s0  }
0xbe: {  	s0 =	sadd.s32 $0x8F2B, s0  }
0xbf: {  	[sflag:s0] =	ssyncadd.remote.s32 $0x1  }
0xc0: {  	_ =	sfence.sel $0xFFFF  }
0xc1: {  	[dreg:$0x0] =	wrdreg $0xFFFFFFFF;
	(pc) =	sbr.abs _section_cstart, $3  }
0xc2: {  	[dreg:$0x1] =	wrdreg $0xFFFFFFFF  }
0xc3: {  	_ =	task.clear_ibuf [dreg:s7], $0x2FFFF;
	_ =	strace $0x9FFFFFFF  }
0xc4: {  	(tm) =	ssettm $0x7FFFFFFF  }
0xc5: {  	_ =	shalt  }
tec
execute0_lowered:
.L_overlay_start_1:
0x0: {  	(tag) =	ssettag $0x1  }
0x1: {  	s0 =	srdreg.scid  }
0x2: {  	s7 =	rddreg [dreg:$0x0];
	s23 =	stileid.u32  }
0x3: {  	s14 =	rddreg [dreg:$0x1];
	s1 =	simm.s32 $0x0;
	s3 =	smul.u32 $0x280, s23  }
0x4: {  	s8 =	sand.u32 $0x1, s0;
	[smem:$0x7FF] =	sst s1;
	s16 =	smul.u32 $0x50, s23  }
0x5: {  	s15 =	sadd.s32 $0x129200, s7;
	s0 =	ssub.s32 $0x2, s8;
	s12 =	smul.u32 $0x2800, s8  }
0x6: {  	s21 =	smul.u32 $0x500, s8;
	s8 =	sshll.u32 s8, $0x4;
	s2 =	sshrl.u32 s0, $0x1  }
0x7: {  	s22 =	sor.u32 $0x40, s3;
	s13 =	sadd.s32 $0x80, s3;
	s9 =	sadd.s32 $0xC0, s3  }
0x8: {  	s11 =	sadd.s32 $0x100, s3;
	s6 =	sadd.s32 $0x140, s3;
	s4 =	sadd.s32 $0x180, s3  }
0x9: {  	s5 =	sadd.s32 $0x1C0, s3;
	s0 =	ssub.s32 s0, s2;
	s10 =	sadd.s32 s3, s12  }
0xa: {  	s2 =	sadd.s32 $0x200, s3;
	s3 =	sadd.s32 $0x240, s3;
	s24 =	sadd.s32 s12, s22  }
0xb: {  	s17 =	sadd.s32 s12, s13;
	s18 =	sadd.s32 s12, s9;
	s19 =	sadd.s32 s12, s11  }
0xc: {  	s20 =	sadd.s32 s12, s6;
	s16 =	sadd.s32 s16, s21;
	s6 =	sshll.u32 s6, $0x7  }
0xd: {  	s10 =	sshll.u32 s10, $0x4;
	s25 =	sshll.u32 s17, $0x4;
	s26 =	sshll.u32 s18, $0x4  }
0xe: {  	s21 =	sadd.s32 s12, s3;
	s3 =	sshll.u32 s3, $0x7;
	s0 =	smax.u32 s0, $0x1  }
0xf: {  	s10 =	sadd.s32 s15, s10;
	s18 =	sadd.s32 s15, s26;
	s26 =	sadd.s32 s12, s5  }
0x10: {  	s5 =	sshll.u32 s5, $0x7;
	[dreg:$0x5] =	wrdreg s10;
	s10 =	sshll.u32 s24, $0x4  }
0x11: {  	[dreg:$0x8] =	wrdreg s18;
	s24 =	sshll.u32 s20, $0x4;
	s10 =	sadd.s32 s15, s10  }
0x12: {  	s20 =	sadd.s32 s12, s2;
	s18 =	sadd.s32 $0x89200, s7;
	[dreg:$0x6] =	wrdreg s10  }
0x13: {  	s10 =	sadd.s32 s15, s25;
	s25 =	sadd.s32 s12, s4;
	s12 =	rddreg [dreg:$0x3]  }
0x14: {  	s2 =	sshll.u32 s2, $0x7;
	s4 =	sshll.u32 s4, $0x7;
	[dreg:$0x7] =	wrdreg s10  }
0x15: {  	s10 =	sshll.u32 s19, $0x4;
	s17 =	sshll.u32 s25, $0x4;
	s19 =	sshll.u32 s26, $0x4  }
0x16: {  	s25 =	sshll.u32 s16, $0x4;
	s16 =	sadd.s32 $0x101200, s7;
	s10 =	sadd.s32 s15, s10  }
0x17: {  	s26 =	smul.u32 $0x50000, s23;
	s17 =	sadd.s32 s15, s17;
	[dreg:$0x9] =	wrdreg s10  }
0x18: {  	s10 =	sadd.s32 s15, s24;
	[dreg:$0xb] =	wrdreg s17;
	s17 =	sshll.u32 s20, $0x4  }
0x19: {  	s24 =	sshll.u32 s21, $0x4;
	[dreg:$0xa] =	wrdreg s10;
	s10 =	sadd.s32 s15, s19  }
0x1a: {  	s20 =	sadd.s32 $0xC200, s7;
	s21 =	sadd.s32 $0x7200, s7;
	[dreg:$0xc] =	wrdreg s10  }
0x1b: {  	s17 =	sadd.s32 s15, s17;
	s15 =	sadd.s32 s15, s24;
	s10 =	rddreg [dreg:$0x2]  }
0x1c: {  	s19 =	sadd.s32 $0x2200, s7;
	s24 =	sshrl.u32 s26, $0x2;
	[dreg:$0xd] =	wrdreg s17  }
0x1d: {  	[dreg:$0xe] =	wrdreg s15;
	s15 =	sadd.s32 s14, s25;
	s17 =	sadd.s32 $0x11200, s7  }
0x1e: {  	s7 =	sor.u32 s23, s8;
	s25 =	sshll.u32 s22, $0x7;
	s22 =	sshll.u32 s13, $0x7  }
0x1f: {  	s8 =	simm.s32 $0x80;
	_ =	strace $0x80000047;
	s26 =	sadd.s32 s24, s10  }
0x20: {  	s28 =	sadd.s32 s25, s10;
	s29 =	sadd.s32 s22, s10;
	[dreg:$0x1b] =	wrdreg s0  }
0x21: {  	v0 =	vimm.s32 $0x76543210;
	v1 =	vimm.s32 $0xFEDCBA98;
	v2 =	vimm.s32 $0xBA98FEDC;
	s24 =	sshll.u32 s9, $0x7;
	s4 =	sadd.s32 s4, s10;
	[dreg:$0xf] =	wrdreg s15  }
0x22: {  	v3 =	vimm.s32 $0x32107654;
	v4 =	vimm.s32 $0xDCFE98BA;
	v5 =	vimm.s32 $0x54761032;
	s25 =	sshll.u32 s11, $0x7;
	s13 =	sadd.s32 s5, s10;
	[dreg:$0x16] =	wrdreg s4  }
0x23: {  	v6 =	vimm.s32 $0xEFCDAB89;
	v7 =	vimm.s32 $0x67452301;
	s9 =	smul.u32 $0xA000, s23;
	s2 =	sadd.s32 s2, s10;
	[dreg:$0x17] =	wrdreg s13  }
0x24: {  	vm0 =	vmmov $0x1;
	vm1 =	vcmask $0x320;
	vm2 =	vcmask $0x720;
	s31 =	sadd.s32 s6, s10;
	s22 =	sadd.s32 s3, s10;
	[dreg:$0x18] =	wrdreg s2  }
0x25: {  	vm3 =	vcmask $0xB20;
	vm4 =	vcmask $0xF20;
	vm5 =	vcmask $0x1320;
	s6 =	simm.s32 $0x280;
	s3 =	simm.s32 $0x4280;
	[dreg:$0x19] =	wrdreg s22  }
0x26: {  	v0 =	vunpack.c.l.s4.s8 v0;
	v1 =	vunpack.c.l.s4.s8 v1;
	v2 =	vunpack.c.l.s4.s8 v2;
	s5 =	simm.s32 $0x1;
	s11 =	sadd.s32 s24, s10;
	[dreg:$0x10] =	wrdreg s26  }
0x27: {  	v3 =	vunpack.c.l.s4.s8 v3;
	v4 =	vunpack.c.l.s4.s8 v4;
	v5 =	vunpack.c.l.s4.s8 v5;
	s30 =	sadd.s32 s25, s10;
	s2 =	smul.u32 $0x1400, s7;
	[dreg:$0x11] =	wrdreg s28  }
0x28: {  	v6 =	vunpack.c.l.s4.s8 v6;
	v7 =	vunpack.c.l.s4.s8 v7;
	v2 =	vunpack.c.0.s8.s32 v2;
	s25 =	sadd.s32 $0x400, s15;
	s7 =	simm.s32 $0x4;
	[dreg:$0x12] =	wrdreg s29  }
0x29: {  	v3 =	vunpack.c.0.s8.s32 v3;
	v4 =	vunpack.c.0.s8.s32 v4;
	v5 =	vunpack.c.0.s8.s32 v5;
	s13 =	simm.s32 $0x40;
	s15 =	simm.s32 $0x2280;
	[dreg:$0x15] =	wrdreg s31  }
0x2a: {  	v1 =	vunpack.c.0.s8.s32 v1;
	v6 =	vunpack.c.0.s8.s32 v6;
	v7 =	vunpack.c.0.s8.s32 v7;
	s22 =	simm.s32 $0x2;
	s4 =	simm.s32 $0x0;
	[dreg:$0x1d] =	wrdreg s25  }
0x2b: {  	v2 =	vcombine.low v3, v2;
	v3 =	vcombine.low v5, v4;
	v4 =	vunpack.c.0.s8.s32 v0;
	s14 =	sshrl.u32 s9, $0x2;
	s9 =	simm.s32 $0x100;
	[dreg:$0x13] =	wrdreg s11  }
0x2c: {  	vm6 =	vcmask $0x1720;
	v5 =	vcombine.low v7, v6;
	v1 =	vand.u32 $0xF, v1;
	s25 =	simm.s32 $0x6280;
	[dreg:$0x14] =	wrdreg s30;
	s23 =	sadd.s32 s14, s12  }
0x2d: {  	vm7 =	vcmask $0x1B20;
	v0 =	vimm.f32 $0.0e+00;
	v1 =	vcombine.low v1, v4;
	s14 =	simm.s32 $0x180;
	[dreg:$0x1a] =	wrdreg s23;
	s24 =	sadd.s32 $0x2000, s23  }
0x2e: {  	v2 =	vand.u32 $0xF, v2;
	v3 =	vand.u32 $0xF, v3;
	v4 =	vand.u32 $0xF, v5;
	s23 =	simm.s32 $0x3;
	[dreg:$0x1c] =	wrdreg s24;
	s24 =	simm.s32 $0x200  }
.LBB2_1:
0x2f: {  	[dreg:$0x1e] =	wrdreg s4;
	s0 =	simm.s32 $0x0;
	s4 =	simm.s32 $0x200  }
.LBB2_2:
0x30: {  	p0 =	sne.s32 s4, $0x7E00;
	[tilespmem:s0+$0x62F0] =	vst v0  }
0x31: {  	[tilespmem:s0+$0x280] =	vst v0  }
0x32: {  	[tilespmem:s0+$0x6280] =	vst v0  }
0x33: {  	[tilespmem:s0+$0x290] =	vst v0  }
0x34: {  	[tilespmem:s0+$0x6290] =	vst v0  }
0x35: {  	[tilespmem:s0+$0x2A0] =	vst v0  }
0x36: {  	[tilespmem:s0+$0x62A0] =	vst v0  }
0x37: {  	[tilespmem:s0+$0x2B0] =	vst v0  }
0x38: {  	[tilespmem:s0+$0x62B0] =	vst v0  }
0x39: {  	[tilespmem:s0+$0x2C0] =	vst v0  }
0x3a: {  	[tilespmem:s0+$0x62C0] =	vst v0  }
.Ltmp0:
0x3b: {  	[tilespmem:s0+$0x2D0] =	vst v0;
	(pc) =	sbr.rel @p0 .LBB2_2-.Ltmp0, $4  }
0x3c: {  	[tilespmem:s0+$0x62D0] =	vst v0  }
0x3d: {  	[tilespmem:s0+$0x2E0] =	vst v0  }
0x3e: {  	[tilespmem:s0+$0x62E0] =	vst v0  }
0x3f: {  	[tilespmem:s0+$0x2F0] =	vst v0;
	s0 =	sshra.s32 s4, $0x2;
	s4 =	sadd.s32 $0x200, s4  }
0x40: {  	[tilespmem:s0+$0x62F0] =	vst v0  }
0x41: {  	[tilespmem:s0+$0x280] =	vst v0  }
0x42: {  	[tilespmem:s0+$0x6280] =	vst v0  }
0x43: {  	[tilespmem:s0+$0x290] =	vst v0  }
0x44: {  	[tilespmem:s0+$0x6290] =	vst v0  }
0x45: {  	[tilespmem:s0+$0x2A0] =	vst v0  }
0x46: {  	[tilespmem:s0+$0x62A0] =	vst v0  }
0x47: {  	[tilespmem:s0+$0x2B0] =	vst v0  }
0x48: {  	[tilespmem:s0+$0x62B0] =	vst v0  }
0x49: {  	[tilespmem:s0+$0x2C0] =	vst v0  }
0x4a: {  	[tilespmem:s0+$0x62C0] =	vst v0  }
0x4b: {  	[tilespmem:s0+$0x2D0] =	vst v0  }
0x4c: {  	[tilespmem:s0+$0x62D0] =	vst v0  }
0x4d: {  	[tilespmem:s0+$0x2E0] =	vst v0  }
0x4e: {  	[tilespmem:s0+$0x62E0] =	vst v0  }
0x4f: {  	[tilespmem:s0+$0x2F0] =	vst v0  }
0x50: {  	[spmem:s26] =	stream.linear.scatter [tilespmem:s6], [sflag:$0x4], $0x2000, $0x38;
	[tilespmem:$0x1EA80] =	vst v63  }
0x51: {  	_ =	swait.ge [sflag:s7], $0x2000  }
0x52: {  	[sflag:s7] =	ssyncset.done $0x0  }
0x53: {  	[sflag:s7] =	ssyncadd.s32 $0xFFFFE000  }
0x54: {  	[spmem:s28] =	stream.linear.scatter [tilespmem:s6], [sflag:$0x4], $0x2000, $0x38;
	[tilespmem:$0x1EA80] =	vst v63  }
0x55: {  	_ =	swait.ge [sflag:s7], $0x2000  }
0x56: {  	[sflag:s7] =	ssyncset.done $0x0  }
0x57: {  	[sflag:s7] =	ssyncadd.s32 $0xFFFFE000  }
0x58: {  	[spmem:s29] =	stream.linear.scatter [tilespmem:s6], [sflag:$0x4], $0x2000, $0x38;
	[tilespmem:$0x1EA80] =	vst v63  }
0x59: {  	_ =	swait.ge [sflag:s7], $0x2000  }
0x5a: {  	[sflag:s7] =	ssyncset.done $0x0  }
0x5b: {  	[sflag:s7] =	ssyncadd.s32 $0xFFFFE000  }
0x5c: {  	[spmem:s11] =	stream.linear.scatter [tilespmem:s6], [sflag:$0x4], $0x2000, $0x38;
	[tilespmem:$0x1EA80] =	vst v63  }
0x5d: {  	_ =	swait.ge [sflag:s7], $0x2000  }
0x5e: {  	[sflag:s7] =	ssyncset.done $0x0  }
0x5f: {  	[sflag:s7] =	ssyncadd.s32 $0xFFFFE000  }
0x60: {  	[spmem:s30] =	stream.linear.scatter [tilespmem:s6], [sflag:$0x4], $0x2000, $0x38;
	[tilespmem:$0x1EA80] =	vst v63  }
0x61: {  	_ =	swait.ge [sflag:s7], $0x2000  }
0x62: {  	[sflag:s7] =	ssyncset.done $0x0  }
0x63: {  	[sflag:s7] =	ssyncadd.s32 $0xFFFFE000  }
0x64: {  	[spmem:s31] =	stream.linear.scatter [tilespmem:s6], [sflag:$0x4], $0x2000, $0x38;
	[tilespmem:$0x1EA80] =	vst v63  }
0x65: {  	_ =	swait.ge [sflag:s7], $0x2000  }
0x66: {  	[sflag:s7] =	ssyncset.done $0x0  }
0x67: {  	s4 =	rddreg [dreg:$0x16];
	[sflag:s7] =	ssyncadd.s32 $0xFFFFE000  }
0x68: {  	[spmem:s4] =	stream.linear.scatter [tilespmem:s6], [sflag:$0x4], $0x2000, $0x38;
	[tilespmem:$0x1EA80] =	vst v63  }
0x69: {  	_ =	swait.ge [sflag:s7], $0x2000  }
0x6a: {  	[sflag:s7] =	ssyncset.done $0x0  }
0x6b: {  	s11 =	rddreg [dreg:$0x17];
	[sflag:s7] =	ssyncadd.s32 $0xFFFFE000  }
0x6c: {  	[spmem:s11] =	stream.linear.scatter [tilespmem:s6], [sflag:$0x4], $0x2000, $0x38;
	[tilespmem:$0x1EA80] =	vst v63  }
0x6d: {  	_ =	swait.ge [sflag:s7], $0x2000  }
0x6e: {  	[sflag:s7] =	ssyncset.done $0x0  }
0x6f: {  	s26 =	rddreg [dreg:$0x18];
	[sflag:s7] =	ssyncadd.s32 $0xFFFFE000  }
0x70: {  	[spmem:s26] =	stream.linear.scatter [tilespmem:s6], [sflag:$0x4], $0x2000, $0x38;
	[tilespmem:$0x1EA80] =	vst v63  }
0x71: {  	_ =	swait.ge [sflag:s7], $0x2000  }
0x72: {  	[sflag:s7] =	ssyncset.done $0x0  }
0x73: {  	s29 =	rddreg [dreg:$0x19];
	[sflag:s7] =	ssyncadd.s32 $0xFFFFE000  }
0x74: {  	[spmem:s29] =	stream.linear.scatter [tilespmem:s6], [sflag:$0x4], $0x2000, $0x38;
	[tilespmem:$0x1EA80] =	vst v63  }
0x75: {  	_ =	swait.ge [sflag:s7], $0x2000  }
0x76: {  	[sflag:s7] =	ssyncset.done $0x0  }
0x77: {  	s30 =	rddreg [dreg:$0x1a];
	[sflag:s7] =	ssyncadd.s32 $0xFFFFE000  }
0x78: {  	[spmem:s30] =	stream.linear.scatter [tilespmem:s6], [sflag:$0x4], $0x2000, $0x38;
	[tilespmem:$0x1EA80] =	vst v63  }
0x79: {  	_ =	swait.ge [sflag:s7], $0x2000  }
0x7a: {  	[sflag:s7] =	ssyncset.done $0x0  }
0x7b: {  	s31 =	rddreg [dreg:$0x1c];
	[sflag:s7] =	ssyncadd.s32 $0xFFFFE000  }
0x7c: {  	[spmem:s31] =	stream.linear.scatter [tilespmem:s6], [sflag:$0x4], $0x800, $0x38;
	[tilespmem:$0x1EA80] =	vst v63  }
0x7d: {  	_ =	swait.ge [sflag:s7], $0x800  }
0x7e: {  	[sflag:s7] =	ssyncset.done $0x0  }
0x7f: {  	[sflag:s7] =	ssyncadd.s32 $0xFFFFF800  }
0x80: {  	s28 =	simm.s32 $0x0;
	[bflag:$0x0] =	sbarrier.arrive $0xFFFF  }
.LBB2_4:
0x81: {  	s0 =	sshll.u32 s28, $0x6  }
0x82: {  	s0 =	sadd.s32 s2, s0  }
0x83: {  	s0 =	sshrl.u32 s0, $0x3  }
0x84: {  	s4 =	sadd.s32 s19, s0  }
0x85: {  	[tilespmem:s1], [sflag:$0x4] =	stream.linear.gather [hbm4b:s4+s1], $0x40, $0x38;
	[tilespmem:$0x1EA80] =	vst v63  }
0x86: {  	_ =	swait.ge [sflag:s7], $0x40  }
0x87: {  	[sflag:s7] =	ssyncset.done $0x0  }
0x88: {  	s26 =	sadd.s32 s20, s0;
	[sflag:s7] =	ssyncadd.s32 $0xFFFFFFC0  }
0x89: {  	[tilespmem:s8], [sflag:$0x4] =	stream.linear.gather [hbm4b:s26+s1], $0x40, $0x38;
	[tilespmem:$0x1EA80] =	vst v63  }
0x8a: {  	_ =	swait.ge [sflag:s7], $0x40  }
0x8b: {  	[sflag:s7] =	ssyncset.done $0x0  }
0x8c: {  	s0 =	sadd.s32 s21, s0;
	[sflag:s7] =	ssyncadd.s32 $0xFFFFFFC0  }
0x8d: {  	[tilespmem:s9], [sflag:$0x4] =	stream.linear.gather [hbm4b:s0+s1], $0x40, $0x38;
	[tilespmem:$0x1EA80] =	vst v63  }
0x8e: {  	_ =	swait.ge [sflag:s7], $0x40  }
0x8f: {  	[sflag:s7] =	ssyncset.done $0x0  }
0x90: {  	[sflag:s7] =	ssyncadd.s32 $0xFFFFFFC0  }
0x91: {  	v5 =	vld [tilespmem:$0x100]  }
0x92: {  	v6 =	vld [tilespmem:$0x0]  }
0x93: {  	v7 =	vld [tilespmem:$0x80]  }
0x94: {  	v8 =	vld [tilespmem:$0x110]  }
0x95: {  	v9 =	vld [tilespmem:$0x10]  }
0x96: {  	v10 =	vld [tilespmem:$0x90]  }
0x97: {  	v11 =	vld [tilespmem:$0x120]  }
0x98: {  	v12 =	vld [tilespmem:$0x20];
	v5 =	vmul.u32 $0x2800, v5  }
0x99: {  	v13 =	vld [tilespmem:$0x130]  }
0x9a: {  	v59 =	vld [tilespmem:$0xA0];
	v5 =	vadd.s32 v6, v5;
	v6 =	vmul.u32 $0x2800, v8  }
0x9b: {  	[tilespmem:$0x180] =	vst v5;
	v5 =	vshrl.u32 v7, $0x3;
	v7 =	vld [tilespmem:$0x30]  }
0x9c: {  	v60 =	vld [tilespmem:$0xB0];
	[tilespmem:$0x200] =	vst v5;
	v5 =	vadd.s32 v9, v6;
	v6 =	vmul.u32 $0x2800, v11  }
0x9d: {  	v61 =	vld [tilespmem:$0x80];
	[tilespmem:$0x190] =	vst v5;
	v5 =	vshrl.u32 v10, $0x3  }
0x9e: {  	v62 =	vld [tilespmem:$0x90];
	[tilespmem:$0x210] =	vst v5;
	v5 =	vadd.s32 v12, v6;
	v6 =	vmul.u32 $0x2800, v13  }
0x9f: {  	v63 =	vld [tilespmem:$0xA0];
	[tilespmem:$0x1A0] =	vst v5;
	v5 =	vshrl.u32 v59, $0x3  }
0xa0: {  	[tilespmem:$0x220] =	vst v5;
	v5 =	vadd.s32 v7, v6;
	v6 =	vld [tilespmem:$0xB0]  }
0xa1: {  	[tilespmem:$0x1B0] =	vst v5;
	v5 =	vshrl.u32 v60, $0x3  }
0xa2: {  	[tilespmem:$0x230] =	vst v5;
	v5 =	vand.u32 $0x7, v61  }
0xa3: {  	[tilespmem:$0x100] =	vst v5;
	v5 =	vand.u32 $0x7, v62  }
0xa4: {  	[tilespmem:$0x110] =	vst v5;
	v5 =	vand.u32 $0x7, v63  }
0xa5: {  	[tilespmem:$0x120] =	vst v5;
	v5 =	vand.u32 $0x7, v6  }
0xa6: {  	[tilespmem:$0x130] =	vst v5  }
0xa7: {  	[tilespmem:s6], [sflag:$0x1] =	stream.indirect.gather [hbm4b:s16+s13], $0x80, s8, s13, $0xb8;
	[tilespmem:$0x1EA80] =	vst v63  }
0xa8: {  	_ = 	snop  }
0xa9: {  	[tilespmem:s15], [sflag:$0x2] =	stream.indirect.gather [hbm4b:s17+s13], $0x80, s14, s13, $0xb8;
	[tilespmem:$0x1EA80] =	vst v63  }
0xaa: {  	_ = 	snop  }
0xab: {  	[tilespmem:s3], [sflag:$0x3] =	stream.indirect.gather [hbm4b:s18+s13], $0x80, s14, s13, $0xb8;
	[tilespmem:$0x1EA80] =	vst v63  }
0xac: {  	_ =	swait.ge [sflag:s5], $0x2000  }
0xad: {  	[sflag:s5] =	ssyncset.done $0x0  }
0xae: {  	[sflag:s5] =	ssyncadd.s32 $0xFFFFE000  }
0xaf: {  	_ =	swait.ge [sflag:s22], $0x2000  }
0xb0: {  	[sflag:s22] =	ssyncset.done $0x0  }
0xb1: {  	[sflag:s22] =	ssyncadd.s32 $0xFFFFE000  }
0xb2: {  	s29 =	simm.s32 $0x4380;
	_ =	swait.ge [sflag:s23], $0x2000  }
0xb3: {  	s30 =	simm.s32 $0x6380;
	s31 =	simm.s32 $0x2380;
	[sflag:s23] =	ssyncset.done $0x0  }
0xb4: {  	s11 =	simm.s32 $0x380;
	s4 =	simm.s32 $0xFFFFFFFC;
	[sflag:s23] =	ssyncadd.s32 $0xFFFFE000  }
.LBB2_5:
0xb5: {  	v5 =	vld [tilespmem:s11+$0xFFFFFF00]  }
0xb6: {  	v6 =	vld [tilespmem:s31+$0xFFFFFF00]  }
0xb7: {  	v7 =	vld [tilespmem:s11+$0xFFFFFF10]  }
0xb8: {  	v8 =	vld [tilespmem:s31+$0xFFFFFF10]  }
0xb9: {  	v9 =	vld [tilespmem:s31+$0xFFFFFF20]  }
0xba: {  	v11 =	vld [tilespmem:s11+$0xFFFFFF30]  }
0xbb: {  	v56 =	vld [tilespmem:s31+$0xFFFFFF30]  }
0xbc: {  	v59 =	vld [tilespmem:s11+$0xFFFFFF60]  }
0xbd: {  	v17 =	vld [tilespmem:s31+$0xFFFFFF60]  }
0xbe: {  	v32 =	vld [tilespmem:s11+$0xFFFFFF80]  }
0xbf: {  	v35 =	vld [tilespmem:s31+$0xFFFFFF80]  }
0xc0: {  	v39 =	vld [tilespmem:s11+$0xFFFFFF90]  }
0xc1: {  	v41 =	vld [tilespmem:s31+$0xFFFFFF90];
	v5 =	vmul.f32 v6, v5;
	v6 =	vmul.f32 v8, v7  }
0xc2: {  	v57 =	vld [tilespmem:s11+$0xFFFFFF40];
	v63 =	vmul.f32 v17, v59  }
0xc3: {  	v13 =	vld [tilespmem:s31+$0xFFFFFF40];
	v7 =	vperm.xlane v5, v1;
	v8 =	vperm.xlane v6, v1  }
0xc4: {  	v19 =	vld [tilespmem:s11+$0xFFFFFF70];
	v20 =	vperm.xlane v63, v1  }
0xc5: {  	v44 =	vmul.f32 v35, v32;
	v5 =	vadd.f32 v7, v5;
	v6 =	vadd.f32 v8, v6;
	v7 =	vld [tilespmem:s11+$0xFFFFFF20]  }
0xc6: {  	v60 =	vld [tilespmem:s31+$0xFFFFFF70];
	v48 =	vmul.f32 v41, v39;
	v8 =	vmul.f32 v56, v11;
	v11 =	vadd.f32 v20, v63  }
0xc7: {  	v55 =	vperm.xlane v5, v2;
	v10 =	vperm.xlane v6, v2  }
0xc8: {  	v47 =	vperm.xlane v44, v1;
	v26 =	vperm.xlane v11, v2  }
0xc9: {  	v15 =	vld [tilespmem:s11+$0xFFFFFF50];
	v5 =	vadd.f32 v55, v5;
	v6 =	vadd.f32 v10, v6;
	v10 =	vmul.f32 v13, v57  }
0xca: {  	v58 =	vld [tilespmem:s31+$0xFFFFFF50];
	v13 =	vperm.xlane v48, v1;
	v7 =	vmul.f32 v9, v7  }
0xcb: {  	v11 =	vadd.f32 v26, v11;
	v9 =	vmul.f32 v60, v19;
	v12 =	vperm.xlane v5, v3  }
0xcc: {  	v14 =	vperm.xlane v6, v3;
	v62 =	vperm.xlane v10, v1  }
0xcd: {  	v31 =	vperm.xlane v11, v3;
	v13 =	vadd.f32 v13, v48;
	v61 =	vperm.xlane v7, v1  }
0xce: {  	v22 =	vperm.xlane v9, v1;
	v5 =	vadd.f32 v12, v5;
	v6 =	vadd.f32 v14, v6  }
0xcf: {  	v12 =	vmul.f32 v58, v15;
	v10 =	vadd.f32 v62, v10;
	v11 =	vadd.f32 v31, v11  }
0xd0: {  	v54 =	vperm.xlane v13, v2;
	v7 =	vadd.f32 v61, v7;
	v16 =	vperm.xlane v5, v4  }
0xd1: {  	v9 =	vadd.f32 v22, v9;
	v18 =	vperm.xlane v6, v4;
	v23 =	vperm.xlane v10, v2  }
0xd2: {  	v40 =	vperm.xlane v11, v4;
	v19 =	vperm.xlane v7, v2  }
0xd3: {  	v49 =	vld [tilespmem:s11+$0xFFFFFFB0];
	v13 =	vadd.f32 v54, v13;
	v27 =	vperm.xlane v9, v2;
	v5 =	vadd.f32 v16, v5  }
0xd4: {  	v50 =	vld [tilespmem:s31+$0xFFFFFFB0];
	v6 =	vadd.f32 v18, v6;
	v18 =	vperm.xlane v12, v1;
	v7 =	vadd.f32 v19, v7  }
0xd5: {  	v10 =	vadd.f32 v23, v10;
	v9 =	vadd.f32 v27, v9;
	v5 =	vnsel vm0, $0x0, v5  }
0xd6: {  	v6 =	vsel vm1, v5, v6;
	v5 =	vperm.xlane v8, v1;
	v25 =	vperm.xlane v7, v3  }
0xd7: {  	v59 =	vperm.xlane v13, v3;
	v34 =	vperm.xlane v9, v3  }
0xd8: {  	v53 =	vld [tilespmem:s11+$0xFFFFFFC0];
	v28 =	vperm.xlane v10, v3;
	v5 =	vadd.f32 v5, v8;
	v7 =	vadd.f32 v25, v7  }
0xd9: {  	v63 =	vld [tilespmem:s31+$0xFFFFFFE0];
	v8 =	vadd.f32 v18, v12;
	v9 =	vadd.f32 v34, v9;
	v12 =	vmul.f32 v50, v49  }
0xda: {  	v55 =	vld [tilespmem:s31+$0xFFFFFFC0];
	v13 =	vadd.f32 v59, v13;
	v21 =	vperm.xlane v5, v2;
	v30 =	vperm.xlane v7, v4  }
0xdb: {  	v57 =	vld [tilespmem:s11+$0xFFFFFFD0];
	v10 =	vadd.f32 v28, v10;
	v24 =	vperm.xlane v8, v2;
	v42 =	vperm.xlane v9, v4  }
0xdc: {  	v22 =	vld [tilespmem:s11+$0xFFFFFFE0];
	v20 =	vperm.xlane v12, v1;
	v5 =	vadd.f32 v21, v5;
	v7 =	vadd.f32 v30, v7  }
0xdd: {  	v36 =	vperm.xlane v10, v4;
	v46 =	vadd.f32 v42, v9;
	v9 =	vadd.f32 v47, v44;
	v21 =	vld [tilespmem:s31+$0xFFFFFFD0]  }
0xde: {  	v8 =	vadd.f32 v24, v8;
	v12 =	vadd.f32 v20, v12;
	v15 =	vperm.xlane v5, v3  }
0xdf: {  	v24 =	vperm.xlane v13, v4;
	v6 =	vsel vm2, v6, v7;
	v51 =	vperm.xlane v9, v2  }
0xe0: {  	v7 =	vadd.f32 v36, v10;
	v62 =	vperm.xlane v12, v2;
	v29 =	vadd.f32 v15, v5  }
0xe1: {  	v5 =	vperm.xlane v8, v3;
	v14 =	vadd.f32 v51, v9;
	v15 =	vmul.f32 v55, v53  }
0xe2: {  	v12 =	vadd.f32 v62, v12;
	v19 =	vmul.f32 v21, v57;
	v21 =	vmul.f32 v63, v22  }
0xe3: {  	v33 =	vperm.xlane v29, v4;
	v8 =	vadd.f32 v5, v8;
	v56 =	vperm.xlane v14, v3  }
0xe4: {  	v43 =	vld [tilespmem:s11+$0xFFFFFFA0];
	v13 =	vadd.f32 v24, v13;
	v23 =	vperm.xlane v15, v1;
	v32 =	vperm.xlane v12, v3  }
0xe5: {  	s0 =	sadd.s32 $0x4, s4;
	v45 =	vld [tilespmem:s31+$0xFFFFFFA0];
	v39 =	vperm.xlane v21, v1;
	v37 =	vadd.f32 v33, v29;
	v38 =	vperm.xlane v8, v4  }
0xe6: {  	s26 =	sand.u32 $0x30, s0;
	v25 =	vld [tilespmem:s11+$0x0];
	v14 =	vadd.f32 v56, v14;
	v15 =	vadd.f32 v23, v15;
	v29 =	vperm.xlane v19, v1  }
0xe7: {  	v5 =	vld [tilespmem:s26+$0x100];
	v12 =	vadd.f32 v32, v12;
	v6 =	vsel vm3, v6, v37;
	v8 =	vadd.f32 v38, v8  }
0xe8: {  	v33 =	vld [tilespmem:s31+$0x0];
	v60 =	vperm.xlane v14, v4;
	v26 =	vperm.xlane v15, v2;
	v18 =	vadd.f32 v29, v19  }
0xe9: {  	v63 =	vld [tilespmem:s11+$0x50];
	v36 =	vperm.xlane v12, v4;
	v6 =	vsel vm4, v6, v7;
	v7 =	vadd.f32 v40, v11  }
0xea: {  	v37 =	vld [tilespmem:s11+$0x10];
	v11 =	vmul.f32 v45, v43;
	v6 =	vsel vm5, v6, v8;
	v14 =	vadd.f32 v60, v14  }
0xeb: {  	s26 =	sand.u32 $0xC, s0;
	v29 =	vld [tilespmem:s31+$0x50];
	v15 =	vadd.f32 v26, v15;
	v35 =	vperm.xlane v18, v2;
	v12 =	vadd.f32 v36, v12  }
0xec: {  	v40 =	vld [tilespmem:s31+$0x10];
	v6 =	vsel vm6, v6, v7;
	v7 =	vmov s26;
	v52 =	vperm.xlane v11, v1  }
0xed: {  	v19 =	vmul.f32 v33, v25;
	v6 =	vsel vm7, v6, v46;
	v7 =	vperm.xlane v5, v7  }
0xee: {  	v14 =	vnsel vm0, $0x0, v14;
	v38 =	vperm.xlane v15, v3;
	v11 =	vadd.f32 v52, v11  }
0xef: {  	v6 =	vmul.f32 $1.442695020e+00, v6;
	v13 =	vsel vm1, v14, v13;
	v45 =	vperm.xlane v19, v1  }
0xf0: {  	v20 =	vmul.f32 v29, v63;
	vm8 =	veq.s32 v7, $0x0;
	v58 =	vperm.xlane v11, v2  }
0xf1: {  	v28 =	vld [tilespmem:s11+$0xFFFFFFF0];
	v50 =	vmul.f32 v40, v37;
	(erf) = vpow2.f32 v6;
	v6 =	vsel vm8, $0x3F800000, v0  }
0xf2: {  	v30 =	vld [tilespmem:s31+$0xFFFFFFF0];
	vm8 =	veq.s32 v7, $0x1;
	v14 =	vadd.f32 v45, v19;
	v17 =	vadd.f32 v58, v11  }
0xf3: {  	v15 =	vadd.f32 v38, v15;
	v8 =	vsel vm8, $0x3F800000, v0;
	v23 =	vperm.xlane v50, v1  }
0xf4: {  	v54 =	vld [tilespmem:s11+$0x30];
	vm8 =	veq.s32 v7, $0x2;
	v52 =	vperm.xlane v14, v2;
	v61 =	vperm.xlane v17, v3  }
0xf5: {  	v43 =	vld [tilespmem:s11+$0x20];
	v47 =	vperm.xlane v15, v4;
	v9 =	vsel vm8, $0x3F800000, v0;
	v19 =	vadd.f32 v23, v50  }
0xf6: {  	v46 =	vld [tilespmem:s31+$0x20];
	vm8 =	veq.s32 v7, $0x3;
	v14 =	vadd.f32 v52, v14;
	v16 =	vadd.f32 v61, v17  }
0xf7: {  	v56 =	vld [tilespmem:s31+$0x30];
	v10 =	vsel vm8, $0x3F800000, v0;
	v23 =	vperm.xlane v19, v2;
	v17 =	vmul.f32 v30, v28  }
0xf8: {  	vm8 =	veq.s32 v7, $0x4;
	v58 =	vperm.xlane v14, v3;
	v31 =	vperm.xlane v16, v4  }
0xf9: {  	v15 =	vadd.f32 v47, v15;
	v19 =	vadd.f32 v23, v19;
	v41 =	vperm.xlane v17, v1  }
0xfa: {  	v38 =	vld [tilespmem:s11+$0x70];
	v11 =	vsel vm8, $0x3F800000, v0;
	v14 =	vadd.f32 v58, v14;
	v34 =	vadd.f32 v31, v16  }
0xfb: {  	v40 =	vld [tilespmem:s31+$0x70];
	v16 =	vadd.f32 v35, v18;
	v44 =	vadd.f32 v41, v17;
	v17 =	vmul.f32 v46, v43  }
0xfc: {  	v18 =	vadd.f32 v39, v21;
	v21 =	vmul.f32 v56, v54;
	v30 =	vperm.xlane v14, v4  }
0xfd: {  	vm8 =	veq.s32 v7, $0x5;
	v31 =	vperm.xlane v19, v3;
	v42 =	vperm.xlane v16, v3  }
0xfe: {  	v13 =	vsel vm2, v13, v34;
	v48 =	vperm.xlane v18, v2;
	v49 =	vperm.xlane v44, v2  }
0xff: {  	v59 =	vld [tilespmem:s11+$0x40];
	v57 =	vperm.xlane v17, v1;
	v34 =	vperm.xlane v21, v1;
	v36 =	vadd.f32 v30, v14  }
0x100: {  	v32 =	vld [tilespmem:s11+$0x60];
	v37 =	vadd.f32 v31, v19;
	v19 =	vmul.f32 v40, v38;
	v16 =	vadd.f32 v42, v16  }
0x101: {  	v61 =	vld [tilespmem:s31+$0x40];
	v12 =	vsel vm3, v13, v12;
	v18 =	vadd.f32 v48, v18;
	v13 =	vadd.f32 v49, v44  }
0x102: {  	v35 =	vld [tilespmem:s31+$0x60];
	v12 =	vsel vm4, v12, v15;
	v41 =	vperm.xlane v37, v4;
	v44 =	vperm.xlane v20, v1  }
0x103: {  	v17 =	vadd.f32 v57, v17;
	v48 =	vperm.xlane v19, v1;
	v51 =	vperm.xlane v16, v4  }
0x104: {  	v58 =	vld [tilespmem:s31+$0x90];
	v53 =	vperm.xlane v18, v3;
	v55 =	vperm.xlane v13, v3;
	v20 =	vadd.f32 v44, v20  }
0x105: {  	v30 =	vld [tilespmem:s11+$0xB0];
	v28 =	vperm.xlane v17, v2;
	v19 =	vadd.f32 v48, v19;
	v16 =	vadd.f32 v51, v16  }
0x106: {  	v15 =	vadd.f32 v53, v18;
	v13 =	vadd.f32 v55, v13;
	v18 =	vmul.f32 v61, v59;
	v55 =	vld [tilespmem:s11+$0x90]  }
0x107: {  	v33 =	vadd.f32 v28, v17;
	v17 =	vmul.f32 v35, v32;
	v24 =	vperm.xlane v20, v2;
	v61 =	vld [tilespmem:s11+$0xA0]  }
0x108: {  	v14 =	vadd.f32 v41, v37;
	v57 =	vperm.xlane v19, v2;
	v28 =	vld [tilespmem:s31+$0xA0];
	v60 =	vperm.xlane v15, v4  }
0x109: {  	v32 =	vld [tilespmem:s31+$0xB0];
	v12 =	vsel vm5, v12, v16;
	v62 =	vperm.xlane v13, v4;
	v39 =	vperm.xlane v33, v3  }
0x10a: {  	v16 =	vadd.f32 v34, v21;
	v43 =	vperm.xlane v18, v1;
	v20 =	vadd.f32 v24, v20  }
0x10b: {  	v46 =	vperm.xlane v17, v1;
	v19 =	vadd.f32 v57, v19;
	v15 =	vadd.f32 v60, v15  }
0x10c: {  	v13 =	vadd.f32 v62, v13;
	v42 =	vperm.xlane v16, v2;
	v56 =	vperm.xlane v20, v3  }
0x10d: {  	v18 =	vadd.f32 v43, v18;
	v63 =	vperm.xlane v19, v3;
	v24 =	vmul.f32 v58, v55  }
0x10e: {  	v51 =	vld [tilespmem:s11+$0x80];
	v17 =	vadd.f32 v46, v17;
	v38 =	vmul.f32 v28, v61;
	v41 =	vmul.f32 v32, v30  }
0x10f: {  	v53 =	vld [tilespmem:s31+$0x80];
	v12 =	vsel vm6, v12, v15;
	v15 =	vadd.f32 v39, v33;
	v16 =	vadd.f32 v42, v16  }
0x110: {  	v23 =	vperm.xlane v18, v2;
	v52 =	vperm.xlane v17, v2;
	v20 =	vadd.f32 v56, v20  }
0x111: {  	v19 =	vadd.f32 v63, v19;
	v12 =	vsel vm7, v12, v13;
	v33 =	vperm.xlane v24, v1  }
0x112: {  	v13 =	vnsel vm0, $0x0, v36;
	v43 =	vperm.xlane v38, v1;
	v45 =	vperm.xlane v15, v4  }
0x113: {  	v39 =	vld [tilespmem:s11+$0xC0];
	v47 =	vperm.xlane v16, v3;
	v13 =	vsel vm1, v13, v14;
	v50 =	vadd.f32 v23, v18  }
0x114: {  	v42 =	vld [tilespmem:s31+$0xC0];
	v17 =	vadd.f32 v52, v17;
	v18 =	vmul.f32 v53, v51;
	v62 =	vperm.xlane v20, v4  }
0x115: {  	v35 =	vperm.xlane v19, v4;
	v12 =	vmul.f32 $1.442695020e+00, v12;
	v15 =	vadd.f32 v45, v15  }
0x116: {  	v55 =	vld [tilespmem:s31+$0xE0];
	v49 =	vadd.f32 v47, v16;
	v23 =	vperm.xlane v50, v3;
	v59 =	vperm.xlane v17, v3  }
0x117: {  	v53 =	vld [tilespmem:s11+$0xE0];
	v29 =	vperm.xlane v18, v1;
	v20 =	vadd.f32 v62, v20;
	v37 =	vadd.f32 v35, v19  }
0x118: {  	v45 =	vperm.xlane v41, v1;
	(erf) = vpow2.f32 v12;
	v47 =	vadd.f32 v43, v38  }
0x119: {  	v61 =	vld [tilespmem:s11+$0xF0];
	v19 =	vmul.f32 v42, v39;
	v54 =	vperm.xlane v49, v4;
	v16 =	vadd.f32 v23, v50  }
0x11a: {  	v63 =	vld [tilespmem:s31+$0xF0];
	v13 =	vsel vm2, v13, v15;
	v15 =	vsel vm8, $0x3F800000, v0;
	v17 =	vadd.f32 v59, v17  }
0x11b: {  	v48 =	vld [tilespmem:s11+$0xD0];
	vm8 =	veq.s32 v7, $0x6;
	v14 =	vadd.f32 v54, v49;
	v60 =	vperm.xlane v16, v4  }
0x11c: {  	v50 =	vld [tilespmem:s31+$0xD0];
	v52 =	vperm.xlane v47, v2;
	v51 =	vsel vm8, $0x3F800000, v0;
	v22 =	vmul.f32 v55, v53  }
0x11d: {  	v31 =	vperm.xlane v17, v4;
	v13 =	vsel vm3, v13, v14;
	v14 =	vadd.f32 v60, v16  }
0x11e: {  	v27 =	vperm.xlane v22, v1;
	v16 =	vadd.f32 v29, v18;
	v18 =	vadd.f32 v33, v24  }
0x11f: {  	v56 =	vperm.xlane v19, v1;
	v34 =	vadd.f32 v31, v17;
	v31 =	vmul.f32 v63, v61  }
0x120: {  	v29 =	vadd.f32 v27, v22;
	v36 =	vperm.xlane v16, v2;
	v40 =	vperm.xlane v18, v2  }
0x121: {  	v13 =	vsel vm4, v13, v14;
	v14 =	vmul.f32 v50, v48;
	v35 =	vperm.xlane v31, v1  }
0x122: {  	v13 =	vsel vm5, v13, v20;
	v20 =	vadd.f32 v45, v41;
	v33 =	vperm.xlane v29, v2  }
0x123: {  	v13 =	vsel vm6, v13, v34;
	v16 =	vadd.f32 v36, v16;
	v18 =	vadd.f32 v40, v18  }
0x124: {  	v25 =	vperm.xlane v14, v1;
	v13 =	vsel vm7, v13, v37;
	v54 =	vperm.xlane v20, v2  }
0x125: {  	s26 =	sadd.s32 $0x5, s4;
	vm8 =	veq.s32 v7, $0x7;
	v44 =	vperm.xlane v16, v3;
	v46 =	vmul.f32 $1.442695020e+00, v13  }
0x126: {  	s26 =	sand.u32 $0xD, s26;
	v49 =	vperm.xlane v18, v3;
	v13 =	vadd.f32 v52, v47;
	v14 =	vadd.f32 v25, v14  }
0x127: {  	v40 =	vmov s26;
	v57 =	vadd.f32 v54, v20;
	v16 =	vadd.f32 v44, v16  }
0x128: {  	v17 =	vadd.f32 v49, v18;
	(erf) = vpow2.f32 v46;
	v59 =	vperm.xlane v13, v3  }
0x129: {  	v18 =	vadd.f32 v56, v19;
	v32 =	vperm.xlane v14, v2;
	v19 =	vperm.xlane v5, v40  }
0x12a: {  	v45 =	vsel vm8, $0x3F800000, v0;
	v60 =	vperm.xlane v57, v3;
	v7 =	vperm.xlane v16, v4  }
0x12b: {  	s26 =	sadd.s32 $0x6, s4;
	v58 =	vperm.xlane v17, v4;
	v13 =	vadd.f32 v59, v13;
	v62 =	vperm.xlane v18, v2  }
0x12c: {  	s26 =	sand.u32 $0xE, s26;
	v34 =	vadd.f32 v32, v14;
	v14 =	vadd.f32 v35, v31;
	vm8 =	veq.s32 v19, $0x0  }
0x12d: {  	v59 =	vmov s26;
	v12 =	vadd.f32 v60, v57;
	v47 =	vsel vm8, $0x3F800000, v0  }
0x12e: {  	vm8 =	veq.s32 v19, $0x1;
	v7 =	vadd.f32 v7, v16;
	v16 =	vadd.f32 v58, v17  }
0x12f: {  	v26 =	vperm.xlane v13, v4;
	v18 =	vadd.f32 v62, v18;
	v17 =	vadd.f32 v33, v29  }
0x130: {  	v37 =	vperm.xlane v34, v3;
	v39 =	vperm.xlane v14, v2;
	v49 =	vsel vm8, $0x3F800000, v0  }
0x131: {  	vm8 =	veq.s32 v19, $0x2;
	v28 =	vperm.xlane v12, v4;
	v7 =	vnsel vm0, $0x0, v7  }
0x132: {  	v52 =	vsel vm8, $0x3F800000, v0;
	vm8 =	veq.s32 v19, $0x3;
	v7 =	vsel vm1, v7, v16  }
0x133: {  	v13 =	vadd.f32 v26, v13;
	v30 =	vperm.xlane v18, v3;
	v38 =	vperm.xlane v17, v3  }
0x134: {  	s26 =	sadd.s32 $0x7, s4;
	v14 =	vadd.f32 v39, v14;
	v53 =	vsel vm8, $0x3F800000, v0;
	vm8 =	veq.s32 v19, $0x4  }
0x135: {  	v26 =	vmov s26;
	v12 =	vadd.f32 v28, v12;
	v13 =	vsel vm2, v7, v13;
	v7 =	vpop (erf)  }
0x136: {  	v55 =	vsel vm8, $0x3F800000, v0;
	vm8 =	veq.s32 v19, $0x5;
	v6 =	vmul.f32 v6, v7  }
0x137: {  	v18 =	vadd.f32 v30, v18;
	v44 =	vperm.xlane v14, v3;
	v8 =	vmul.f32 v8, v7  }
0x138: {  	v12 =	vsel vm3, v13, v12;
	v13 =	vadd.f32 v37, v34;
	v9 =	vmul.f32 v9, v7;
	[tilespmem:s30+$0xFFFFFF00] =	vst v6  }
0x139: {  	v17 =	vadd.f32 v38, v17;
	v36 =	vperm.xlane v18, v4;
	v10 =	vmul.f32 v10, v7;
	[tilespmem:s30+$0xFFFFFF10] =	vst v8  }
0x13a: {  	v46 =	vadd.f32 v44, v14;
	v11 =	vmul.f32 v11, v7;
	v41 =	vperm.xlane v13, v4;
	[tilespmem:s30+$0xFFFFFF20] =	vst v9  }
0x13b: {  	v42 =	vperm.xlane v17, v4;
	v15 =	vmul.f32 v15, v7;
	v18 =	vadd.f32 v36, v18;
	[tilespmem:s30+$0xFFFFFF30] =	vst v10  }
0x13c: {  	v43 =	vmul.f32 v51, v7;
	v51 =	vperm.xlane v46, v4;
	v13 =	vadd.f32 v41, v13;
	[tilespmem:s30+$0xFFFFFF40] =	vst v11;
	v6 =	vpop (erf)  }
0x13d: {  	v17 =	vadd.f32 v42, v17;
	[tilespmem:s30+$0xFFFFFF50] =	vst v15;
	v12 =	vsel vm4, v12, v18;
	v14 =	vmul.f32 v6, v47  }
0x13e: {  	[tilespmem:s30+$0xFFFFFF60] =	vst v43;
	v8 =	vadd.f32 v51, v46;
	v50 =	vsel vm5, v12, v13;
	v54 =	vmul.f32 v6, v49  }
0x13f: {  	v58 =	vsel vm8, $0x3F800000, v0;
	v10 =	vsel vm6, v50, v17;
	v11 =	vmul.f32 v6, v52;
	[tilespmem:s30+$0xFFFFFF80] =	vst v14  }
0x140: {  	vm8 =	veq.s32 v19, $0x6;
	v56 =	vmul.f32 v6, v53;
	v8 =	vsel vm7, v10, v8;
	[tilespmem:s30+$0xFFFFFF90] =	vst v54  }
0x141: {  	v61 =	vsel vm8, $0x3F800000, v0;
	v57 =	vmul.f32 v6, v55;
	[tilespmem:s30+$0xFFFFFFA0] =	vst v11;
	v8 =	vmul.f32 $1.442695020e+00, v8  }
0x142: {  	vm8 =	veq.s32 v19, $0x7;
	v60 =	vmul.f32 v6, v58;
	v10 =	vperm.xlane v5, v59;
	[tilespmem:s30+$0xFFFFFFB0] =	vst v56  }
0x143: {  	v63 =	vsel vm8, $0x3F800000, v0;
	v48 =	vmul.f32 v45, v7;
	v62 =	vmul.f32 v6, v61;
	[tilespmem:s30+$0xFFFFFFC0] =	vst v57  }
0x144: {  	v13 =	vperm.xlane v5, v26;
	[tilespmem:s30+$0xFFFFFFD0] =	vst v60;
	v11 =	vmul.f32 v6, v63;
	vm8 =	veq.s32 v10, $0x0  }
0x145: {  	[tilespmem:s30+$0xFFFFFFE0] =	vst v62;
	v16 =	vsel vm8, $0x3F800000, v0;
	vm8 =	veq.s32 v10, $0x1;
	(erf) = vpow2.f32 v8;
	v8 =	vpop (erf)  }
0x146: {  	[tilespmem:s30+$0xFFFFFFF0] =	vst v11;
	v17 =	vsel vm8, $0x3F800000, v0;
	vm8 =	veq.s32 v10, $0x2;
	v18 =	vmul.f32 v8, v16  }
0x147: {  	[tilespmem:s30+$0xFFFFFF70] =	vst v48;
	v46 =	vld [tilespmem:s29+$0xFFFFFF80];
	v19 =	vsel vm8, $0x3F800000, v0;
	vm8 =	veq.s32 v10, $0x3;
	v20 =	vmul.f32 v8, v17  }
0x148: {  	v55 =	vld [tilespmem:s29+$0xFFFFFF90];
	v21 =	vsel vm8, $0x3F800000, v0;
	vm8 =	veq.s32 v10, $0x4;
	v22 =	vmul.f32 v8, v19;
	[tilespmem:s30+$0x0] =	vst v18  }
0x149: {  	v23 =	vmul.f32 v8, v21;
	v24 =	vsel vm8, $0x3F800000, v0;
	vm8 =	veq.s32 v10, $0x5;
	[tilespmem:s30+$0x10] =	vst v20  }
0x14a: {  	v50 =	vbroadcast v6, $0x0;
	v25 =	vmul.f32 v8, v24;
	[tilespmem:s30+$0x20] =	vst v22;
	v27 =	vsel vm8, $0x3F800000, v0  }
0x14b: {  	v59 =	vbroadcast v6, $0x1;
	v16 =	vld [tilespmem:s29+$0xFFFFFFA0];
	[tilespmem:s30+$0x30] =	vst v23;
	v5 =	vmul.f32 v8, v27  }
0x14c: {  	v44 =	vld [tilespmem:s29+$0xFFFFFF00];
	vm8 =	veq.s32 v10, $0x6;
	v11 =	vmul.f32 v46, v50;
	[tilespmem:s30+$0x40] =	vst v25  }
0x14d: {  	v28 =	vsel vm8, $0x3F800000, v0;
	vm8 =	veq.s32 v10, $0x7;
	v12 =	vmul.f32 v55, v59;
	[tilespmem:s30+$0x50] =	vst v5  }
0x14e: {  	v20 =	vbroadcast v6, $0x2;
	v9 =	vmul.f32 v8, v28;
	v10 =	vsel vm8, $0x3F800000, v0;
	[tilespmem:s29+$0xFFFFFF80] =	vst v11  }
0x14f: {  	v48 =	vbroadcast v7, $0x0;
	v10 =	vmul.f32 v8, v10;
	[tilespmem:s29+$0xFFFFFF90] =	vst v12  }
0x150: {  	vm8 =	veq.s32 v13, $0x0;
	v12 =	vmul.f32 v16, v20;
	[tilespmem:s30+$0x60] =	vst v9  }
0x151: {  	v53 =	vld [tilespmem:s29+$0xFFFFFF10];
	v29 =	vsel vm8, $0x3F800000, v0;
	vm8 =	veq.s32 v13, $0x1;
	v5 =	vpop (erf);
	[tilespmem:s30+$0x70] =	vst v10;
	v10 =	vmul.f32 v44, v48  }
0x152: {  	v31 =	vsel vm8, $0x3F800000, v0;
	vm8 =	veq.s32 v13, $0x2;
	[tilespmem:s29+$0xFFFFFFA0] =	vst v12;
	v30 =	vmul.f32 v5, v29  }
0x153: {  	v25 =	vld [tilespmem:s29+$0xFFFFFFB0];
	v33 =	vsel vm8, $0x3F800000, v0;
	vm8 =	veq.s32 v13, $0x3;
	v32 =	vmul.f32 v5, v31;
	[tilespmem:s29+$0xFFFFFF00] =	vst v10  }
0x154: {  	v57 =	vbroadcast v7, $0x1;
	v34 =	vmul.f32 v5, v33;
	v35 =	vsel vm8, $0x3F800000, v0;
	[tilespmem:s30+$0x80] =	vst v30  }
0x155: {  	v62 =	vld [tilespmem:s29+$0xFFFFFF20];
	vm8 =	veq.s32 v13, $0x4;
	v36 =	vmul.f32 v5, v35;
	[tilespmem:s30+$0x90] =	vst v32  }
0x156: {  	v29 =	vbroadcast v6, $0x3;
	v37 =	vsel vm8, $0x3F800000, v0;
	v10 =	vmul.f32 v53, v57;
	[tilespmem:s30+$0xA0] =	vst v34  }
0x157: {  	vm8 =	veq.s32 v13, $0x5;
	v38 =	vmul.f32 v5, v37;
	[tilespmem:s30+$0xB0] =	vst v36  }
0x158: {  	v18 =	vbroadcast v7, $0x2;
	v47 =	vld [tilespmem:s29+$0x0];
	v39 =	vsel vm8, $0x3F800000, v0;
	v12 =	vmul.f32 v25, v29;
	[tilespmem:s29+$0xFFFFFF10] =	vst v10  }
0x159: {  	v23 =	vld [tilespmem:s29+$0xFFFFFF30];
	vm8 =	veq.s32 v13, $0x6;
	v40 =	vmul.f32 v5, v39;
	[tilespmem:s30+$0xC0] =	vst v38  }
0x15a: {  	v56 =	vld [tilespmem:s29+$0x10];
	v41 =	vsel vm8, $0x3F800000, v0;
	vm8 =	veq.s32 v13, $0x7;
	v10 =	vmul.f32 v62, v18;
	[tilespmem:s29+$0xFFFFFFB0] =	vst v12  }
0x15b: {  	v51 =	vbroadcast v8, $0x0;
	v32 =	vld [tilespmem:s29+$0xFFFFFF40];
	v42 =	vmul.f32 v5, v41;
	v43 =	vsel vm8, $0x3F800000, v0;
	[tilespmem:s30+$0xD0] =	vst v40  }
0x15c: {  	v27 =	vbroadcast v7, $0x3;
	v34 =	vld [tilespmem:s29+$0xFFFFFFC0];
	v45 =	vmul.f32 v5, v43;
	[tilespmem:s29+$0xFFFFFF20] =	vst v10  }
0x15d: {  	v60 =	vbroadcast v8, $0x1;
	v17 =	vld [tilespmem:s29+$0x20];
	v9 =	vmul.f32 v47, v51;
	[tilespmem:s30+$0xE0] =	vst v42  }
0x15e: {  	v36 =	vbroadcast v7, $0x4;
	v41 =	vld [tilespmem:s29+$0xFFFFFF50];
	v10 =	vmul.f32 v23, v27;
	[tilespmem:s30+$0xF0] =	vst v45  }
0x15f: {  	v38 =	vbroadcast v6, $0x4;
	v43 =	vld [tilespmem:s29+$0xFFFFFFD0];
	[tilespmem:s29+$0x0] =	vst v9;
	v9 =	vmul.f32 v56, v60  }
0x160: {  	v21 =	vbroadcast v8, $0x2;
	v26 =	vld [tilespmem:s29+$0x30];
	[tilespmem:s29+$0xFFFFFF30] =	vst v10;
	v10 =	vmul.f32 v32, v36  }
0x161: {  	v12 =	vmul.f32 v34, v38;
	v45 =	vbroadcast v7, $0x5;
	v49 =	vld [tilespmem:s29+$0x80];
	[tilespmem:s29+$0x10] =	vst v9  }
0x162: {  	v47 =	vbroadcast v6, $0x5;
	v58 =	vld [tilespmem:s29+$0x90];
	v9 =	vmul.f32 v17, v21;
	[tilespmem:s29+$0xFFFFFF40] =	vst v10  }
0x163: {  	v30 =	vbroadcast v8, $0x3;
	v19 =	vld [tilespmem:s29+$0xA0];
	[tilespmem:s29+$0xFFFFFFC0] =	vst v12;
	v10 =	vmul.f32 v41, v45  }
0x164: {  	v52 =	vbroadcast v5, $0x0;
	v28 =	vld [tilespmem:s29+$0xB0];
	v12 =	vmul.f32 v43, v47;
	[tilespmem:s29+$0x20] =	vst v9  }
0x165: {  	v61 =	vbroadcast v5, $0x1;
	v35 =	vld [tilespmem:s29+$0x40];
	v9 =	vmul.f32 v26, v30;
	[tilespmem:s29+$0xFFFFFF50] =	vst v10  }
0x166: {  	v22 =	vbroadcast v5, $0x2;
	v37 =	vld [tilespmem:s29+$0xC0];
	[tilespmem:s29+$0xFFFFFFD0] =	vst v12;
	v54 =	vmul.f32 v49, v52  }
0x167: {  	v31 =	vbroadcast v5, $0x3;
	v44 =	vld [tilespmem:s29+$0x50];
	v63 =	vmul.f32 v58, v61;
	[tilespmem:s29+$0x30] =	vst v9  }
0x168: {  	v39 =	vbroadcast v8, $0x4;
	v46 =	vld [tilespmem:s29+$0xD0];
	v24 =	vmul.f32 v19, v22;
	[tilespmem:s29+$0x80] =	vst v54  }
0x169: {  	v40 =	vbroadcast v5, $0x4;
	v55 =	vld [tilespmem:s29+$0xE0];
	v33 =	vmul.f32 v28, v31;
	[tilespmem:s29+$0x90] =	vst v63  }
0x16a: {  	v50 =	vld [tilespmem:s29+$0xFFFFFF60];
	v48 =	vbroadcast v8, $0x5;
	v9 =	vmul.f32 v35, v39;
	[tilespmem:s29+$0xA0] =	vst v24  }
0x16b: {  	v53 =	vld [tilespmem:s29+$0x60];
	v42 =	vmul.f32 v37, v40;
	v49 =	vbroadcast v5, $0x5;
	[tilespmem:s29+$0xB0] =	vst v33  }
0x16c: {  	v59 =	vld [tilespmem:s29+$0xFFFFFF70];
	v58 =	vbroadcast v5, $0x6;
	[tilespmem:s29+$0x40] =	vst v9;
	v9 =	vmul.f32 v44, v48  }
0x16d: {  	v52 =	vld [tilespmem:s29+$0xFFFFFFE0];
	[tilespmem:s29+$0xC0] =	vst v42;
	v51 =	vmul.f32 v46, v49;
	v54 =	vbroadcast v7, $0x6  }
0x16e: {  	v57 =	vbroadcast v8, $0x6;
	v61 =	vld [tilespmem:s29+$0xFFFFFFF0];
	v60 =	vmul.f32 v55, v58;
	[tilespmem:s29+$0x50] =	vst v9  }
0x16f: {  	v62 =	vld [tilespmem:s29+$0x70];
	v7 =	vbroadcast v7, $0x7;
	[tilespmem:s29+$0xD0] =	vst v51;
	v10 =	vmul.f32 v50, v54  }
0x170: {  	v56 =	vbroadcast v6, $0x6;
	v63 =	vld [tilespmem:s29+$0xF0];
	v9 =	vmul.f32 v53, v57;
	[tilespmem:s29+$0xE0] =	vst v60  }
0x171: {  	v6 =	vbroadcast v6, $0x7;
	v7 =	vmul.f32 v59, v7;
	[tilespmem:s29+$0xFFFFFF60] =	vst v10  }
0x172: {  	p0 =	slt.u32 s0, $0x3C;
	v8 =	vbroadcast v8, $0x7;
	v12 =	vmul.f32 v52, v56;
	[tilespmem:s29+$0x60] =	vst v9  }
.Ltmp1:
0x173: {  	v5 =	vbroadcast v5, $0x7;
	v6 =	vmul.f32 v61, v6;
	[tilespmem:s29+$0xFFFFFF70] =	vst v7;
	(pc) =	sbr.rel @p0 .LBB2_5-.Ltmp1, $4  }
0x174: {  	v7 =	vmul.f32 v62, v8;
	[tilespmem:s29+$0xFFFFFFE0] =	vst v12  }
0x175: {  	[tilespmem:s29+$0xFFFFFFF0] =	vst v6;
	v5 =	vmul.f32 v63, v5  }
0x176: {  	s11 =	sadd.s32 $0x200, s11;
	s31 =	sadd.s32 $0x200, s31;
	[tilespmem:s29+$0x70] =	vst v7  }
0x177: {  	s4 =	smov.u32 s0;
	s30 =	sadd.s32 $0x200, s30;
	[tilespmem:s29+$0xF0] =	vst v5;
	s29 =	sadd.s32 $0x200, s29  }
0x178: {  	[spmem:s10] =	stream.indirect.scatter.add.f32 [tilespmem:s3], [sflag:$0x4], $0x80, s8, s13, $0xb8;
	[tilespmem:$0x1EA80] =	vst v63  }
0x179: {  	s28 =	sadd.s32 $0x1, s28;
	_ =	swait.ge [sflag:s7], $0x2000  }
0x17a: {  	p0 =	sne.s32 s28, $0x50;
	[sflag:s7] =	ssyncset.done $0x0  }
.Ltmp2:
0x17b: {  	[sflag:s7] =	ssyncadd.s32 $0xFFFFE000;
	(pc) =	sbr.rel @p0 .LBB2_4-.Ltmp2, $4  }
0x17c: {  	[spmem:s12] =	stream.indirect.scatter.add.f32 [tilespmem:s25], [sflag:$0x4], $0x80, s24, s13, $0xb8;
	[tilespmem:$0x1EA80] =	vst v63  }
0x17d: {  	_ =	swait.ge [sflag:s7], $0x2000  }
0x17e: {  	[sflag:s7] =	ssyncset.done $0x0  }
0x17f: {  	[sflag:s7] =	ssyncadd.s32 $0xFFFFE000  }
0x180: {  	[bflag:$0x0] =	sbarrier.arrive $0xFFFF  }
0x181: {  	s26 =	rddreg [dreg:$0x10]  }
0x182: {  	[tilespmem:s6], [sflag:$0x4] =	stream.linear.gather [spmem:s26], $0x2000, $0x38;
	[tilespmem:$0x1EA80] =	vst v63  }
0x183: {  	_ =	swait.ge [sflag:s7], $0x2000  }
0x184: {  	[sflag:s7] =	ssyncset.done $0x0  }
0x185: {  	s0 =	rddreg [dreg:$0x5];
	[sflag:s7] =	ssyncadd.s32 $0xFFFFE000  }
0x186: {  	[hbm4b:s0+s1] =	stream.linear.scatter [tilespmem:s6], [sflag:$0x4], $0x2000, $0x38;
	[tilespmem:$0x1EA80] =	vst v63  }
0x187: {  	_ =	swait.ge [sflag:s7], $0x2000  }
0x188: {  	[sflag:s7] =	ssyncset.done $0x0  }
0x189: {  	s28 =	rddreg [dreg:$0x11];
	[sflag:s7] =	ssyncadd.s32 $0xFFFFE000  }
0x18a: {  	[tilespmem:s6], [sflag:$0x4] =	stream.linear.gather [spmem:s28], $0x2000, $0x38;
	[tilespmem:$0x1EA80] =	vst v63  }
0x18b: {  	_ =	swait.ge [sflag:s7], $0x2000  }
0x18c: {  	[sflag:s7] =	ssyncset.done $0x0  }
0x18d: {  	s4 =	rddreg [dreg:$0x6];
	[sflag:s7] =	ssyncadd.s32 $0xFFFFE000  }
0x18e: {  	[hbm4b:s4+s1] =	stream.linear.scatter [tilespmem:s6], [sflag:$0x4], $0x2000, $0x38;
	[tilespmem:$0x1EA80] =	vst v63  }
0x18f: {  	_ =	swait.ge [sflag:s7], $0x2000  }
0x190: {  	[sflag:s7] =	ssyncset.done $0x0  }
0x191: {  	s29 =	rddreg [dreg:$0x12];
	[sflag:s7] =	ssyncadd.s32 $0xFFFFE000  }
0x192: {  	[tilespmem:s6], [sflag:$0x4] =	stream.linear.gather [spmem:s29], $0x2000, $0x38;
	[tilespmem:$0x1EA80] =	vst v63  }
0x193: {  	_ =	swait.ge [sflag:s7], $0x2000  }
0x194: {  	[sflag:s7] =	ssyncset.done $0x0  }
0x195: {  	s11 =	rddreg [dreg:$0x7];
	[sflag:s7] =	ssyncadd.s32 $0xFFFFE000  }
0x196: {  	[hbm4b:s11+s1] =	stream.linear.scatter [tilespmem:s6], [sflag:$0x4], $0x2000, $0x38;
	[tilespmem:$0x1EA80] =	vst v63  }
0x197: {  	_ =	swait.ge [sflag:s7], $0x2000  }
0x198: {  	[sflag:s7] =	ssyncset.done $0x0  }
0x199: {  	s11 =	rddreg [dreg:$0x13];
	[sflag:s7] =	ssyncadd.s32 $0xFFFFE000  }
0x19a: {  	[tilespmem:s6], [sflag:$0x4] =	stream.linear.gather [spmem:s11], $0x2000, $0x38;
	[tilespmem:$0x1EA80] =	vst v63  }
0x19b: {  	_ =	swait.ge [sflag:s7], $0x2000  }
0x19c: {  	[sflag:s7] =	ssyncset.done $0x0  }
0x19d: {  	s4 =	rddreg [dreg:$0x8];
	[sflag:s7] =	ssyncadd.s32 $0xFFFFE000  }
0x19e: {  	[hbm4b:s4+s1] =	stream.linear.scatter [tilespmem:s6], [sflag:$0x4], $0x2000, $0x38;
	[tilespmem:$0x1EA80] =	vst v63  }
0x19f: {  	_ =	swait.ge [sflag:s7], $0x2000  }
0x1a0: {  	[sflag:s7] =	ssyncset.done $0x0  }
0x1a1: {  	s30 =	rddreg [dreg:$0x14];
	[sflag:s7] =	ssyncadd.s32 $0xFFFFE000  }
0x1a2: {  	[tilespmem:s6], [sflag:$0x4] =	stream.linear.gather [spmem:s30], $0x2000, $0x38;
	[tilespmem:$0x1EA80] =	vst v63  }
0x1a3: {  	_ =	swait.ge [sflag:s7], $0x2000  }
0x1a4: {  	[sflag:s7] =	ssyncset.done $0x0  }
0x1a5: {  	s4 =	rddreg [dreg:$0x9];
	[sflag:s7] =	ssyncadd.s32 $0xFFFFE000  }
0x1a6: {  	[hbm4b:s4+s1] =	stream.linear.scatter [tilespmem:s6], [sflag:$0x4], $0x2000, $0x38;
	[tilespmem:$0x1EA80] =	vst v63  }
0x1a7: {  	_ =	swait.ge [sflag:s7], $0x2000  }
0x1a8: {  	[sflag:s7] =	ssyncset.done $0x0  }
0x1a9: {  	s31 =	rddreg [dreg:$0x15];
	[sflag:s7] =	ssyncadd.s32 $0xFFFFE000  }
0x1aa: {  	[tilespmem:s6], [sflag:$0x4] =	stream.linear.gather [spmem:s31], $0x2000, $0x38;
	[tilespmem:$0x1EA80] =	vst v63  }
0x1ab: {  	_ =	swait.ge [sflag:s7], $0x2000  }
0x1ac: {  	[sflag:s7] =	ssyncset.done $0x0  }
0x1ad: {  	s4 =	rddreg [dreg:$0xa];
	[sflag:s7] =	ssyncadd.s32 $0xFFFFE000  }
0x1ae: {  	[hbm4b:s4+s1] =	stream.linear.scatter [tilespmem:s6], [sflag:$0x4], $0x2000, $0x38;
	[tilespmem:$0x1EA80] =	vst v63  }
0x1af: {  	_ =	swait.ge [sflag:s7], $0x2000  }
0x1b0: {  	[sflag:s7] =	ssyncset.done $0x0  }
0x1b1: {  	s4 =	rddreg [dreg:$0x16];
	[sflag:s7] =	ssyncadd.s32 $0xFFFFE000  }
0x1b2: {  	[tilespmem:s6], [sflag:$0x4] =	stream.linear.gather [spmem:s4], $0x2000, $0x38;
	[tilespmem:$0x1EA80] =	vst v63  }
0x1b3: {  	_ =	swait.ge [sflag:s7], $0x2000  }
0x1b4: {  	[sflag:s7] =	ssyncset.done $0x0  }
0x1b5: {  	s4 =	rddreg [dreg:$0xb];
	[sflag:s7] =	ssyncadd.s32 $0xFFFFE000  }
0x1b6: {  	[hbm4b:s4+s1] =	stream.linear.scatter [tilespmem:s6], [sflag:$0x4], $0x2000, $0x38;
	[tilespmem:$0x1EA80] =	vst v63  }
0x1b7: {  	_ =	swait.ge [sflag:s7], $0x2000  }
0x1b8: {  	[sflag:s7] =	ssyncset.done $0x0  }
0x1b9: {  	s4 =	rddreg [dreg:$0x17];
	[sflag:s7] =	ssyncadd.s32 $0xFFFFE000  }
0x1ba: {  	[tilespmem:s6], [sflag:$0x4] =	stream.linear.gather [spmem:s4], $0x2000, $0x38;
	[tilespmem:$0x1EA80] =	vst v63  }
0x1bb: {  	_ =	swait.ge [sflag:s7], $0x2000  }
0x1bc: {  	[sflag:s7] =	ssyncset.done $0x0  }
0x1bd: {  	s4 =	rddreg [dreg:$0xc];
	[sflag:s7] =	ssyncadd.s32 $0xFFFFE000  }
0x1be: {  	[hbm4b:s4+s1] =	stream.linear.scatter [tilespmem:s6], [sflag:$0x4], $0x2000, $0x38;
	[tilespmem:$0x1EA80] =	vst v63  }
0x1bf: {  	_ =	swait.ge [sflag:s7], $0x2000  }
0x1c0: {  	[sflag:s7] =	ssyncset.done $0x0  }
0x1c1: {  	s4 =	rddreg [dreg:$0x18];
	[sflag:s7] =	ssyncadd.s32 $0xFFFFE000  }
0x1c2: {  	[tilespmem:s6], [sflag:$0x4] =	stream.linear.gather [spmem:s4], $0x2000, $0x38;
	[tilespmem:$0x1EA80] =	vst v63  }
0x1c3: {  	_ =	swait.ge [sflag:s7], $0x2000  }
0x1c4: {  	[sflag:s7] =	ssyncset.done $0x0  }
0x1c5: {  	s4 =	rddreg [dreg:$0xd];
	[sflag:s7] =	ssyncadd.s32 $0xFFFFE000  }
0x1c6: {  	[hbm4b:s4+s1] =	stream.linear.scatter [tilespmem:s6], [sflag:$0x4], $0x2000, $0x38;
	[tilespmem:$0x1EA80] =	vst v63  }
0x1c7: {  	_ =	swait.ge [sflag:s7], $0x2000  }
0x1c8: {  	[sflag:s7] =	ssyncset.done $0x0  }
0x1c9: {  	s4 =	rddreg [dreg:$0x19];
	[sflag:s7] =	ssyncadd.s32 $0xFFFFE000  }
0x1ca: {  	[tilespmem:s6], [sflag:$0x4] =	stream.linear.gather [spmem:s4], $0x2000, $0x38;
	[tilespmem:$0x1EA80] =	vst v63  }
0x1cb: {  	_ =	swait.ge [sflag:s7], $0x2000  }
0x1cc: {  	[sflag:s7] =	ssyncset.done $0x0  }
0x1cd: {  	s4 =	rddreg [dreg:$0xe];
	[sflag:s7] =	ssyncadd.s32 $0xFFFFE000  }
0x1ce: {  	[hbm4b:s4+s1] =	stream.linear.scatter [tilespmem:s6], [sflag:$0x4], $0x2000, $0x38;
	[tilespmem:$0x1EA80] =	vst v63  }
0x1cf: {  	_ =	swait.ge [sflag:s7], $0x2000  }
0x1d0: {  	[sflag:s7] =	ssyncset.done $0x0  }
0x1d1: {  	s4 =	rddreg [dreg:$0x1a];
	[sflag:s7] =	ssyncadd.s32 $0xFFFFE000  }
0x1d2: {  	[tilespmem:s6], [sflag:$0x4] =	stream.linear.gather [spmem:s4], $0x2000, $0x38;
	[tilespmem:$0x1EA80] =	vst v63  }
0x1d3: {  	_ =	swait.ge [sflag:s7], $0x2000  }
0x1d4: {  	[sflag:s7] =	ssyncset.done $0x0  }
0x1d5: {  	s4 =	rddreg [dreg:$0xf];
	[sflag:s7] =	ssyncadd.s32 $0xFFFFE000  }
0x1d6: {  	[hbm4b:s4+s1] =	stream.linear.scatter [tilespmem:s6], [sflag:$0x4], $0x2000, $0x38;
	[tilespmem:$0x1EA80] =	vst v63  }
0x1d7: {  	_ =	swait.ge [sflag:s7], $0x2000  }
0x1d8: {  	[sflag:s7] =	ssyncset.done $0x0  }
0x1d9: {  	s4 =	rddreg [dreg:$0x1c];
	[sflag:s7] =	ssyncadd.s32 $0xFFFFE000  }
0x1da: {  	[tilespmem:s6], [sflag:$0x4] =	stream.linear.gather [spmem:s4], $0x800, $0x38;
	[tilespmem:$0x1EA80] =	vst v63  }
0x1db: {  	_ =	swait.ge [sflag:s7], $0x800  }
0x1dc: {  	[sflag:s7] =	ssyncset.done $0x0  }
0x1dd: {  	s4 =	rddreg [dreg:$0x1d];
	[sflag:s7] =	ssyncadd.s32 $0xFFFFF800  }
0x1de: {  	[hbm4b:s4+s1] =	stream.linear.scatter [tilespmem:s6], [sflag:$0x4], $0x800, $0x38;
	[tilespmem:$0x1EA80] =	vst v63  }
0x1df: {  	_ =	swait.ge [sflag:s7], $0x800  }
0x1e0: {  	s4 =	rddreg [dreg:$0x1e]  }
0x1e1: {  	s0 =	rddreg [dreg:$0x1b];
	s4 =	sadd.s32 $0x1, s4  }
0x1e2: {  	p0 =	sne.s32 s4, s0  }
.Ltmp3:
0x1e3: {  	_ = 	snop;
	(pc) =	sbr.rel @p0 .LBB2_1-.Ltmp3, $3  }
0x1e4: {  	_ =	sdelay $0x1  }
0x1e5: {  	[sflag:s7] =	ssyncset.done $0x0  }
0x1e6: {  	[sflag:s7] =	ssyncadd.s32 $0xFFFFF800  }
0x1e7: {  	_ =	sfence.sel $0x180000  }
0x1e8: {  	[bflag:$0x0] =	sbarrier.arrive $0xFFFF  }
0x1e9: {  	_ =	strace $0x90000047  }
0x1ea: {  	s0 =	stileid.u32;
	[bflag:$0x2] =	sbarrier.arrive $0xFFFF  }
0x1eb: {  	p0 =	sne.s32 s0, $0x0;
	s0 =	rddreg [dreg:$0x4]  }
0x1ec: {  	s0 =	sadd.s32 @!p0 $0x100000, s0  }
0x1ed: {  	[sflag:s0] =	ssyncadd.tile.s32 @!p0 $0x1;
	_ =	shalt  }
.Lfunc_end2:
_tile_overlayer_lowered:
.L_overlay_start_2:
0x1ee: {  	(tag) =	ssettag $0x2  }
0x1ef: {  	s0 =	rddreg [dreg:$0x0];
	s2 =	stileid.u32  }
0x1f0: {  	s1 =	rddreg [dreg:$0x1];
	p0 =	sne.s32 s2, $0x0  }
0x1f1: {  	s3 =	rddreg [dreg:$0x2];
	[bflag:$0x3] =	sbarrier.arrive $0xFFFF;
	s2 =	simm.s32 @!p0 $0x1C04  }
0x1f2: {  	[timem:s3], [sflag:s2] =	dma.local @!p0 [hbm:s0], s1  }
0x1f3: {  	s0 =	simm.s32 @!p0 $0x4  }
0x1f4: {  	_ =	swait.ge @!p0 [sflag:s0], s1  }
0x1f5: {  	s1 =	ssub.s32 @!p0 $0x0, s1;
	[sflag:s0] =	ssyncset.done @!p0 $0x0  }
0x1f6: {  	[sflag:s0] =	ssyncadd.s32 @!p0 s1  }
0x1f7: {  	[bflag:$0x3] =	sbarrier.arrive $0xFFFF  }
0x1f8: {  	_ =	shalt  }

</sc_bundles>
